<compile_context>
chip_gen: v7x
topology: tpu7x:2x2x1
jax: 0.10.2.dev20260603
libtpu: 0.0.44.dev20260713+nightly
codegen_flags: <defaults>
</compile_context>

<pallas_src>
import dataclasses
import functools

import jax
import jax.numpy as jnp
from jax import lax
from jax.experimental import pallas as pl
from jax.experimental.pallas import tpu as pltpu
from jax.experimental.pallas import tpu_sc as plsc

EDGE_DIM = 16
EMB_DIM = 128
N_EDGES = 320000
N_CAND = 10000

NUM_CORES = 2
NUM_SUBCORES = 16
NUM_WORKERS = NUM_CORES * NUM_SUBCORES
BLK = 128
NBLK = N_EDGES // BLK
SLAB = 16
N_CAND_PAD = 10240
TAB_ROWS = N_CAND_PAD // BLK
HALF0 = 1248
NSLAB = HALF0 // SLAB
REM_BLKS = NBLK - 2 * HALF0
NBUF = 6


def _sc_segment_sum(idx_hbm, et_hbm):
    mesh = plsc.VectorSubcoreMesh(core_axis_name="c", subcore_axis_name="s")
    cp = pltpu.CompilerParams()
    if "needs_layout_passes" in pltpu.CompilerParams.__dataclass_fields__:
        cp = dataclasses.replace(cp, needs_layout_passes=False)

    @functools.partial(
        pl.kernel,
        compiler_params=cp,
        out_type=(
            jax.ShapeDtypeStruct((NUM_WORKERS, TAB_ROWS, BLK), jnp.float32),
            jax.ShapeDtypeStruct((NUM_WORKERS, TAB_ROWS, BLK), jnp.float32),
        ),
        mesh=mesh,
        scratch_types=(
            [pltpu.VMEM((SLAB * BLK,), jnp.int32) for _ in range(NBUF)]
            + [pltpu.VMEM((SLAB, BLK), jnp.float32) for _ in range(NBUF)]
            + [
                pltpu.VMEM((TAB_ROWS, BLK), jnp.float32),
                pltpu.VMEM((TAB_ROWS, BLK), jnp.float32),
            ]
            + [pltpu.SemaphoreType.DMA for _ in range(2 * NBUF)]
        ),
    )
    def k(idx_ref, et_ref, tab_ref, cnt_ref, *scratch):
        idx_bufs = scratch[:NBUF]
        val_bufs = scratch[NBUF:2 * NBUF]
        tab_v, cnt_v = scratch[2 * NBUF], scratch[2 * NBUF + 1]
        isems = scratch[2 * NBUF + 2:2 * NBUF + 2 + NBUF]
        vsems = scratch[2 * NBUF + 2 + NBUF:]
        c = lax.axis_index("c")
        s = lax.axis_index("s")
        wid = c * NUM_SUBCORES + s
        base = c * HALF0

        z16 = jnp.zeros((16,), jnp.float32)
        ones16 = jnp.full((16,), 1.0, jnp.float32)

        @pl.loop(0, TAB_ROWS)
        def _(r):
            @pl.loop(0, BLK, step=16)
            def _(l):
                tab_v[r, pl.ds(l, 16)] = z16
                cnt_v[r, pl.ds(l, 16)] = z16

        def process(idx_sl, val_sl, nblks):
            @pl.loop(0, nblks)
            def _(bb):
                for j in range(BLK // 16):
                    iv = idx_sl[pl.ds(bb * BLK + j * 16, 16)]
                    vals = val_sl[bb, pl.ds(j * 16, 16)]
                    r = lax.shift_right_logical(iv, 7)
                    lane = iv & 127
                    plsc.addupdate_scatter(tab_v, [r, lane], vals)

        def count_pass(idx_sl, nblks):
            @pl.loop(0, nblks)
            def _(bb):
                for j in range(BLK // 16):
                    iv = idx_sl[pl.ds(bb * BLK + j * 16, 16)]
                    r = lax.shift_right_logical(iv, 7)
                    lane = iv & 127
                    plsc.addupdate_scatter(cnt_v, [r, lane], ones16)

        def issue(t, idx_sl, val_sl, isem, vsem):
            b = base + t * SLAB
            pltpu.async_copy(idx_ref.at[pl.ds(b * BLK, SLAB * BLK)], idx_sl, isem)
            pltpu.async_copy(et_ref.at[s, pl.ds(b, SLAB)], val_sl, vsem)

        def wait(idx_sl, val_sl, isem, vsem):
            pltpu.make_async_copy(
                idx_ref.at[pl.ds(0, SLAB * BLK)], idx_sl, isem).wait()
            pltpu.make_async_copy(
                et_ref.at[s, pl.ds(0, SLAB)], val_sl, vsem).wait()

        for b in range(NBUF):
            issue(b, idx_bufs[b], val_bufs[b], isems[b], vsems[b])

        @pl.loop(0, NSLAB // NBUF)
        def _(u):
            t0 = u * NBUF
            for b in range(NBUF):
                wait(idx_bufs[b], val_bufs[b], isems[b], vsems[b])
                process(idx_bufs[b], val_bufs[b], SLAB)

                @pl.when(lax.rem(t0 + b, 16) == s)
                def _():
                    count_pass(idx_bufs[b], SLAB)

                @pl.when(t0 + b + NBUF < NSLAB)
                def _():
                    issue(t0 + b + NBUF, idx_bufs[b], val_bufs[b],
                          isems[b], vsems[b])

        @pl.when(c == 1)
        def _():
            b = 2 * HALF0
            pltpu.sync_copy(idx_ref.at[pl.ds(b * BLK, REM_BLKS * BLK)],
                            idx_bufs[0].at[pl.ds(0, REM_BLKS * BLK)])
            pltpu.sync_copy(et_ref.at[s, pl.ds(b, REM_BLKS)],
                            val_bufs[0].at[pl.ds(0, REM_BLKS)])
            process(idx_bufs[0], val_bufs[0], REM_BLKS)

            @pl.when(s == 14)
            def _():
                count_pass(idx_bufs[0], REM_BLKS)

        pltpu.sync_copy(tab_v, tab_ref.at[wid])
        pltpu.sync_copy(cnt_v, cnt_ref.at[wid])

    return k(idx_hbm, et_hbm)


def _tc_finish_body(tab_ref, cnt_ref, wvh_ref, bvh_ref, wt_ref, bt_ref, out_ref):
    wf = jnp.dot(
        wvh_ref[...], wt_ref[...],
        preferred_element_type=jnp.float32,
        precision=lax.Precision.HIGHEST,
    )
    bf = (
        jnp.dot(
            bvh_ref[...], wt_ref[...],
            preferred_element_type=jnp.float32,
            precision=lax.Precision.HIGHEST,
        )
        + bt_ref[...]
    )
    s16 = tab_ref[...]
    s16 = s16[:16] + s16[16:]
    cnt = jnp.sum(cnt_ref[...], axis=0)
    out_ref[...] = (
        lax.dot_general(
            s16, wf, (((0,), (0,)), ((), ())),
            preferred_element_type=jnp.float32,
            precision=lax.Precision.HIGHEST,
        )
        + cnt[:, None] * bf
    )


def kernel(edge_attr, edge_index, candidate_idxs, selected_voter_nodes,
           W_vh, b_vh, W_t, b_t):
    del selected_voter_nodes
    n_cand = candidate_idxs.shape[0]
    assert n_cand == N_CAND and edge_attr.shape == (N_EDGES, EDGE_DIM)

    src = edge_index[0].astype(jnp.int32)
    et_hbm = edge_attr.T.reshape(EDGE_DIM, NBLK, BLK)

    tab, cnt = _sc_segment_sum(src, et_hbm)
    tab2d = tab.reshape(NUM_WORKERS, N_CAND_PAD)
    cnt2d = cnt.reshape(NUM_WORKERS, N_CAND_PAD)

    out_pad = pl.pallas_call(
        _tc_finish_body,
        out_shape=jax.ShapeDtypeStruct((N_CAND_PAD, EMB_DIM), jnp.float32),
    )(tab2d, cnt2d, W_vh, b_vh.reshape(1, EMB_DIM), W_t, b_t.reshape(1, EMB_DIM))
    return out_pad[:N_CAND]

# --- scband reference (transcript-rebuilt; emitter-appended) ---
"""Pipeline reference for scband-deep-set-strategy-model-36438502539700 (READ-ONLY COPY).

The authoritative reference and input builder live on the scoring server;
editing this copy changes nothing except your own understanding.
"""

import jax, jax.numpy as jnp
import numpy as np

EDGE_DIM = 16
EMB_DIM = 128
NUM_LAYERS = 1
N_EDGES = 320000
N_CAND = 10000

def setup_inputs(seed: int = 0) -> dict:
    key = jax.random.key(seed)
    k1, k2, k3, k4, k5, k6, k7 = jax.random.split(key, 7)
    edge_attr = jax.random.normal(k1, (N_EDGES, EDGE_DIM), dtype=jnp.float32)
    edge_index = jax.random.randint(k2, (2, N_EDGES), 0, N_CAND, dtype=jnp.int64 if jax.config.jax_enable_x64 else jnp.int32)
    candidate_idxs = jnp.arange(N_CAND)
    selected_voter_nodes = jax.random.randint(k3, (5000,), 0, N_CAND)
    # learned params (torch nn.Linear: y = x @ W.T + b; here stored as [in, out])
    W_vh = jax.random.normal(k4, (EDGE_DIM, EMB_DIM), dtype=jnp.float32) * (1.0 / np.sqrt(EDGE_DIM))
    b_vh = jnp.zeros((EMB_DIM,), dtype=jnp.float32)
    W_t = jax.random.normal(k5, (EMB_DIM, EMB_DIM), dtype=jnp.float32) * (1.0 / np.sqrt(EMB_DIM))
    b_t = jnp.zeros((EMB_DIM,), dtype=jnp.float32)
    return {"edge_attr": edge_attr, "edge_index": edge_index, "candidate_idxs": candidate_idxs, "selected_voter_nodes": selected_voter_nodes, "W_vh": W_vh, "b_vh": b_vh, "W_t": W_t, "b_t": b_t}

def reference(edge_attr, edge_index, candidate_idxs, selected_voter_nodes, W_vh, b_vh, W_t, b_t):
    # vote_to_hidden
    h = edge_attr @ W_vh + b_vh
    src_idx = edge_index[0]
    n_cand = candidate_idxs.shape[0]
    sum_voter_scores = None
    for _ in range(NUM_LAYERS):
        # transform
        h = h @ W_t + b_t
        # scatter_add over dim 0: dst[src_idx[i], j] += h[i, j]
        sum_voter_scores = jnp.zeros((n_cand, EMB_DIM), dtype=jnp.float32).at[src_idx].add(h)
    return sum_voter_scores

if __name__ == "__main__":
    import jax
    _d = setup_inputs()
    print(jax.jit(kernel)(*tuple(_d.values())))

</pallas_src>

<mosaic_0001>
#map = affine_map<(d0, d1) -> (0)>
#map1 = affine_map<(d0, d1) -> (0, 0, 0)>
module attributes {stable_mosaic.version = 14 : i64} {
  func.func @k(%arg0: i32, %arg1: i32, %arg2: memref<320000xi32, #tpu.memory_space<hbm>>, %arg3: memref<16x2500x128xf32, #tpu.memory_space<hbm>>, %arg4: memref<32x80x128xf32, #tpu.memory_space<hbm>>, %arg5: memref<32x80x128xf32, #tpu.memory_space<hbm>>, %arg6: memref<2048xi32, #tpu.memory_space<vmem>>, %arg7: memref<2048xi32, #tpu.memory_space<vmem>>, %arg8: memref<2048xi32, #tpu.memory_space<vmem>>, %arg9: memref<2048xi32, #tpu.memory_space<vmem>>, %arg10: memref<2048xi32, #tpu.memory_space<vmem>>, %arg11: memref<2048xi32, #tpu.memory_space<vmem>>, %arg12: memref<16x128xf32, #tpu.memory_space<vmem>>, %arg13: memref<16x128xf32, #tpu.memory_space<vmem>>, %arg14: memref<16x128xf32, #tpu.memory_space<vmem>>, %arg15: memref<16x128xf32, #tpu.memory_space<vmem>>, %arg16: memref<16x128xf32, #tpu.memory_space<vmem>>, %arg17: memref<16x128xf32, #tpu.memory_space<vmem>>, %arg18: memref<80x128xf32, #tpu.memory_space<vmem>>, %arg19: memref<80x128xf32, #tpu.memory_space<vmem>>, %arg20: memref<!tpu.dma_semaphore, #tpu.memory_space<semaphore_mem>>, %arg21: memref<!tpu.dma_semaphore, #tpu.memory_space<semaphore_mem>>, %arg22: memref<!tpu.dma_semaphore, #tpu.memory_space<semaphore_mem>>, %arg23: memref<!tpu.dma_semaphore, #tpu.memory_space<semaphore_mem>>, %arg24: memref<!tpu.dma_semaphore, #tpu.memory_space<semaphore_mem>>, %arg25: memref<!tpu.dma_semaphore, #tpu.memory_space<semaphore_mem>>, %arg26: memref<!tpu.dma_semaphore, #tpu.memory_space<semaphore_mem>>, %arg27: memref<!tpu.dma_semaphore, #tpu.memory_space<semaphore_mem>>, %arg28: memref<!tpu.dma_semaphore, #tpu.memory_space<semaphore_mem>>, %arg29: memref<!tpu.dma_semaphore, #tpu.memory_space<semaphore_mem>>, %arg30: memref<!tpu.dma_semaphore, #tpu.memory_space<semaphore_mem>>, %arg31: memref<!tpu.dma_semaphore, #tpu.memory_space<semaphore_mem>>) attributes {dimension_semantics = [#tpu.dimension_semantics<core_parallel>, #tpu.dimension_semantics<subcore_parallel>], iteration_bounds = array<i64: 2, 16>, scalar_prefetch = 0 : i64, scratch_operands = 26 : i64, tpu.core_type = #tpu.core_type<sc_vector_subcore>, window_params = [{transform_indices = #map}, {transform_indices = #map1}, {transform_indices = #map1}, {transform_indices = #map1}]} {
    %mul3A = arith.constant 16 : i32
    %mul3A_0 = arith.muli %arg0, %mul3A : i32
    %add3A = arith.addi %mul3A_0, %arg1 : i32
    %mul3A_1 = arith.constant 1248 : i32
    %mul3A_2 = arith.muli %arg0, %mul3A_1 : i32
    %broadcast_in_dim3A = arith.constant 0.000000e+00 : f32
    %broadcast_in_dim3A_3 = vector.broadcast %broadcast_in_dim3A : f32 to vector<16xf32>
    %broadcast_in_dim3A_4 = arith.constant 1.000000e+00 : f32
    %broadcast_in_dim3A_5 = vector.broadcast %broadcast_in_dim3A_4 : f32 to vector<16xf32>
    %scan3A = arith.constant 0 : i32
    %scan3A_6 = arith.constant 80 : i32
    %scan3A_7 = arith.addi %scan3A, %scan3A_6 : i32
    %scan3A_8 = arith.constant 1 : i32
    scf.for %scan3A_88 = %scan3A to %scan3A_7 step %scan3A_8  : i32 {
      %mul3A_89 = arith.constant 1 : i32
      %mul3A_90 = arith.muli %scan3A_88, %mul3A_89 : i32
      %add3A_91 = arith.constant 0 : i32
      %add3A_92 = arith.addi %add3A_91, %mul3A_90 : i32
      %scan3A_93 = arith.constant 0 : i32
      %scan3A_94 = arith.constant 8 : i32
      %scan3A_95 = arith.addi %scan3A_93, %scan3A_94 : i32
      %scan3A_96 = arith.constant 1 : i32
      scf.for %scan3A_98 = %scan3A_93 to %scan3A_95 step %scan3A_96  : i32 {
        %mul3A_99 = arith.constant 16 : i32
        %mul3A_100 = arith.muli %scan3A_98, %mul3A_99 : i32
        %add3A_101 = arith.constant 0 : i32
        %add3A_102 = arith.addi %add3A_101, %mul3A_100 : i32
        %swap3A = arith.index_cast %add3A_92 : i32 to index
        %swap3A_103 = arith.index_cast %add3A_102 : i32 to index
        %swap3A_104 = tpu.vector_load %arg18[%swap3A, %swap3A_103] {strides = array<i32>} : memref<80x128xf32, #tpu.memory_space<vmem>>, vector<16xf32>,
        tpu.vector_store %arg18[%swap3A, %swap3A_103], %broadcast_in_dim3A_3 {strides = array<i32>} : memref<80x128xf32, #tpu.memory_space<vmem>>, vector<16xf32>,
        %swap3A_105 = arith.index_cast %add3A_92 : i32 to index
        %swap3A_106 = arith.index_cast %add3A_102 : i32 to index
        %swap3A_107 = tpu.vector_load %arg19[%swap3A_105, %swap3A_106] {strides = array<i32>} : memref<80x128xf32, #tpu.memory_space<vmem>>, vector<16xf32>,
        tpu.vector_store %arg19[%swap3A_105, %swap3A_106], %broadcast_in_dim3A_3 {strides = array<i32>} : memref<80x128xf32, #tpu.memory_space<vmem>>, vector<16xf32>,
      }
      %scan3A_97 = arith.constant 8 : i32
    }
    %scan3A_9 = arith.constant 80 : i32
    %add3A_10 = arith.constant 0 : i32
    %add3A_11 = arith.addi %mul3A_2, %add3A_10 : i32
    %mul3A_12 = arith.constant 128 : i32
    %mul3A_13 = arith.muli %add3A_11, %mul3A_12 : i32
    %dma_start3A = tpu.memref_slice %arg2[%mul3A_13] : memref<320000xi32, #tpu.memory_space<hbm>> -> memref<2048xi32, #tpu.memory_space<hbm>>
    %dma_start3A_14 = tpu.memref_slice %arg2[%mul3A_13] : memref<320000xi32, #tpu.memory_space<hbm>> -> memref<2048xi32, #tpu.memory_space<hbm>>
    tpu.enqueue_dma source(%dma_start3A_14 : memref<2048xi32, #tpu.memory_space<hbm>>) target(%arg6 : memref<2048xi32, #tpu.memory_space<vmem>>) target_semaphore(%arg20 : memref<!tpu.dma_semaphore, #tpu.memory_space<semaphore_mem>>)
    %dma_start3A_15 = arith.constant 0 : i32
    %dma_start3A_16 = tpu.memref_slice %arg3[%arg1, %add3A_11, %dma_start3A_15] : memref<16x2500x128xf32, #tpu.memory_space<hbm>> -> memref<1x16x128xf32, #tpu.memory_space<hbm>>
    %dma_start3A_17 = tpu.memref_squeeze %dma_start3A_16 : memref<1x16x128xf32, #tpu.memory_space<hbm>> -> memref<16x128xf32, #tpu.memory_space<hbm>>
    %dma_start3A_18 = arith.constant 0 : i32
    %dma_start3A_19 = tpu.memref_slice %arg3[%arg1, %add3A_11, %dma_start3A_18] : memref<16x2500x128xf32, #tpu.memory_space<hbm>> -> memref<1x16x128xf32, #tpu.memory_space<hbm>>
    %dma_start3A_20 = tpu.memref_squeeze %dma_start3A_19 : memref<1x16x128xf32, #tpu.memory_space<hbm>> -> memref<16x128xf32, #tpu.memory_space<hbm>>
    tpu.enqueue_dma source(%dma_start3A_20 : memref<16x128xf32, #tpu.memory_space<hbm>>) target(%arg12 : memref<16x128xf32, #tpu.memory_space<vmem>>) target_semaphore(%arg26 : memref<!tpu.dma_semaphore, #tpu.memory_space<semaphore_mem>>)
    %add3A_21 = arith.constant 16 : i32
    %add3A_22 = arith.addi %mul3A_2, %add3A_21 : i32
    %mul3A_23 = arith.constant 128 : i32
    %mul3A_24 = arith.muli %add3A_22, %mul3A_23 : i32
    %dma_start3A_25 = tpu.memref_slice %arg2[%mul3A_24] : memref<320000xi32, #tpu.memory_space<hbm>> -> memref<2048xi32, #tpu.memory_space<hbm>>
    %dma_start3A_26 = tpu.memref_slice %arg2[%mul3A_24] : memref<320000xi32, #tpu.memory_space<hbm>> -> memref<2048xi32, #tpu.memory_space<hbm>>
    tpu.enqueue_dma source(%dma_start3A_26 : memref<2048xi32, #tpu.memory_space<hbm>>) target(%arg7 : memref<2048xi32, #tpu.memory_space<vmem>>) target_semaphore(%arg21 : memref<!tpu.dma_semaphore, #tpu.memory_space<semaphore_mem>>)
    %dma_start3A_27 = arith.constant 0 : i32
    %dma_start3A_28 = tpu.memref_slice %arg3[%arg1, %add3A_22, %dma_start3A_27] : memref<16x2500x128xf32, #tpu.memory_space<hbm>> -> memref<1x16x128xf32, #tpu.memory_space<hbm>>
    %dma_start3A_29 = tpu.memref_squeeze %dma_start3A_28 : memref<1x16x128xf32, #tpu.memory_space<hbm>> -> memref<16x128xf32, #tpu.memory_space<hbm>>
    %dma_start3A_30 = arith.constant 0 : i32
    %dma_start3A_31 = tpu.memref_slice %arg3[%arg1, %add3A_22, %dma_start3A_30] : memref<16x2500x128xf32, #tpu.memory_space<hbm>> -> memref<1x16x128xf32, #tpu.memory_space<hbm>>
    %dma_start3A_32 = tpu.memref_squeeze %dma_start3A_31 : memref<1x16x128xf32, #tpu.memory_space<hbm>> -> memref<16x128xf32, #tpu.memory_space<hbm>>
    tpu.enqueue_dma source(%dma_start3A_32 : memref<16x128xf32, #tpu.memory_space<hbm>>) target(%arg13 : memref<16x128xf32, #tpu.memory_space<vmem>>) target_semaphore(%arg27 : memref<!tpu.dma_semaphore, #tpu.memory_space<semaphore_mem>>)
    %add3A_33 = arith.constant 32 : i32
    %add3A_34 = arith.addi %mul3A_2, %add3A_33 : i32
    %mul3A_35 = arith.constant 128 : i32
    %mul3A_36 = arith.muli %add3A_34, %mul3A_35 : i32
    %dma_start3A_37 = tpu.memref_slice %arg2[%mul3A_36] : memref<320000xi32, #tpu.memory_space<hbm>> -> memref<2048xi32, #tpu.memory_space<hbm>>
    %dma_start3A_38 = tpu.memref_slice %arg2[%mul3A_36] : memref<320000xi32, #tpu.memory_space<hbm>> -> memref<2048xi32, #tpu.memory_space<hbm>>
    tpu.enqueue_dma source(%dma_start3A_38 : memref<2048xi32, #tpu.memory_space<hbm>>) target(%arg8 : memref<2048xi32, #tpu.memory_space<vmem>>) target_semaphore(%arg22 : memref<!tpu.dma_semaphore, #tpu.memory_space<semaphore_mem>>)
    %dma_start3A_39 = arith.constant 0 : i32
    %dma_start3A_40 = tpu.memref_slice %arg3[%arg1, %add3A_34, %dma_start3A_39] : memref<16x2500x128xf32, #tpu.memory_space<hbm>> -> memref<1x16x128xf32, #tpu.memory_space<hbm>>
    %dma_start3A_41 = tpu.memref_squeeze %dma_start3A_40 : memref<1x16x128xf32, #tpu.memory_space<hbm>> -> memref<16x128xf32, #tpu.memory_space<hbm>>
    %dma_start3A_42 = arith.constant 0 : i32
    %dma_start3A_43 = tpu.memref_slice %arg3[%arg1, %add3A_34, %dma_start3A_42] : memref<16x2500x128xf32, #tpu.memory_space<hbm>> -> memref<1x16x128xf32, #tpu.memory_space<hbm>>
    %dma_start3A_44 = tpu.memref_squeeze %dma_start3A_43 : memref<1x16x128xf32, #tpu.memory_space<hbm>> -> memref<16x128xf32, #tpu.memory_space<hbm>>
    tpu.enqueue_dma source(%dma_start3A_44 : memref<16x128xf32, #tpu.memory_space<hbm>>) target(%arg14 : memref<16x128xf32, #tpu.memory_space<vmem>>) target_semaphore(%arg28 : memref<!tpu.dma_semaphore, #tpu.memory_space<semaphore_mem>>)
    %add3A_45 = arith.constant 48 : i32
    %add3A_46 = arith.addi %mul3A_2, %add3A_45 : i32
    %mul3A_47 = arith.constant 128 : i32
    %mul3A_48 = arith.muli %add3A_46, %mul3A_47 : i32
    %dma_start3A_49 = tpu.memref_slice %arg2[%mul3A_48] : memref<320000xi32, #tpu.memory_space<hbm>> -> memref<2048xi32, #tpu.memory_space<hbm>>
    %dma_start3A_50 = tpu.memref_slice %arg2[%mul3A_48] : memref<320000xi32, #tpu.memory_space<hbm>> -> memref<2048xi32, #tpu.memory_space<hbm>>
    tpu.enqueue_dma source(%dma_start3A_50 : memref<2048xi32, #tpu.memory_space<hbm>>) target(%arg9 : memref<2048xi32, #tpu.memory_space<vmem>>) target_semaphore(%arg23 : memref<!tpu.dma_semaphore, #tpu.memory_space<semaphore_mem>>)
    %dma_start3A_51 = arith.constant 0 : i32
    %dma_start3A_52 = tpu.memref_slice %arg3[%arg1, %add3A_46, %dma_start3A_51] : memref<16x2500x128xf32, #tpu.memory_space<hbm>> -> memref<1x16x128xf32, #tpu.memory_space<hbm>>
    %dma_start3A_53 = tpu.memref_squeeze %dma_start3A_52 : memref<1x16x128xf32, #tpu.memory_space<hbm>> -> memref<16x128xf32, #tpu.memory_space<hbm>>
    %dma_start3A_54 = arith.constant 0 : i32
    %dma_start3A_55 = tpu.memref_slice %arg3[%arg1, %add3A_46, %dma_start3A_54] : memref<16x2500x128xf32, #tpu.memory_space<hbm>> -> memref<1x16x128xf32, #tpu.memory_space<hbm>>
    %dma_start3A_56 = tpu.memref_squeeze %dma_start3A_55 : memref<1x16x128xf32, #tpu.memory_space<hbm>> -> memref<16x128xf32, #tpu.memory_space<hbm>>
    tpu.enqueue_dma source(%dma_start3A_56 : memref<16x128xf32, #tpu.memory_space<hbm>>) target(%arg15 : memref<16x128xf32, #tpu.memory_space<vmem>>) target_semaphore(%arg29 : memref<!tpu.dma_semaphore, #tpu.memory_space<semaphore_mem>>)
    %add3A_57 = arith.constant 64 : i32
    %add3A_58 = arith.addi %mul3A_2, %add3A_57 : i32
    %mul3A_59 = arith.constant 128 : i32
    %mul3A_60 = arith.muli %add3A_58, %mul3A_59 : i32
    %dma_start3A_61 = tpu.memref_slice %arg2[%mul3A_60] : memref<320000xi32, #tpu.memory_space<hbm>> -> memref<2048xi32, #tpu.memory_space<hbm>>
    %dma_start3A_62 = tpu.memref_slice %arg2[%mul3A_60] : memref<320000xi32, #tpu.memory_space<hbm>> -> memref<2048xi32, #tpu.memory_space<hbm>>
    tpu.enqueue_dma source(%dma_start3A_62 : memref<2048xi32, #tpu.memory_space<hbm>>) target(%arg10 : memref<2048xi32, #tpu.memory_space<vmem>>) target_semaphore(%arg24 : memref<!tpu.dma_semaphore, #tpu.memory_space<semaphore_mem>>)
    %dma_start3A_63 = arith.constant 0 : i32
    %dma_start3A_64 = tpu.memref_slice %arg3[%arg1, %add3A_58, %dma_start3A_63] : memref<16x2500x128xf32, #tpu.memory_space<hbm>> -> memref<1x16x128xf32, #tpu.memory_space<hbm>>
    %dma_start3A_65 = tpu.memref_squeeze %dma_start3A_64 : memref<1x16x128xf32, #tpu.memory_space<hbm>> -> memref<16x128xf32, #tpu.memory_space<hbm>>
    %dma_start3A_66 = arith.constant 0 : i32
    %dma_start3A_67 = tpu.memref_slice %arg3[%arg1, %add3A_58, %dma_start3A_66] : memref<16x2500x128xf32, #tpu.memory_space<hbm>> -> memref<1x16x128xf32, #tpu.memory_space<hbm>>
    %dma_start3A_68 = tpu.memref_squeeze %dma_start3A_67 : memref<1x16x128xf32, #tpu.memory_space<hbm>> -> memref<16x128xf32, #tpu.memory_space<hbm>>
    tpu.enqueue_dma source(%dma_start3A_68 : memref<16x128xf32, #tpu.memory_space<hbm>>) target(%arg16 : memref<16x128xf32, #tpu.memory_space<vmem>>) target_semaphore(%arg30 : memref<!tpu.dma_semaphore, #tpu.memory_space<semaphore_mem>>)
    %add3A_69 = arith.constant 80 : i32
    %add3A_70 = arith.addi %mul3A_2, %add3A_69 : i32
    %mul3A_71 = arith.constant 128 : i32
    %mul3A_72 = arith.muli %add3A_70, %mul3A_71 : i32
    %dma_start3A_73 = tpu.memref_slice %arg2[%mul3A_72] : memref<320000xi32, #tpu.memory_space<hbm>> -> memref<2048xi32, #tpu.memory_space<hbm>>
    %dma_start3A_74 = tpu.memref_slice %arg2[%mul3A_72] : memref<320000xi32, #tpu.memory_space<hbm>> -> memref<2048xi32, #tpu.memory_space<hbm>>
    tpu.enqueue_dma source(%dma_start3A_74 : memref<2048xi32, #tpu.memory_space<hbm>>) target(%arg11 : memref<2048xi32, #tpu.memory_space<vmem>>) target_semaphore(%arg25 : memref<!tpu.dma_semaphore, #tpu.memory_space<semaphore_mem>>)
    %dma_start3A_75 = arith.constant 0 : i32
    %dma_start3A_76 = tpu.memref_slice %arg3[%arg1, %add3A_70, %dma_start3A_75] : memref<16x2500x128xf32, #tpu.memory_space<hbm>> -> memref<1x16x128xf32, #tpu.memory_space<hbm>>
    %dma_start3A_77 = tpu.memref_squeeze %dma_start3A_76 : memref<1x16x128xf32, #tpu.memory_space<hbm>> -> memref<16x128xf32, #tpu.memory_space<hbm>>
    %dma_start3A_78 = arith.constant 0 : i32
    %dma_start3A_79 = tpu.memref_slice %arg3[%arg1, %add3A_70, %dma_start3A_78] : memref<16x2500x128xf32, #tpu.memory_space<hbm>> -> memref<1x16x128xf32, #tpu.memory_space<hbm>>
    %dma_start3A_80 = tpu.memref_squeeze %dma_start3A_79 : memref<1x16x128xf32, #tpu.memory_space<hbm>> -> memref<16x128xf32, #tpu.memory_space<hbm>>
    tpu.enqueue_dma source(%dma_start3A_80 : memref<16x128xf32, #tpu.memory_space<hbm>>) target(%arg17 : memref<16x128xf32, #tpu.memory_space<vmem>>) target_semaphore(%arg31 : memref<!tpu.dma_semaphore, #tpu.memory_space<semaphore_mem>>)
    %scan3A_81 = arith.constant 0 : i32
    %scan3A_82 = arith.constant 13 : i32
    %scan3A_83 = arith.addi %scan3A_81, %scan3A_82 : i32
    %scan3A_84 = arith.constant 1 : i32
    scf.for %scan3A_88 = %scan3A_81 to %scan3A_83 step %scan3A_84  : i32 {
      %mul3A_89 = arith.constant 1 : i32
      %mul3A_90 = arith.muli %scan3A_88, %mul3A_89 : i32
      %add3A_91 = arith.constant 0 : i32
      %add3A_92 = arith.addi %add3A_91, %mul3A_90 : i32
      %mul3A_93 = arith.constant 6 : i32
      %mul3A_94 = arith.muli %add3A_92, %mul3A_93 : i32
      %dma_wait3A = arith.constant 0 : i32
      %dma_wait3A_95 = tpu.memref_slice %arg2[%dma_wait3A] : memref<320000xi32, #tpu.memory_space<hbm>> -> memref<2048xi32, #tpu.memory_space<hbm>>
      %dma_wait3A_96 = arith.constant 0 : i32
      %dma_wait3A_97 = tpu.memref_slice %arg2[%dma_wait3A_96] : memref<320000xi32, #tpu.memory_space<hbm>> -> memref<2048xi32, #tpu.memory_space<hbm>>
      tpu.wait_dma2 semaphore(%arg20 : memref<!tpu.dma_semaphore, #tpu.memory_space<semaphore_mem>>) src(%dma_wait3A_97 : memref<2048xi32, #tpu.memory_space<hbm>>) dst(%arg6 : memref<2048xi32, #tpu.memory_space<vmem>>)
      %dma_wait3A_98 = arith.constant 0 : i32
      %dma_wait3A_99 = arith.constant 0 : i32
      %dma_wait3A_100 = tpu.memref_slice %arg3[%arg1, %dma_wait3A_98, %dma_wait3A_99] : memref<16x2500x128xf32, #tpu.memory_space<hbm>> -> memref<1x16x128xf32, #tpu.memory_space<hbm>>
      %dma_wait3A_101 = tpu.memref_squeeze %dma_wait3A_100 : memref<1x16x128xf32, #tpu.memory_space<hbm>> -> memref<16x128xf32, #tpu.memory_space<hbm>>
      %dma_wait3A_102 = arith.constant 0 : i32
      %dma_wait3A_103 = arith.constant 0 : i32
      %dma_wait3A_104 = tpu.memref_slice %arg3[%arg1, %dma_wait3A_102, %dma_wait3A_103] : memref<16x2500x128xf32, #tpu.memory_space<hbm>> -> memref<1x16x128xf32, #tpu.memory_space<hbm>>
      %dma_wait3A_105 = tpu.memref_squeeze %dma_wait3A_104 : memref<1x16x128xf32, #tpu.memory_space<hbm>> -> memref<16x128xf32, #tpu.memory_space<hbm>>
      tpu.wait_dma2 semaphore(%arg26 : memref<!tpu.dma_semaphore, #tpu.memory_space<semaphore_mem>>) src(%dma_wait3A_105 : memref<16x128xf32, #tpu.memory_space<hbm>>) dst(%arg12 : memref<16x128xf32, #tpu.memory_space<vmem>>)
      %scan3A_106 = arith.constant 0 : i32
      %scan3A_107 = arith.constant 16 : i32
      %scan3A_108 = arith.addi %scan3A_106, %scan3A_107 : i32
      %scan3A_109 = arith.constant 1 : i32
      scf.for %scan3A_296 = %scan3A_106 to %scan3A_108 step %scan3A_109  : i32 {
        %mul3A_297 = arith.constant 1 : i32
        %mul3A_298 = arith.muli %scan3A_296, %mul3A_297 : i32
        %add3A_299 = arith.constant 0 : i32
        %add3A_300 = arith.addi %add3A_299, %mul3A_298 : i32
        %mul3A_301 = arith.constant 128 : i32
        %mul3A_302 = arith.muli %add3A_300, %mul3A_301 : i32
        %add3A_303 = arith.constant 0 : i32
        %add3A_304 = arith.addi %mul3A_302, %add3A_303 : i32
        %get3A = arith.index_cast %add3A_304 : i32 to index
        %get3A_305 = tpu.vector_load %arg6[%get3A] {strides = array<i32>} : memref<2048xi32, #tpu.memory_space<vmem>>, vector<16xi32>,
        %get3A_306 = arith.index_cast %add3A_300 : i32 to index
        %get3A_307 = arith.constant 0 : index
        %get3A_308 = tpu.vector_load %arg12[%get3A_306, %get3A_307] {strides = array<i32>} : memref<16x128xf32, #tpu.memory_space<vmem>>, vector<16xf32>,
        %shift_right_logical3A = arith.constant 7 : i32
        %shift_right_logical3A_309 = vector.broadcast %shift_right_logical3A : i32 to vector<16xi32>
        %shift_right_logical3A_310 = arith.shrui %get3A_305, %shift_right_logical3A_309 : vector<16xi32>
        %and3A = arith.constant 127 : i32
        %and3A_311 = vector.broadcast %and3A : i32 to vector<16xi32>
        %and3A_312 = arith.andi %get3A_305, %and3A_311 : vector<16xi32>
        tpu.vector_store_idx %arg18[%shift_right_logical3A_310, %and3A_312], %get3A_308 {add = true} : memref<80x128xf32, #tpu.memory_space<vmem>>[vector<16xi32>, vector<16xi32>], vector<16xf32>,
        %mul3A_313 = arith.constant 128 : i32
        %mul3A_314 = arith.muli %add3A_300, %mul3A_313 : i32
        %add3A_315 = arith.constant 16 : i32
        %add3A_316 = arith.addi %mul3A_314, %add3A_315 : i32
        %get3A_317 = arith.index_cast %add3A_316 : i32 to index
        %get3A_318 = tpu.vector_load %arg6[%get3A_317] {strides = array<i32>} : memref<2048xi32, #tpu.memory_space<vmem>>, vector<16xi32>,
        %get3A_319 = arith.index_cast %add3A_300 : i32 to index
        %get3A_320 = arith.constant 16 : index
        %get3A_321 = tpu.vector_load %arg12[%get3A_319, %get3A_320] {strides = array<i32>} : memref<16x128xf32, #tpu.memory_space<vmem>>, vector<16xf32>,
        %shift_right_logical3A_322 = arith.constant 7 : i32
        %shift_right_logical3A_323 = vector.broadcast %shift_right_logical3A_322 : i32 to vector<16xi32>
        %shift_right_logical3A_324 = arith.shrui %get3A_318, %shift_right_logical3A_323 : vector<16xi32>
        %and3A_325 = arith.constant 127 : i32
        %and3A_326 = vector.broadcast %and3A_325 : i32 to vector<16xi32>
        %and3A_327 = arith.andi %get3A_318, %and3A_326 : vector<16xi32>
        tpu.vector_store_idx %arg18[%shift_right_logical3A_324, %and3A_327], %get3A_321 {add = true} : memref<80x128xf32, #tpu.memory_space<vmem>>[vector<16xi32>, vector<16xi32>], vector<16xf32>,
        %mul3A_328 = arith.constant 128 : i32
        %mul3A_329 = arith.muli %add3A_300, %mul3A_328 : i32
        %add3A_330 = arith.constant 32 : i32
        %add3A_331 = arith.addi %mul3A_329, %add3A_330 : i32
        %get3A_332 = arith.index_cast %add3A_331 : i32 to index
        %get3A_333 = tpu.vector_load %arg6[%get3A_332] {strides = array<i32>} : memref<2048xi32, #tpu.memory_space<vmem>>, vector<16xi32>,
        %get3A_334 = arith.index_cast %add3A_300 : i32 to index
        %get3A_335 = arith.constant 32 : index
        %get3A_336 = tpu.vector_load %arg12[%get3A_334, %get3A_335] {strides = array<i32>} : memref<16x128xf32, #tpu.memory_space<vmem>>, vector<16xf32>,
        %shift_right_logical3A_337 = arith.constant 7 : i32
        %shift_right_logical3A_338 = vector.broadcast %shift_right_logical3A_337 : i32 to vector<16xi32>
        %shift_right_logical3A_339 = arith.shrui %get3A_333, %shift_right_logical3A_338 : vector<16xi32>
        %and3A_340 = arith.constant 127 : i32
        %and3A_341 = vector.broadcast %and3A_340 : i32 to vector<16xi32>
        %and3A_342 = arith.andi %get3A_333, %and3A_341 : vector<16xi32>
        tpu.vector_store_idx %arg18[%shift_right_logical3A_339, %and3A_342], %get3A_336 {add = true} : memref<80x128xf32, #tpu.memory_space<vmem>>[vector<16xi32>, vector<16xi32>], vector<16xf32>,
        %mul3A_343 = arith.constant 128 : i32
        %mul3A_344 = arith.muli %add3A_300, %mul3A_343 : i32
        %add3A_345 = arith.constant 48 : i32
        %add3A_346 = arith.addi %mul3A_344, %add3A_345 : i32
        %get3A_347 = arith.index_cast %add3A_346 : i32 to index
        %get3A_348 = tpu.vector_load %arg6[%get3A_347] {strides = array<i32>} : memref<2048xi32, #tpu.memory_space<vmem>>, vector<16xi32>,
        %get3A_349 = arith.index_cast %add3A_300 : i32 to index
        %get3A_350 = arith.constant 48 : index
        %get3A_351 = tpu.vector_load %arg12[%get3A_349, %get3A_350] {strides = array<i32>} : memref<16x128xf32, #tpu.memory_space<vmem>>, vector<16xf32>,
        %shift_right_logical3A_352 = arith.constant 7 : i32
        %shift_right_logical3A_353 = vector.broadcast %shift_right_logical3A_352 : i32 to vector<16xi32>
        %shift_right_logical3A_354 = arith.shrui %get3A_348, %shift_right_logical3A_353 : vector<16xi32>
        %and3A_355 = arith.constant 127 : i32
        %and3A_356 = vector.broadcast %and3A_355 : i32 to vector<16xi32>
        %and3A_357 = arith.andi %get3A_348, %and3A_356 : vector<16xi32>
        tpu.vector_store_idx %arg18[%shift_right_logical3A_354, %and3A_357], %get3A_351 {add = true} : memref<80x128xf32, #tpu.memory_space<vmem>>[vector<16xi32>, vector<16xi32>], vector<16xf32>,
        %mul3A_358 = arith.constant 128 : i32
        %mul3A_359 = arith.muli %add3A_300, %mul3A_358 : i32
        %add3A_360 = arith.constant 64 : i32
        %add3A_361 = arith.addi %mul3A_359, %add3A_360 : i32
        %get3A_362 = arith.index_cast %add3A_361 : i32 to index
        %get3A_363 = tpu.vector_load %arg6[%get3A_362] {strides = array<i32>} : memref<2048xi32, #tpu.memory_space<vmem>>, vector<16xi32>,
        %get3A_364 = arith.index_cast %add3A_300 : i32 to index
        %get3A_365 = arith.constant 64 : index
        %get3A_366 = tpu.vector_load %arg12[%get3A_364, %get3A_365] {strides = array<i32>} : memref<16x128xf32, #tpu.memory_space<vmem>>, vector<16xf32>,
        %shift_right_logical3A_367 = arith.constant 7 : i32
        %shift_right_logical3A_368 = vector.broadcast %shift_right_logical3A_367 : i32 to vector<16xi32>
        %shift_right_logical3A_369 = arith.shrui %get3A_363, %shift_right_logical3A_368 : vector<16xi32>
        %and3A_370 = arith.constant 127 : i32
        %and3A_371 = vector.broadcast %and3A_370 : i32 to vector<16xi32>
        %and3A_372 = arith.andi %get3A_363, %and3A_371 : vector<16xi32>
        tpu.vector_store_idx %arg18[%shift_right_logical3A_369, %and3A_372], %get3A_366 {add = true} : memref<80x128xf32, #tpu.memory_space<vmem>>[vector<16xi32>, vector<16xi32>], vector<16xf32>,
        %mul3A_373 = arith.constant 128 : i32
        %mul3A_374 = arith.muli %add3A_300, %mul3A_373 : i32
        %add3A_375 = arith.constant 80 : i32
        %add3A_376 = arith.addi %mul3A_374, %add3A_375 : i32
        %get3A_377 = arith.index_cast %add3A_376 : i32 to index
        %get3A_378 = tpu.vector_load %arg6[%get3A_377] {strides = array<i32>} : memref<2048xi32, #tpu.memory_space<vmem>>, vector<16xi32>,
        %get3A_379 = arith.index_cast %add3A_300 : i32 to index
        %get3A_380 = arith.constant 80 : index
        %get3A_381 = tpu.vector_load %arg12[%get3A_379, %get3A_380] {strides = array<i32>} : memref<16x128xf32, #tpu.memory_space<vmem>>, vector<16xf32>,
        %shift_right_logical3A_382 = arith.constant 7 : i32
        %shift_right_logical3A_383 = vector.broadcast %shift_right_logical3A_382 : i32 to vector<16xi32>
        %shift_right_logical3A_384 = arith.shrui %get3A_378, %shift_right_logical3A_383 : vector<16xi32>
        %and3A_385 = arith.constant 127 : i32
        %and3A_386 = vector.broadcast %and3A_385 : i32 to vector<16xi32>
        %and3A_387 = arith.andi %get3A_378, %and3A_386 : vector<16xi32>
        tpu.vector_store_idx %arg18[%shift_right_logical3A_384, %and3A_387], %get3A_381 {add = true} : memref<80x128xf32, #tpu.memory_space<vmem>>[vector<16xi32>, vector<16xi32>], vector<16xf32>,
        %mul3A_388 = arith.constant 128 : i32
        %mul3A_389 = arith.muli %add3A_300, %mul3A_388 : i32
        %add3A_390 = arith.constant 96 : i32
        %add3A_391 = arith.addi %mul3A_389, %add3A_390 : i32
        %get3A_392 = arith.index_cast %add3A_391 : i32 to index
        %get3A_393 = tpu.vector_load %arg6[%get3A_392] {strides = array<i32>} : memref<2048xi32, #tpu.memory_space<vmem>>, vector<16xi32>,
        %get3A_394 = arith.index_cast %add3A_300 : i32 to index
        %get3A_395 = arith.constant 96 : index
        %get3A_396 = tpu.vector_load %arg12[%get3A_394, %get3A_395] {strides = array<i32>} : memref<16x128xf32, #tpu.memory_space<vmem>>, vector<16xf32>,
        %shift_right_logical3A_397 = arith.constant 7 : i32
        %shift_right_logical3A_398 = vector.broadcast %shift_right_logical3A_397 : i32 to vector<16xi32>
        %shift_right_logical3A_399 = arith.shrui %get3A_393, %shift_right_logical3A_398 : vector<16xi32>
        %and3A_400 = arith.constant 127 : i32
        %and3A_401 = vector.broadcast %and3A_400 : i32 to vector<16xi32>
        %and3A_402 = arith.andi %get3A_393, %and3A_401 : vector<16xi32>
        tpu.vector_store_idx %arg18[%shift_right_logical3A_399, %and3A_402], %get3A_396 {add = true} : memref<80x128xf32, #tpu.memory_space<vmem>>[vector<16xi32>, vector<16xi32>], vector<16xf32>,
        %mul3A_403 = arith.constant 128 : i32
        %mul3A_404 = arith.muli %add3A_300, %mul3A_403 : i32
        %add3A_405 = arith.constant 112 : i32
        %add3A_406 = arith.addi %mul3A_404, %add3A_405 : i32
        %get3A_407 = arith.index_cast %add3A_406 : i32 to index
        %get3A_408 = tpu.vector_load %arg6[%get3A_407] {strides = array<i32>} : memref<2048xi32, #tpu.memory_space<vmem>>, vector<16xi32>,
        %get3A_409 = arith.index_cast %add3A_300 : i32 to index
        %get3A_410 = arith.constant 112 : index
        %get3A_411 = tpu.vector_load %arg12[%get3A_409, %get3A_410] {strides = array<i32>} : memref<16x128xf32, #tpu.memory_space<vmem>>, vector<16xf32>,
        %shift_right_logical3A_412 = arith.constant 7 : i32
        %shift_right_logical3A_413 = vector.broadcast %shift_right_logical3A_412 : i32 to vector<16xi32>
        %shift_right_logical3A_414 = arith.shrui %get3A_408, %shift_right_logical3A_413 : vector<16xi32>
        %and3A_415 = arith.constant 127 : i32
        %and3A_416 = vector.broadcast %and3A_415 : i32 to vector<16xi32>
        %and3A_417 = arith.andi %get3A_408, %and3A_416 : vector<16xi32>
        tpu.vector_store_idx %arg18[%shift_right_logical3A_414, %and3A_417], %get3A_411 {add = true} : memref<80x128xf32, #tpu.memory_space<vmem>>[vector<16xi32>, vector<16xi32>], vector<16xf32>,
      }
      %scan3A_110 = arith.constant 16 : i32
      %add3A_111 = arith.constant 0 : i32
      %add3A_112 = arith.addi %mul3A_94, %add3A_111 : i32
      %rem3A = arith.constant 16 : i32
      %rem3A_113 = arith.remsi %add3A_112, %rem3A : i32
      %eq3A_114 = arith.cmpi eq, %rem3A_113, %arg1 : i32
      %convert_element_type3A_115 = arith.extui %eq3A_114 : i1 to i32
      %cond3A_116 = arith.constant 0 : i32
      %cond3A_117 = arith.cmpi ne, %convert_element_type3A_115, %cond3A_116 : i32
      scf.if %cond3A_117 {
        %scan3A_296 = arith.constant 0 : i32
        %scan3A_297 = arith.constant 16 : i32
        %scan3A_298 = arith.addi %scan3A_296, %scan3A_297 : i32
        %scan3A_299 = arith.constant 1 : i32
        scf.for %scan3A_301 = %scan3A_296 to %scan3A_298 step %scan3A_299  : i32 {
          %mul3A_302 = arith.constant 1 : i32
          %mul3A_303 = arith.muli %scan3A_301, %mul3A_302 : i32
          %add3A_304 = arith.constant 0 : i32
          %add3A_305 = arith.addi %add3A_304, %mul3A_303 : i32
          %mul3A_306 = arith.constant 128 : i32
          %mul3A_307 = arith.muli %add3A_305, %mul3A_306 : i32
          %add3A_308 = arith.constant 0 : i32
          %add3A_309 = arith.addi %mul3A_307, %add3A_308 : i32
          %get3A = arith.index_cast %add3A_309 : i32 to index
          %get3A_310 = tpu.vector_load %arg6[%get3A] {strides = array<i32>} : memref<2048xi32, #tpu.memory_space<vmem>>, vector<16xi32>,
          %shift_right_logical3A = arith.constant 7 : i32
          %shift_right_logical3A_311 = vector.broadcast %shift_right_logical3A : i32 to vector<16xi32>
          %shift_right_logical3A_312 = arith.shrui %get3A_310, %shift_right_logical3A_311 : vector<16xi32>
          %and3A = arith.constant 127 : i32
          %and3A_313 = vector.broadcast %and3A : i32 to vector<16xi32>
          %and3A_314 = arith.andi %get3A_310, %and3A_313 : vector<16xi32>
          tpu.vector_store_idx %arg19[%shift_right_logical3A_312, %and3A_314], %broadcast_in_dim3A_5 {add = true} : memref<80x128xf32, #tpu.memory_space<vmem>>[vector<16xi32>, vector<16xi32>], vector<16xf32>,
          %mul3A_315 = arith.constant 128 : i32
          %mul3A_316 = arith.muli %add3A_305, %mul3A_315 : i32
          %add3A_317 = arith.constant 16 : i32
          %add3A_318 = arith.addi %mul3A_316, %add3A_317 : i32
          %get3A_319 = arith.index_cast %add3A_318 : i32 to index
          %get3A_320 = tpu.vector_load %arg6[%get3A_319] {strides = array<i32>} : memref<2048xi32, #tpu.memory_space<vmem>>, vector<16xi32>,
          %shift_right_logical3A_321 = arith.constant 7 : i32
          %shift_right_logical3A_322 = vector.broadcast %shift_right_logical3A_321 : i32 to vector<16xi32>
          %shift_right_logical3A_323 = arith.shrui %get3A_320, %shift_right_logical3A_322 : vector<16xi32>
          %and3A_324 = arith.constant 127 : i32
          %and3A_325 = vector.broadcast %and3A_324 : i32 to vector<16xi32>
          %and3A_326 = arith.andi %get3A_320, %and3A_325 : vector<16xi32>
          tpu.vector_store_idx %arg19[%shift_right_logical3A_323, %and3A_326], %broadcast_in_dim3A_5 {add = true} : memref<80x128xf32, #tpu.memory_space<vmem>>[vector<16xi32>, vector<16xi32>], vector<16xf32>,
          %mul3A_327 = arith.constant 128 : i32
          %mul3A_328 = arith.muli %add3A_305, %mul3A_327 : i32
          %add3A_329 = arith.constant 32 : i32
          %add3A_330 = arith.addi %mul3A_328, %add3A_329 : i32
          %get3A_331 = arith.index_cast %add3A_330 : i32 to index
          %get3A_332 = tpu.vector_load %arg6[%get3A_331] {strides = array<i32>} : memref<2048xi32, #tpu.memory_space<vmem>>, vector<16xi32>,
          %shift_right_logical3A_333 = arith.constant 7 : i32
          %shift_right_logical3A_334 = vector.broadcast %shift_right_logical3A_333 : i32 to vector<16xi32>
          %shift_right_logical3A_335 = arith.shrui %get3A_332, %shift_right_logical3A_334 : vector<16xi32>
          %and3A_336 = arith.constant 127 : i32
          %and3A_337 = vector.broadcast %and3A_336 : i32 to vector<16xi32>
          %and3A_338 = arith.andi %get3A_332, %and3A_337 : vector<16xi32>
          tpu.vector_store_idx %arg19[%shift_right_logical3A_335, %and3A_338], %broadcast_in_dim3A_5 {add = true} : memref<80x128xf32, #tpu.memory_space<vmem>>[vector<16xi32>, vector<16xi32>], vector<16xf32>,
          %mul3A_339 = arith.constant 128 : i32
          %mul3A_340 = arith.muli %add3A_305, %mul3A_339 : i32
          %add3A_341 = arith.constant 48 : i32
          %add3A_342 = arith.addi %mul3A_340, %add3A_341 : i32
          %get3A_343 = arith.index_cast %add3A_342 : i32 to index
          %get3A_344 = tpu.vector_load %arg6[%get3A_343] {strides = array<i32>} : memref<2048xi32, #tpu.memory_space<vmem>>, vector<16xi32>,
          %shift_right_logical3A_345 = arith.constant 7 : i32
          %shift_right_logical3A_346 = vector.broadcast %shift_right_logical3A_345 : i32 to vector<16xi32>
          %shift_right_logical3A_347 = arith.shrui %get3A_344, %shift_right_logical3A_346 : vector<16xi32>
          %and3A_348 = arith.constant 127 : i32
          %and3A_349 = vector.broadcast %and3A_348 : i32 to vector<16xi32>
          %and3A_350 = arith.andi %get3A_344, %and3A_349 : vector<16xi32>
          tpu.vector_store_idx %arg19[%shift_right_logical3A_347, %and3A_350], %broadcast_in_dim3A_5 {add = true} : memref<80x128xf32, #tpu.memory_space<vmem>>[vector<16xi32>, vector<16xi32>], vector<16xf32>,
          %mul3A_351 = arith.constant 128 : i32
          %mul3A_352 = arith.muli %add3A_305, %mul3A_351 : i32
          %add3A_353 = arith.constant 64 : i32
          %add3A_354 = arith.addi %mul3A_352, %add3A_353 : i32
          %get3A_355 = arith.index_cast %add3A_354 : i32 to index
          %get3A_356 = tpu.vector_load %arg6[%get3A_355] {strides = array<i32>} : memref<2048xi32, #tpu.memory_space<vmem>>, vector<16xi32>,
          %shift_right_logical3A_357 = arith.constant 7 : i32
          %shift_right_logical3A_358 = vector.broadcast %shift_right_logical3A_357 : i32 to vector<16xi32>
          %shift_right_logical3A_359 = arith.shrui %get3A_356, %shift_right_logical3A_358 : vector<16xi32>
          %and3A_360 = arith.constant 127 : i32
          %and3A_361 = vector.broadcast %and3A_360 : i32 to vector<16xi32>
          %and3A_362 = arith.andi %get3A_356, %and3A_361 : vector<16xi32>
          tpu.vector_store_idx %arg19[%shift_right_logical3A_359, %and3A_362], %broadcast_in_dim3A_5 {add = true} : memref<80x128xf32, #tpu.memory_space<vmem>>[vector<16xi32>, vector<16xi32>], vector<16xf32>,
          %mul3A_363 = arith.constant 128 : i32
          %mul3A_364 = arith.muli %add3A_305, %mul3A_363 : i32
          %add3A_365 = arith.constant 80 : i32
          %add3A_366 = arith.addi %mul3A_364, %add3A_365 : i32
          %get3A_367 = arith.index_cast %add3A_366 : i32 to index
          %get3A_368 = tpu.vector_load %arg6[%get3A_367] {strides = array<i32>} : memref<2048xi32, #tpu.memory_space<vmem>>, vector<16xi32>,
          %shift_right_logical3A_369 = arith.constant 7 : i32
          %shift_right_logical3A_370 = vector.broadcast %shift_right_logical3A_369 : i32 to vector<16xi32>
          %shift_right_logical3A_371 = arith.shrui %get3A_368, %shift_right_logical3A_370 : vector<16xi32>
          %and3A_372 = arith.constant 127 : i32
          %and3A_373 = vector.broadcast %and3A_372 : i32 to vector<16xi32>
          %and3A_374 = arith.andi %get3A_368, %and3A_373 : vector<16xi32>
          tpu.vector_store_idx %arg19[%shift_right_logical3A_371, %and3A_374], %broadcast_in_dim3A_5 {add = true} : memref<80x128xf32, #tpu.memory_space<vmem>>[vector<16xi32>, vector<16xi32>], vector<16xf32>,
          %mul3A_375 = arith.constant 128 : i32
          %mul3A_376 = arith.muli %add3A_305, %mul3A_375 : i32
          %add3A_377 = arith.constant 96 : i32
          %add3A_378 = arith.addi %mul3A_376, %add3A_377 : i32
          %get3A_379 = arith.index_cast %add3A_378 : i32 to index
          %get3A_380 = tpu.vector_load %arg6[%get3A_379] {strides = array<i32>} : memref<2048xi32, #tpu.memory_space<vmem>>, vector<16xi32>,
          %shift_right_logical3A_381 = arith.constant 7 : i32
          %shift_right_logical3A_382 = vector.broadcast %shift_right_logical3A_381 : i32 to vector<16xi32>
          %shift_right_logical3A_383 = arith.shrui %get3A_380, %shift_right_logical3A_382 : vector<16xi32>
          %and3A_384 = arith.constant 127 : i32
          %and3A_385 = vector.broadcast %and3A_384 : i32 to vector<16xi32>
          %and3A_386 = arith.andi %get3A_380, %and3A_385 : vector<16xi32>
          tpu.vector_store_idx %arg19[%shift_right_logical3A_383, %and3A_386], %broadcast_in_dim3A_5 {add = true} : memref<80x128xf32, #tpu.memory_space<vmem>>[vector<16xi32>, vector<16xi32>], vector<16xf32>,
          %mul3A_387 = arith.constant 128 : i32
          %mul3A_388 = arith.muli %add3A_305, %mul3A_387 : i32
          %add3A_389 = arith.constant 112 : i32
          %add3A_390 = arith.addi %mul3A_388, %add3A_389 : i32
          %get3A_391 = arith.index_cast %add3A_390 : i32 to index
          %get3A_392 = tpu.vector_load %arg6[%get3A_391] {strides = array<i32>} : memref<2048xi32, #tpu.memory_space<vmem>>, vector<16xi32>,
          %shift_right_logical3A_393 = arith.constant 7 : i32
          %shift_right_logical3A_394 = vector.broadcast %shift_right_logical3A_393 : i32 to vector<16xi32>
          %shift_right_logical3A_395 = arith.shrui %get3A_392, %shift_right_logical3A_394 : vector<16xi32>
          %and3A_396 = arith.constant 127 : i32
          %and3A_397 = vector.broadcast %and3A_396 : i32 to vector<16xi32>
          %and3A_398 = arith.andi %get3A_392, %and3A_397 : vector<16xi32>
          tpu.vector_store_idx %arg19[%shift_right_logical3A_395, %and3A_398], %broadcast_in_dim3A_5 {add = true} : memref<80x128xf32, #tpu.memory_space<vmem>>[vector<16xi32>, vector<16xi32>], vector<16xf32>,
        }
        %scan3A_300 = arith.constant 16 : i32
      } else {
      }
      %add3A_118 = arith.constant 0 : i32
      %add3A_119 = arith.addi %mul3A_94, %add3A_118 : i32
      %add3A_120 = arith.constant 6 : i32
      %add3A_121 = arith.addi %add3A_119, %add3A_120 : i32
      %lt3A = arith.constant 78 : i32
      %lt3A_122 = arith.cmpi slt, %add3A_121, %lt3A : i32
      %convert_element_type3A_123 = arith.extui %lt3A_122 : i1 to i32
      %cond3A_124 = arith.constant 0 : i32
      %cond3A_125 = arith.cmpi ne, %convert_element_type3A_123, %cond3A_124 : i32
      scf.if %cond3A_125 {
        %add3A_296 = arith.constant 0 : i32
        %add3A_297 = arith.addi %mul3A_94, %add3A_296 : i32
        %add3A_298 = arith.constant 6 : i32
        %add3A_299 = arith.addi %add3A_297, %add3A_298 : i32
        %mul3A_300 = arith.constant 16 : i32
        %mul3A_301 = arith.muli %add3A_299, %mul3A_300 : i32
        %add3A_302 = arith.addi %mul3A_2, %mul3A_301 : i32
        %mul3A_303 = arith.constant 128 : i32
        %mul3A_304 = arith.muli %add3A_302, %mul3A_303 : i32
        %dma_start3A_305 = tpu.memref_slice %arg2[%mul3A_304] : memref<320000xi32, #tpu.memory_space<hbm>> -> memref<2048xi32, #tpu.memory_space<hbm>>
        %dma_start3A_306 = tpu.memref_slice %arg2[%mul3A_304] : memref<320000xi32, #tpu.memory_space<hbm>> -> memref<2048xi32, #tpu.memory_space<hbm>>
        tpu.enqueue_dma source(%dma_start3A_306 : memref<2048xi32, #tpu.memory_space<hbm>>) target(%arg6 : memref<2048xi32, #tpu.memory_space<vmem>>) target_semaphore(%arg20 : memref<!tpu.dma_semaphore, #tpu.memory_space<semaphore_mem>>)
        %dma_start3A_307 = arith.constant 0 : i32
        %dma_start3A_308 = tpu.memref_slice %arg3[%arg1, %add3A_302, %dma_start3A_307] : memref<16x2500x128xf32, #tpu.memory_space<hbm>> -> memref<1x16x128xf32, #tpu.memory_space<hbm>>
        %dma_start3A_309 = tpu.memref_squeeze %dma_start3A_308 : memref<1x16x128xf32, #tpu.memory_space<hbm>> -> memref<16x128xf32, #tpu.memory_space<hbm>>
        %dma_start3A_310 = arith.constant 0 : i32
        %dma_start3A_311 = tpu.memref_slice %arg3[%arg1, %add3A_302, %dma_start3A_310] : memref<16x2500x128xf32, #tpu.memory_space<hbm>> -> memref<1x16x128xf32, #tpu.memory_space<hbm>>
        %dma_start3A_312 = tpu.memref_squeeze %dma_start3A_311 : memref<1x16x128xf32, #tpu.memory_space<hbm>> -> memref<16x128xf32, #tpu.memory_space<hbm>>
        tpu.enqueue_dma source(%dma_start3A_312 : memref<16x128xf32, #tpu.memory_space<hbm>>) target(%arg12 : memref<16x128xf32, #tpu.memory_space<vmem>>) target_semaphore(%arg26 : memref<!tpu.dma_semaphore, #tpu.memory_space<semaphore_mem>>)
      } else {
      }
      %dma_wait3A_126 = arith.constant 0 : i32
      %dma_wait3A_127 = tpu.memref_slice %arg2[%dma_wait3A_126] : memref<320000xi32, #tpu.memory_space<hbm>> -> memref<2048xi32, #tpu.memory_space<hbm>>
      %dma_wait3A_128 = arith.constant 0 : i32
      %dma_wait3A_129 = tpu.memref_slice %arg2[%dma_wait3A_128] : memref<320000xi32, #tpu.memory_space<hbm>> -> memref<2048xi32, #tpu.memory_space<hbm>>
      tpu.wait_dma2 semaphore(%arg21 : memref<!tpu.dma_semaphore, #tpu.memory_space<semaphore_mem>>) src(%dma_wait3A_129 : memref<2048xi32, #tpu.memory_space<hbm>>) dst(%arg7 : memref<2048xi32, #tpu.memory_space<vmem>>)
      %dma_wait3A_130 = arith.constant 0 : i32
      %dma_wait3A_131 = arith.constant 0 : i32
      %dma_wait3A_132 = tpu.memref_slice %arg3[%arg1, %dma_wait3A_130, %dma_wait3A_131] : memref<16x2500x128xf32, #tpu.memory_space<hbm>> -> memref<1x16x128xf32, #tpu.memory_space<hbm>>
      %dma_wait3A_133 = tpu.memref_squeeze %dma_wait3A_132 : memref<1x16x128xf32, #tpu.memory_space<hbm>> -> memref<16x128xf32, #tpu.memory_space<hbm>>
      %dma_wait3A_134 = arith.constant 0 : i32
      %dma_wait3A_135 = arith.constant 0 : i32
      %dma_wait3A_136 = tpu.memref_slice %arg3[%arg1, %dma_wait3A_134, %dma_wait3A_135] : memref<16x2500x128xf32, #tpu.memory_space<hbm>> -> memref<1x16x128xf32, #tpu.memory_space<hbm>>
      %dma_wait3A_137 = tpu.memref_squeeze %dma_wait3A_136 : memref<1x16x128xf32, #tpu.memory_space<hbm>> -> memref<16x128xf32, #tpu.memory_space<hbm>>
      tpu.wait_dma2 semaphore(%arg27 : memref<!tpu.dma_semaphore, #tpu.memory_space<semaphore_mem>>) src(%dma_wait3A_137 : memref<16x128xf32, #tpu.memory_space<hbm>>) dst(%arg13 : memref<16x128xf32, #tpu.memory_space<vmem>>)
      %scan3A_138 = arith.constant 0 : i32
      %scan3A_139 = arith.constant 16 : i32
      %scan3A_140 = arith.addi %scan3A_138, %scan3A_139 : i32
      %scan3A_141 = arith.constant 1 : i32
      scf.for %scan3A_296 = %scan3A_138 to %scan3A_140 step %scan3A_141  : i32 {
        %mul3A_297 = arith.constant 1 : i32
        %mul3A_298 = arith.muli %scan3A_296, %mul3A_297 : i32
        %add3A_299 = arith.constant 0 : i32
        %add3A_300 = arith.addi %add3A_299, %mul3A_298 : i32
        %mul3A_301 = arith.constant 128 : i32
        %mul3A_302 = arith.muli %add3A_300, %mul3A_301 : i32
        %add3A_303 = arith.constant 0 : i32
        %add3A_304 = arith.addi %mul3A_302, %add3A_303 : i32
        %get3A = arith.index_cast %add3A_304 : i32 to index
        %get3A_305 = tpu.vector_load %arg7[%get3A] {strides = array<i32>} : memref<2048xi32, #tpu.memory_space<vmem>>, vector<16xi32>,
        %get3A_306 = arith.index_cast %add3A_300 : i32 to index
        %get3A_307 = arith.constant 0 : index
        %get3A_308 = tpu.vector_load %arg13[%get3A_306, %get3A_307] {strides = array<i32>} : memref<16x128xf32, #tpu.memory_space<vmem>>, vector<16xf32>,
        %shift_right_logical3A = arith.constant 7 : i32
        %shift_right_logical3A_309 = vector.broadcast %shift_right_logical3A : i32 to vector<16xi32>
        %shift_right_logical3A_310 = arith.shrui %get3A_305, %shift_right_logical3A_309 : vector<16xi32>
        %and3A = arith.constant 127 : i32
        %and3A_311 = vector.broadcast %and3A : i32 to vector<16xi32>
        %and3A_312 = arith.andi %get3A_305, %and3A_311 : vector<16xi32>
        tpu.vector_store_idx %arg18[%shift_right_logical3A_310, %and3A_312], %get3A_308 {add = true} : memref<80x128xf32, #tpu.memory_space<vmem>>[vector<16xi32>, vector<16xi32>], vector<16xf32>,
        %mul3A_313 = arith.constant 128 : i32
        %mul3A_314 = arith.muli %add3A_300, %mul3A_313 : i32
        %add3A_315 = arith.constant 16 : i32
        %add3A_316 = arith.addi %mul3A_314, %add3A_315 : i32
        %get3A_317 = arith.index_cast %add3A_316 : i32 to index
        %get3A_318 = tpu.vector_load %arg7[%get3A_317] {strides = array<i32>} : memref<2048xi32, #tpu.memory_space<vmem>>, vector<16xi32>,
        %get3A_319 = arith.index_cast %add3A_300 : i32 to index
        %get3A_320 = arith.constant 16 : index
        %get3A_321 = tpu.vector_load %arg13[%get3A_319, %get3A_320] {strides = array<i32>} : memref<16x128xf32, #tpu.memory_space<vmem>>, vector<16xf32>,
        %shift_right_logical3A_322 = arith.constant 7 : i32
        %shift_right_logical3A_323 = vector.broadcast %shift_right_logical3A_322 : i32 to vector<16xi32>
        %shift_right_logical3A_324 = arith.shrui %get3A_318, %shift_right_logical3A_323 : vector<16xi32>
        %and3A_325 = arith.constant 127 : i32
        %and3A_326 = vector.broadcast %and3A_325 : i32 to vector<16xi32>
        %and3A_327 = arith.andi %get3A_318, %and3A_326 : vector<16xi32>
        tpu.vector_store_idx %arg18[%shift_right_logical3A_324, %and3A_327], %get3A_321 {add = true} : memref<80x128xf32, #tpu.memory_space<vmem>>[vector<16xi32>, vector<16xi32>], vector<16xf32>,
        %mul3A_328 = arith.constant 128 : i32
        %mul3A_329 = arith.muli %add3A_300, %mul3A_328 : i32
        %add3A_330 = arith.constant 32 : i32
        %add3A_331 = arith.addi %mul3A_329, %add3A_330 : i32
        %get3A_332 = arith.index_cast %add3A_331 : i32 to index
        %get3A_333 = tpu.vector_load %arg7[%get3A_332] {strides = array<i32>} : memref<2048xi32, #tpu.memory_space<vmem>>, vector<16xi32>,
        %get3A_334 = arith.index_cast %add3A_300 : i32 to index
        %get3A_335 = arith.constant 32 : index
        %get3A_336 = tpu.vector_load %arg13[%get3A_334, %get3A_335] {strides = array<i32>} : memref<16x128xf32, #tpu.memory_space<vmem>>, vector<16xf32>,
        %shift_right_logical3A_337 = arith.constant 7 : i32
        %shift_right_logical3A_338 = vector.broadcast %shift_right_logical3A_337 : i32 to vector<16xi32>
        %shift_right_logical3A_339 = arith.shrui %get3A_333, %shift_right_logical3A_338 : vector<16xi32>
        %and3A_340 = arith.constant 127 : i32
        %and3A_341 = vector.broadcast %and3A_340 : i32 to vector<16xi32>
        %and3A_342 = arith.andi %get3A_333, %and3A_341 : vector<16xi32>
        tpu.vector_store_idx %arg18[%shift_right_logical3A_339, %and3A_342], %get3A_336 {add = true} : memref<80x128xf32, #tpu.memory_space<vmem>>[vector<16xi32>, vector<16xi32>], vector<16xf32>,
        %mul3A_343 = arith.constant 128 : i32
        %mul3A_344 = arith.muli %add3A_300, %mul3A_343 : i32
        %add3A_345 = arith.constant 48 : i32
        %add3A_346 = arith.addi %mul3A_344, %add3A_345 : i32
        %get3A_347 = arith.index_cast %add3A_346 : i32 to index
        %get3A_348 = tpu.vector_load %arg7[%get3A_347] {strides = array<i32>} : memref<2048xi32, #tpu.memory_space<vmem>>, vector<16xi32>,
        %get3A_349 = arith.index_cast %add3A_300 : i32 to index
        %get3A_350 = arith.constant 48 : index
        %get3A_351 = tpu.vector_load %arg13[%get3A_349, %get3A_350] {strides = array<i32>} : memref<16x128xf32, #tpu.memory_space<vmem>>, vector<16xf32>,
        %shift_right_logical3A_352 = arith.constant 7 : i32
        %shift_right_logical3A_353 = vector.broadcast %shift_right_logical3A_352 : i32 to vector<16xi32>
        %shift_right_logical3A_354 = arith.shrui %get3A_348, %shift_right_logical3A_353 : vector<16xi32>
        %and3A_355 = arith.constant 127 : i32
        %and3A_356 = vector.broadcast %and3A_355 : i32 to vector<16xi32>
        %and3A_357 = arith.andi %get3A_348, %and3A_356 : vector<16xi32>
        tpu.vector_store_idx %arg18[%shift_right_logical3A_354, %and3A_357], %get3A_351 {add = true} : memref<80x128xf32, #tpu.memory_space<vmem>>[vector<16xi32>, vector<16xi32>], vector<16xf32>,
        %mul3A_358 = arith.constant 128 : i32
        %mul3A_359 = arith.muli %add3A_300, %mul3A_358 : i32
        %add3A_360 = arith.constant 64 : i32
        %add3A_361 = arith.addi %mul3A_359, %add3A_360 : i32
        %get3A_362 = arith.index_cast %add3A_361 : i32 to index
        %get3A_363 = tpu.vector_load %arg7[%get3A_362] {strides = array<i32>} : memref<2048xi32, #tpu.memory_space<vmem>>, vector<16xi32>,
        %get3A_364 = arith.index_cast %add3A_300 : i32 to index
        %get3A_365 = arith.constant 64 : index
        %get3A_366 = tpu.vector_load %arg13[%get3A_364, %get3A_365] {strides = array<i32>} : memref<16x128xf32, #tpu.memory_space<vmem>>, vector<16xf32>,
        %shift_right_logical3A_367 = arith.constant 7 : i32
        %shift_right_logical3A_368 = vector.broadcast %shift_right_logical3A_367 : i32 to vector<16xi32>
        %shift_right_logical3A_369 = arith.shrui %get3A_363, %shift_right_logical3A_368 : vector<16xi32>
        %and3A_370 = arith.constant 127 : i32
        %and3A_371 = vector.broadcast %and3A_370 : i32 to vector<16xi32>
        %and3A_372 = arith.andi %get3A_363, %and3A_371 : vector<16xi32>
        tpu.vector_store_idx %arg18[%shift_right_logical3A_369, %and3A_372], %get3A_366 {add = true} : memref<80x128xf32, #tpu.memory_space<vmem>>[vector<16xi32>, vector<16xi32>], vector<16xf32>,
        %mul3A_373 = arith.constant 128 : i32
        %mul3A_374 = arith.muli %add3A_300, %mul3A_373 : i32
        %add3A_375 = arith.constant 80 : i32
        %add3A_376 = arith.addi %mul3A_374, %add3A_375 : i32
        %get3A_377 = arith.index_cast %add3A_376 : i32 to index
        %get3A_378 = tpu.vector_load %arg7[%get3A_377] {strides = array<i32>} : memref<2048xi32, #tpu.memory_space<vmem>>, vector<16xi32>,
        %get3A_379 = arith.index_cast %add3A_300 : i32 to index
        %get3A_380 = arith.constant 80 : index
        %get3A_381 = tpu.vector_load %arg13[%get3A_379, %get3A_380] {strides = array<i32>} : memref<16x128xf32, #tpu.memory_space<vmem>>, vector<16xf32>,
        %shift_right_logical3A_382 = arith.constant 7 : i32
        %shift_right_logical3A_383 = vector.broadcast %shift_right_logical3A_382 : i32 to vector<16xi32>
        %shift_right_logical3A_384 = arith.shrui %get3A_378, %shift_right_logical3A_383 : vector<16xi32>
        %and3A_385 = arith.constant 127 : i32
        %and3A_386 = vector.broadcast %and3A_385 : i32 to vector<16xi32>
        %and3A_387 = arith.andi %get3A_378, %and3A_386 : vector<16xi32>
        tpu.vector_store_idx %arg18[%shift_right_logical3A_384, %and3A_387], %get3A_381 {add = true} : memref<80x128xf32, #tpu.memory_space<vmem>>[vector<16xi32>, vector<16xi32>], vector<16xf32>,
        %mul3A_388 = arith.constant 128 : i32
        %mul3A_389 = arith.muli %add3A_300, %mul3A_388 : i32
        %add3A_390 = arith.constant 96 : i32
        %add3A_391 = arith.addi %mul3A_389, %add3A_390 : i32
        %get3A_392 = arith.index_cast %add3A_391 : i32 to index
        %get3A_393 = tpu.vector_load %arg7[%get3A_392] {strides = array<i32>} : memref<2048xi32, #tpu.memory_space<vmem>>, vector<16xi32>,
        %get3A_394 = arith.index_cast %add3A_300 : i32 to index
        %get3A_395 = arith.constant 96 : index
        %get3A_396 = tpu.vector_load %arg13[%get3A_394, %get3A_395] {strides = array<i32>} : memref<16x128xf32, #tpu.memory_space<vmem>>, vector<16xf32>,
        %shift_right_logical3A_397 = arith.constant 7 : i32
        %shift_right_logical3A_398 = vector.broadcast %shift_right_logical3A_397 : i32 to vector<16xi32>
        %shift_right_logical3A_399 = arith.shrui %get3A_393, %shift_right_logical3A_398 : vector<16xi32>
        %and3A_400 = arith.constant 127 : i32
        %and3A_401 = vector.broadcast %and3A_400 : i32 to vector<16xi32>
        %and3A_402 = arith.andi %get3A_393, %and3A_401 : vector<16xi32>
        tpu.vector_store_idx %arg18[%shift_right_logical3A_399, %and3A_402], %get3A_396 {add = true} : memref<80x128xf32, #tpu.memory_space<vmem>>[vector<16xi32>, vector<16xi32>], vector<16xf32>,
        %mul3A_403 = arith.constant 128 : i32
        %mul3A_404 = arith.muli %add3A_300, %mul3A_403 : i32
        %add3A_405 = arith.constant 112 : i32
        %add3A_406 = arith.addi %mul3A_404, %add3A_405 : i32
        %get3A_407 = arith.index_cast %add3A_406 : i32 to index
        %get3A_408 = tpu.vector_load %arg7[%get3A_407] {strides = array<i32>} : memref<2048xi32, #tpu.memory_space<vmem>>, vector<16xi32>,
        %get3A_409 = arith.index_cast %add3A_300 : i32 to index
        %get3A_410 = arith.constant 112 : index
        %get3A_411 = tpu.vector_load %arg13[%get3A_409, %get3A_410] {strides = array<i32>} : memref<16x128xf32, #tpu.memory_space<vmem>>, vector<16xf32>,
        %shift_right_logical3A_412 = arith.constant 7 : i32
        %shift_right_logical3A_413 = vector.broadcast %shift_right_logical3A_412 : i32 to vector<16xi32>
        %shift_right_logical3A_414 = arith.shrui %get3A_408, %shift_right_logical3A_413 : vector<16xi32>
        %and3A_415 = arith.constant 127 : i32
        %and3A_416 = vector.broadcast %and3A_415 : i32 to vector<16xi32>
        %and3A_417 = arith.andi %get3A_408, %and3A_416 : vector<16xi32>
        tpu.vector_store_idx %arg18[%shift_right_logical3A_414, %and3A_417], %get3A_411 {add = true} : memref<80x128xf32, #tpu.memory_space<vmem>>[vector<16xi32>, vector<16xi32>], vector<16xf32>,
      }
      %scan3A_142 = arith.constant 16 : i32
      %add3A_143 = arith.constant 1 : i32
      %add3A_144 = arith.addi %mul3A_94, %add3A_143 : i32
      %rem3A_145 = arith.constant 16 : i32
      %rem3A_146 = arith.remsi %add3A_144, %rem3A_145 : i32
      %eq3A_147 = arith.cmpi eq, %rem3A_146, %arg1 : i32
      %convert_element_type3A_148 = arith.extui %eq3A_147 : i1 to i32
      %cond3A_149 = arith.constant 0 : i32
      %cond3A_150 = arith.cmpi ne, %convert_element_type3A_148, %cond3A_149 : i32
      scf.if %cond3A_150 {
        %scan3A_296 = arith.constant 0 : i32
        %scan3A_297 = arith.constant 16 : i32
        %scan3A_298 = arith.addi %scan3A_296, %scan3A_297 : i32
        %scan3A_299 = arith.constant 1 : i32
        scf.for %scan3A_301 = %scan3A_296 to %scan3A_298 step %scan3A_299  : i32 {
          %mul3A_302 = arith.constant 1 : i32
          %mul3A_303 = arith.muli %scan3A_301, %mul3A_302 : i32
          %add3A_304 = arith.constant 0 : i32
          %add3A_305 = arith.addi %add3A_304, %mul3A_303 : i32
          %mul3A_306 = arith.constant 128 : i32
          %mul3A_307 = arith.muli %add3A_305, %mul3A_306 : i32
          %add3A_308 = arith.constant 0 : i32
          %add3A_309 = arith.addi %mul3A_307, %add3A_308 : i32
          %get3A = arith.index_cast %add3A_309 : i32 to index
          %get3A_310 = tpu.vector_load %arg7[%get3A] {strides = array<i32>} : memref<2048xi32, #tpu.memory_space<vmem>>, vector<16xi32>,
          %shift_right_logical3A = arith.constant 7 : i32
          %shift_right_logical3A_311 = vector.broadcast %shift_right_logical3A : i32 to vector<16xi32>
          %shift_right_logical3A_312 = arith.shrui %get3A_310, %shift_right_logical3A_311 : vector<16xi32>
          %and3A = arith.constant 127 : i32
          %and3A_313 = vector.broadcast %and3A : i32 to vector<16xi32>
          %and3A_314 = arith.andi %get3A_310, %and3A_313 : vector<16xi32>
          tpu.vector_store_idx %arg19[%shift_right_logical3A_312, %and3A_314], %broadcast_in_dim3A_5 {add = true} : memref<80x128xf32, #tpu.memory_space<vmem>>[vector<16xi32>, vector<16xi32>], vector<16xf32>,
          %mul3A_315 = arith.constant 128 : i32
          %mul3A_316 = arith.muli %add3A_305, %mul3A_315 : i32
          %add3A_317 = arith.constant 16 : i32
          %add3A_318 = arith.addi %mul3A_316, %add3A_317 : i32
          %get3A_319 = arith.index_cast %add3A_318 : i32 to index
          %get3A_320 = tpu.vector_load %arg7[%get3A_319] {strides = array<i32>} : memref<2048xi32, #tpu.memory_space<vmem>>, vector<16xi32>,
          %shift_right_logical3A_321 = arith.constant 7 : i32
          %shift_right_logical3A_322 = vector.broadcast %shift_right_logical3A_321 : i32 to vector<16xi32>
          %shift_right_logical3A_323 = arith.shrui %get3A_320, %shift_right_logical3A_322 : vector<16xi32>
          %and3A_324 = arith.constant 127 : i32
          %and3A_325 = vector.broadcast %and3A_324 : i32 to vector<16xi32>
          %and3A_326 = arith.andi %get3A_320, %and3A_325 : vector<16xi32>
          tpu.vector_store_idx %arg19[%shift_right_logical3A_323, %and3A_326], %broadcast_in_dim3A_5 {add = true} : memref<80x128xf32, #tpu.memory_space<vmem>>[vector<16xi32>, vector<16xi32>], vector<16xf32>,
          %mul3A_327 = arith.constant 128 : i32
          %mul3A_328 = arith.muli %add3A_305, %mul3A_327 : i32
          %add3A_329 = arith.constant 32 : i32
          %add3A_330 = arith.addi %mul3A_328, %add3A_329 : i32
          %get3A_331 = arith.index_cast %add3A_330 : i32 to index
          %get3A_332 = tpu.vector_load %arg7[%get3A_331] {strides = array<i32>} : memref<2048xi32, #tpu.memory_space<vmem>>, vector<16xi32>,
          %shift_right_logical3A_333 = arith.constant 7 : i32
          %shift_right_logical3A_334 = vector.broadcast %shift_right_logical3A_333 : i32 to vector<16xi32>
          %shift_right_logical3A_335 = arith.shrui %get3A_332, %shift_right_logical3A_334 : vector<16xi32>
          %and3A_336 = arith.constant 127 : i32
          %and3A_337 = vector.broadcast %and3A_336 : i32 to vector<16xi32>
          %and3A_338 = arith.andi %get3A_332, %and3A_337 : vector<16xi32>
          tpu.vector_store_idx %arg19[%shift_right_logical3A_335, %and3A_338], %broadcast_in_dim3A_5 {add = true} : memref<80x128xf32, #tpu.memory_space<vmem>>[vector<16xi32>, vector<16xi32>], vector<16xf32>,
          %mul3A_339 = arith.constant 128 : i32
          %mul3A_340 = arith.muli %add3A_305, %mul3A_339 : i32
          %add3A_341 = arith.constant 48 : i32
          %add3A_342 = arith.addi %mul3A_340, %add3A_341 : i32
          %get3A_343 = arith.index_cast %add3A_342 : i32 to index
          %get3A_344 = tpu.vector_load %arg7[%get3A_343] {strides = array<i32>} : memref<2048xi32, #tpu.memory_space<vmem>>, vector<16xi32>,
          %shift_right_logical3A_345 = arith.constant 7 : i32
          %shift_right_logical3A_346 = vector.broadcast %shift_right_logical3A_345 : i32 to vector<16xi32>
          %shift_right_logical3A_347 = arith.shrui %get3A_344, %shift_right_logical3A_346 : vector<16xi32>
          %and3A_348 = arith.constant 127 : i32
          %and3A_349 = vector.broadcast %and3A_348 : i32 to vector<16xi32>
          %and3A_350 = arith.andi %get3A_344, %and3A_349 : vector<16xi32>
          tpu.vector_store_idx %arg19[%shift_right_logical3A_347, %and3A_350], %broadcast_in_dim3A_5 {add = true} : memref<80x128xf32, #tpu.memory_space<vmem>>[vector<16xi32>, vector<16xi32>], vector<16xf32>,
          %mul3A_351 = arith.constant 128 : i32
          %mul3A_352 = arith.muli %add3A_305, %mul3A_351 : i32
          %add3A_353 = arith.constant 64 : i32
          %add3A_354 = arith.addi %mul3A_352, %add3A_353 : i32
          %get3A_355 = arith.index_cast %add3A_354 : i32 to index
          %get3A_356 = tpu.vector_load %arg7[%get3A_355] {strides = array<i32>} : memref<2048xi32, #tpu.memory_space<vmem>>, vector<16xi32>,
          %shift_right_logical3A_357 = arith.constant 7 : i32
          %shift_right_logical3A_358 = vector.broadcast %shift_right_logical3A_357 : i32 to vector<16xi32>
          %shift_right_logical3A_359 = arith.shrui %get3A_356, %shift_right_logical3A_358 : vector<16xi32>
          %and3A_360 = arith.constant 127 : i32
          %and3A_361 = vector.broadcast %and3A_360 : i32 to vector<16xi32>
          %and3A_362 = arith.andi %get3A_356, %and3A_361 : vector<16xi32>
          tpu.vector_store_idx %arg19[%shift_right_logical3A_359, %and3A_362], %broadcast_in_dim3A_5 {add = true} : memref<80x128xf32, #tpu.memory_space<vmem>>[vector<16xi32>, vector<16xi32>], vector<16xf32>,
          %mul3A_363 = arith.constant 128 : i32
          %mul3A_364 = arith.muli %add3A_305, %mul3A_363 : i32
          %add3A_365 = arith.constant 80 : i32
          %add3A_366 = arith.addi %mul3A_364, %add3A_365 : i32
          %get3A_367 = arith.index_cast %add3A_366 : i32 to index
          %get3A_368 = tpu.vector_load %arg7[%get3A_367] {strides = array<i32>} : memref<2048xi32, #tpu.memory_space<vmem>>, vector<16xi32>,
          %shift_right_logical3A_369 = arith.constant 7 : i32
          %shift_right_logical3A_370 = vector.broadcast %shift_right_logical3A_369 : i32 to vector<16xi32>
          %shift_right_logical3A_371 = arith.shrui %get3A_368, %shift_right_logical3A_370 : vector<16xi32>
          %and3A_372 = arith.constant 127 : i32
          %and3A_373 = vector.broadcast %and3A_372 : i32 to vector<16xi32>
          %and3A_374 = arith.andi %get3A_368, %and3A_373 : vector<16xi32>
          tpu.vector_store_idx %arg19[%shift_right_logical3A_371, %and3A_374], %broadcast_in_dim3A_5 {add = true} : memref<80x128xf32, #tpu.memory_space<vmem>>[vector<16xi32>, vector<16xi32>], vector<16xf32>,
          %mul3A_375 = arith.constant 128 : i32
          %mul3A_376 = arith.muli %add3A_305, %mul3A_375 : i32
          %add3A_377 = arith.constant 96 : i32
          %add3A_378 = arith.addi %mul3A_376, %add3A_377 : i32
          %get3A_379 = arith.index_cast %add3A_378 : i32 to index
          %get3A_380 = tpu.vector_load %arg7[%get3A_379] {strides = array<i32>} : memref<2048xi32, #tpu.memory_space<vmem>>, vector<16xi32>,
          %shift_right_logical3A_381 = arith.constant 7 : i32
          %shift_right_logical3A_382 = vector.broadcast %shift_right_logical3A_381 : i32 to vector<16xi32>
          %shift_right_logical3A_383 = arith.shrui %get3A_380, %shift_right_logical3A_382 : vector<16xi32>
          %and3A_384 = arith.constant 127 : i32
          %and3A_385 = vector.broadcast %and3A_384 : i32 to vector<16xi32>
          %and3A_386 = arith.andi %get3A_380, %and3A_385 : vector<16xi32>
          tpu.vector_store_idx %arg19[%shift_right_logical3A_383, %and3A_386], %broadcast_in_dim3A_5 {add = true} : memref<80x128xf32, #tpu.memory_space<vmem>>[vector<16xi32>, vector<16xi32>], vector<16xf32>,
          %mul3A_387 = arith.constant 128 : i32
          %mul3A_388 = arith.muli %add3A_305, %mul3A_387 : i32
          %add3A_389 = arith.constant 112 : i32
          %add3A_390 = arith.addi %mul3A_388, %add3A_389 : i32
          %get3A_391 = arith.index_cast %add3A_390 : i32 to index
          %get3A_392 = tpu.vector_load %arg7[%get3A_391] {strides = array<i32>} : memref<2048xi32, #tpu.memory_space<vmem>>, vector<16xi32>,
          %shift_right_logical3A_393 = arith.constant 7 : i32
          %shift_right_logical3A_394 = vector.broadcast %shift_right_logical3A_393 : i32 to vector<16xi32>
          %shift_right_logical3A_395 = arith.shrui %get3A_392, %shift_right_logical3A_394 : vector<16xi32>
          %and3A_396 = arith.constant 127 : i32
          %and3A_397 = vector.broadcast %and3A_396 : i32 to vector<16xi32>
          %and3A_398 = arith.andi %get3A_392, %and3A_397 : vector<16xi32>
          tpu.vector_store_idx %arg19[%shift_right_logical3A_395, %and3A_398], %broadcast_in_dim3A_5 {add = true} : memref<80x128xf32, #tpu.memory_space<vmem>>[vector<16xi32>, vector<16xi32>], vector<16xf32>,
        }
        %scan3A_300 = arith.constant 16 : i32
      } else {
      }
      %add3A_151 = arith.constant 1 : i32
      %add3A_152 = arith.addi %mul3A_94, %add3A_151 : i32
      %add3A_153 = arith.constant 6 : i32
      %add3A_154 = arith.addi %add3A_152, %add3A_153 : i32
      %lt3A_155 = arith.constant 78 : i32
      %lt3A_156 = arith.cmpi slt, %add3A_154, %lt3A_155 : i32
      %convert_element_type3A_157 = arith.extui %lt3A_156 : i1 to i32
      %cond3A_158 = arith.constant 0 : i32
      %cond3A_159 = arith.cmpi ne, %convert_element_type3A_157, %cond3A_158 : i32
      scf.if %cond3A_159 {
        %add3A_296 = arith.constant 1 : i32
        %add3A_297 = arith.addi %mul3A_94, %add3A_296 : i32
        %add3A_298 = arith.constant 6 : i32
        %add3A_299 = arith.addi %add3A_297, %add3A_298 : i32
        %mul3A_300 = arith.constant 16 : i32
        %mul3A_301 = arith.muli %add3A_299, %mul3A_300 : i32
        %add3A_302 = arith.addi %mul3A_2, %mul3A_301 : i32
        %mul3A_303 = arith.constant 128 : i32
        %mul3A_304 = arith.muli %add3A_302, %mul3A_303 : i32
        %dma_start3A_305 = tpu.memref_slice %arg2[%mul3A_304] : memref<320000xi32, #tpu.memory_space<hbm>> -> memref<2048xi32, #tpu.memory_space<hbm>>
        %dma_start3A_306 = tpu.memref_slice %arg2[%mul3A_304] : memref<320000xi32, #tpu.memory_space<hbm>> -> memref<2048xi32, #tpu.memory_space<hbm>>
        tpu.enqueue_dma source(%dma_start3A_306 : memref<2048xi32, #tpu.memory_space<hbm>>) target(%arg7 : memref<2048xi32, #tpu.memory_space<vmem>>) target_semaphore(%arg21 : memref<!tpu.dma_semaphore, #tpu.memory_space<semaphore_mem>>)
        %dma_start3A_307 = arith.constant 0 : i32
        %dma_start3A_308 = tpu.memref_slice %arg3[%arg1, %add3A_302, %dma_start3A_307] : memref<16x2500x128xf32, #tpu.memory_space<hbm>> -> memref<1x16x128xf32, #tpu.memory_space<hbm>>
        %dma_start3A_309 = tpu.memref_squeeze %dma_start3A_308 : memref<1x16x128xf32, #tpu.memory_space<hbm>> -> memref<16x128xf32, #tpu.memory_space<hbm>>
        %dma_start3A_310 = arith.constant 0 : i32
        %dma_start3A_311 = tpu.memref_slice %arg3[%arg1, %add3A_302, %dma_start3A_310] : memref<16x2500x128xf32, #tpu.memory_space<hbm>> -> memref<1x16x128xf32, #tpu.memory_space<hbm>>
        %dma_start3A_312 = tpu.memref_squeeze %dma_start3A_311 : memref<1x16x128xf32, #tpu.memory_space<hbm>> -> memref<16x128xf32, #tpu.memory_space<hbm>>
        tpu.enqueue_dma source(%dma_start3A_312 : memref<16x128xf32, #tpu.memory_space<hbm>>) target(%arg13 : memref<16x128xf32, #tpu.memory_space<vmem>>) target_semaphore(%arg27 : memref<!tpu.dma_semaphore, #tpu.memory_space<semaphore_mem>>)
      } else {
      }
      %dma_wait3A_160 = arith.constant 0 : i32
      %dma_wait3A_161 = tpu.memref_slice %arg2[%dma_wait3A_160] : memref<320000xi32, #tpu.memory_space<hbm>> -> memref<2048xi32, #tpu.memory_space<hbm>>
      %dma_wait3A_162 = arith.constant 0 : i32
      %dma_wait3A_163 = tpu.memref_slice %arg2[%dma_wait3A_162] : memref<320000xi32, #tpu.memory_space<hbm>> -> memref<2048xi32, #tpu.memory_space<hbm>>
      tpu.wait_dma2 semaphore(%arg22 : memref<!tpu.dma_semaphore, #tpu.memory_space<semaphore_mem>>) src(%dma_wait3A_163 : memref<2048xi32, #tpu.memory_space<hbm>>) dst(%arg8 : memref<2048xi32, #tpu.memory_space<vmem>>)
      %dma_wait3A_164 = arith.constant 0 : i32
      %dma_wait3A_165 = arith.constant 0 : i32
      %dma_wait3A_166 = tpu.memref_slice %arg3[%arg1, %dma_wait3A_164, %dma_wait3A_165] : memref<16x2500x128xf32, #tpu.memory_space<hbm>> -> memref<1x16x128xf32, #tpu.memory_space<hbm>>
      %dma_wait3A_167 = tpu.memref_squeeze %dma_wait3A_166 : memref<1x16x128xf32, #tpu.memory_space<hbm>> -> memref<16x128xf32, #tpu.memory_space<hbm>>
      %dma_wait3A_168 = arith.constant 0 : i32
      %dma_wait3A_169 = arith.constant 0 : i32
      %dma_wait3A_170 = tpu.memref_slice %arg3[%arg1, %dma_wait3A_168, %dma_wait3A_169] : memref<16x2500x128xf32, #tpu.memory_space<hbm>> -> memref<1x16x128xf32, #tpu.memory_space<hbm>>
      %dma_wait3A_171 = tpu.memref_squeeze %dma_wait3A_170 : memref<1x16x128xf32, #tpu.memory_space<hbm>> -> memref<16x128xf32, #tpu.memory_space<hbm>>
      tpu.wait_dma2 semaphore(%arg28 : memref<!tpu.dma_semaphore, #tpu.memory_space<semaphore_mem>>) src(%dma_wait3A_171 : memref<16x128xf32, #tpu.memory_space<hbm>>) dst(%arg14 : memref<16x128xf32, #tpu.memory_space<vmem>>)
      %scan3A_172 = arith.constant 0 : i32
      %scan3A_173 = arith.constant 16 : i32
      %scan3A_174 = arith.addi %scan3A_172, %scan3A_173 : i32
      %scan3A_175 = arith.constant 1 : i32
      scf.for %scan3A_296 = %scan3A_172 to %scan3A_174 step %scan3A_175  : i32 {
        %mul3A_297 = arith.constant 1 : i32
        %mul3A_298 = arith.muli %scan3A_296, %mul3A_297 : i32
        %add3A_299 = arith.constant 0 : i32
        %add3A_300 = arith.addi %add3A_299, %mul3A_298 : i32
        %mul3A_301 = arith.constant 128 : i32
        %mul3A_302 = arith.muli %add3A_300, %mul3A_301 : i32
        %add3A_303 = arith.constant 0 : i32
        %add3A_304 = arith.addi %mul3A_302, %add3A_303 : i32
        %get3A = arith.index_cast %add3A_304 : i32 to index
        %get3A_305 = tpu.vector_load %arg8[%get3A] {strides = array<i32>} : memref<2048xi32, #tpu.memory_space<vmem>>, vector<16xi32>,
        %get3A_306 = arith.index_cast %add3A_300 : i32 to index
        %get3A_307 = arith.constant 0 : index
        %get3A_308 = tpu.vector_load %arg14[%get3A_306, %get3A_307] {strides = array<i32>} : memref<16x128xf32, #tpu.memory_space<vmem>>, vector<16xf32>,
        %shift_right_logical3A = arith.constant 7 : i32
        %shift_right_logical3A_309 = vector.broadcast %shift_right_logical3A : i32 to vector<16xi32>
        %shift_right_logical3A_310 = arith.shrui %get3A_305, %shift_right_logical3A_309 : vector<16xi32>
        %and3A = arith.constant 127 : i32
        %and3A_311 = vector.broadcast %and3A : i32 to vector<16xi32>
        %and3A_312 = arith.andi %get3A_305, %and3A_311 : vector<16xi32>
        tpu.vector_store_idx %arg18[%shift_right_logical3A_310, %and3A_312], %get3A_308 {add = true} : memref<80x128xf32, #tpu.memory_space<vmem>>[vector<16xi32>, vector<16xi32>], vector<16xf32>,
        %mul3A_313 = arith.constant 128 : i32
        %mul3A_314 = arith.muli %add3A_300, %mul3A_313 : i32
        %add3A_315 = arith.constant 16 : i32
        %add3A_316 = arith.addi %mul3A_314, %add3A_315 : i32
        %get3A_317 = arith.index_cast %add3A_316 : i32 to index
        %get3A_318 = tpu.vector_load %arg8[%get3A_317] {strides = array<i32>} : memref<2048xi32, #tpu.memory_space<vmem>>, vector<16xi32>,
        %get3A_319 = arith.index_cast %add3A_300 : i32 to index
        %get3A_320 = arith.constant 16 : index
        %get3A_321 = tpu.vector_load %arg14[%get3A_319, %get3A_320] {strides = array<i32>} : memref<16x128xf32, #tpu.memory_space<vmem>>, vector<16xf32>,
        %shift_right_logical3A_322 = arith.constant 7 : i32
        %shift_right_logical3A_323 = vector.broadcast %shift_right_logical3A_322 : i32 to vector<16xi32>
        %shift_right_logical3A_324 = arith.shrui %get3A_318, %shift_right_logical3A_323 : vector<16xi32>
        %and3A_325 = arith.constant 127 : i32
        %and3A_326 = vector.broadcast %and3A_325 : i32 to vector<16xi32>
        %and3A_327 = arith.andi %get3A_318, %and3A_326 : vector<16xi32>
        tpu.vector_store_idx %arg18[%shift_right_logical3A_324, %and3A_327], %get3A_321 {add = true} : memref<80x128xf32, #tpu.memory_space<vmem>>[vector<16xi32>, vector<16xi32>], vector<16xf32>,
        %mul3A_328 = arith.constant 128 : i32
        %mul3A_329 = arith.muli %add3A_300, %mul3A_328 : i32
        %add3A_330 = arith.constant 32 : i32
        %add3A_331 = arith.addi %mul3A_329, %add3A_330 : i32
        %get3A_332 = arith.index_cast %add3A_331 : i32 to index
        %get3A_333 = tpu.vector_load %arg8[%get3A_332] {strides = array<i32>} : memref<2048xi32, #tpu.memory_space<vmem>>, vector<16xi32>,
        %get3A_334 = arith.index_cast %add3A_300 : i32 to index
        %get3A_335 = arith.constant 32 : index
        %get3A_336 = tpu.vector_load %arg14[%get3A_334, %get3A_335] {strides = array<i32>} : memref<16x128xf32, #tpu.memory_space<vmem>>, vector<16xf32>,
        %shift_right_logical3A_337 = arith.constant 7 : i32
        %shift_right_logical3A_338 = vector.broadcast %shift_right_logical3A_337 : i32 to vector<16xi32>
        %shift_right_logical3A_339 = arith.shrui %get3A_333, %shift_right_logical3A_338 : vector<16xi32>
        %and3A_340 = arith.constant 127 : i32
        %and3A_341 = vector.broadcast %and3A_340 : i32 to vector<16xi32>
        %and3A_342 = arith.andi %get3A_333, %and3A_341 : vector<16xi32>
        tpu.vector_store_idx %arg18[%shift_right_logical3A_339, %and3A_342], %get3A_336 {add = true} : memref<80x128xf32, #tpu.memory_space<vmem>>[vector<16xi32>, vector<16xi32>], vector<16xf32>,
        %mul3A_343 = arith.constant 128 : i32
        %mul3A_344 = arith.muli %add3A_300, %mul3A_343 : i32
        %add3A_345 = arith.constant 48 : i32
        %add3A_346 = arith.addi %mul3A_344, %add3A_345 : i32
        %get3A_347 = arith.index_cast %add3A_346 : i32 to index
        %get3A_348 = tpu.vector_load %arg8[%get3A_347] {strides = array<i32>} : memref<2048xi32, #tpu.memory_space<vmem>>, vector<16xi32>,
        %get3A_349 = arith.index_cast %add3A_300 : i32 to index
        %get3A_350 = arith.constant 48 : index
        %get3A_351 = tpu.vector_load %arg14[%get3A_349, %get3A_350] {strides = array<i32>} : memref<16x128xf32, #tpu.memory_space<vmem>>, vector<16xf32>,
        %shift_right_logical3A_352 = arith.constant 7 : i32
        %shift_right_logical3A_353 = vector.broadcast %shift_right_logical3A_352 : i32 to vector<16xi32>
        %shift_right_logical3A_354 = arith.shrui %get3A_348, %shift_right_logical3A_353 : vector<16xi32>
        %and3A_355 = arith.constant 127 : i32
        %and3A_356 = vector.broadcast %and3A_355 : i32 to vector<16xi32>
        %and3A_357 = arith.andi %get3A_348, %and3A_356 : vector<16xi32>
        tpu.vector_store_idx %arg18[%shift_right_logical3A_354, %and3A_357], %get3A_351 {add = true} : memref<80x128xf32, #tpu.memory_space<vmem>>[vector<16xi32>, vector<16xi32>], vector<16xf32>,
        %mul3A_358 = arith.constant 128 : i32
        %mul3A_359 = arith.muli %add3A_300, %mul3A_358 : i32
        %add3A_360 = arith.constant 64 : i32
        %add3A_361 = arith.addi %mul3A_359, %add3A_360 : i32
        %get3A_362 = arith.index_cast %add3A_361 : i32 to index
        %get3A_363 = tpu.vector_load %arg8[%get3A_362] {strides = array<i32>} : memref<2048xi32, #tpu.memory_space<vmem>>, vector<16xi32>,
        %get3A_364 = arith.index_cast %add3A_300 : i32 to index
        %get3A_365 = arith.constant 64 : index
        %get3A_366 = tpu.vector_load %arg14[%get3A_364, %get3A_365] {strides = array<i32>} : memref<16x128xf32, #tpu.memory_space<vmem>>, vector<16xf32>,
        %shift_right_logical3A_367 = arith.constant 7 : i32
        %shift_right_logical3A_368 = vector.broadcast %shift_right_logical3A_367 : i32 to vector<16xi32>
        %shift_right_logical3A_369 = arith.shrui %get3A_363, %shift_right_logical3A_368 : vector<16xi32>
        %and3A_370 = arith.constant 127 : i32
        %and3A_371 = vector.broadcast %and3A_370 : i32 to vector<16xi32>
        %and3A_372 = arith.andi %get3A_363, %and3A_371 : vector<16xi32>
        tpu.vector_store_idx %arg18[%shift_right_logical3A_369, %and3A_372], %get3A_366 {add = true} : memref<80x128xf32, #tpu.memory_space<vmem>>[vector<16xi32>, vector<16xi32>], vector<16xf32>,
        %mul3A_373 = arith.constant 128 : i32
        %mul3A_374 = arith.muli %add3A_300, %mul3A_373 : i32
        %add3A_375 = arith.constant 80 : i32
        %add3A_376 = arith.addi %mul3A_374, %add3A_375 : i32
        %get3A_377 = arith.index_cast %add3A_376 : i32 to index
        %get3A_378 = tpu.vector_load %arg8[%get3A_377] {strides = array<i32>} : memref<2048xi32, #tpu.memory_space<vmem>>, vector<16xi32>,
        %get3A_379 = arith.index_cast %add3A_300 : i32 to index
        %get3A_380 = arith.constant 80 : index
        %get3A_381 = tpu.vector_load %arg14[%get3A_379, %get3A_380] {strides = array<i32>} : memref<16x128xf32, #tpu.memory_space<vmem>>, vector<16xf32>,
        %shift_right_logical3A_382 = arith.constant 7 : i32
        %shift_right_logical3A_383 = vector.broadcast %shift_right_logical3A_382 : i32 to vector<16xi32>
        %shift_right_logical3A_384 = arith.shrui %get3A_378, %shift_right_logical3A_383 : vector<16xi32>
        %and3A_385 = arith.constant 127 : i32
        %and3A_386 = vector.broadcast %and3A_385 : i32 to vector<16xi32>
        %and3A_387 = arith.andi %get3A_378, %and3A_386 : vector<16xi32>
        tpu.vector_store_idx %arg18[%shift_right_logical3A_384, %and3A_387], %get3A_381 {add = true} : memref<80x128xf32, #tpu.memory_space<vmem>>[vector<16xi32>, vector<16xi32>], vector<16xf32>,
        %mul3A_388 = arith.constant 128 : i32
        %mul3A_389 = arith.muli %add3A_300, %mul3A_388 : i32
        %add3A_390 = arith.constant 96 : i32
        %add3A_391 = arith.addi %mul3A_389, %add3A_390 : i32
        %get3A_392 = arith.index_cast %add3A_391 : i32 to index
        %get3A_393 = tpu.vector_load %arg8[%get3A_392] {strides = array<i32>} : memref<2048xi32, #tpu.memory_space<vmem>>, vector<16xi32>,
        %get3A_394 = arith.index_cast %add3A_300 : i32 to index
        %get3A_395 = arith.constant 96 : index
        %get3A_396 = tpu.vector_load %arg14[%get3A_394, %get3A_395] {strides = array<i32>} : memref<16x128xf32, #tpu.memory_space<vmem>>, vector<16xf32>,
        %shift_right_logical3A_397 = arith.constant 7 : i32
        %shift_right_logical3A_398 = vector.broadcast %shift_right_logical3A_397 : i32 to vector<16xi32>
        %shift_right_logical3A_399 = arith.shrui %get3A_393, %shift_right_logical3A_398 : vector<16xi32>
        %and3A_400 = arith.constant 127 : i32
        %and3A_401 = vector.broadcast %and3A_400 : i32 to vector<16xi32>
        %and3A_402 = arith.andi %get3A_393, %and3A_401 : vector<16xi32>
        tpu.vector_store_idx %arg18[%shift_right_logical3A_399, %and3A_402], %get3A_396 {add = true} : memref<80x128xf32, #tpu.memory_space<vmem>>[vector<16xi32>, vector<16xi32>], vector<16xf32>,
        %mul3A_403 = arith.constant 128 : i32
        %mul3A_404 = arith.muli %add3A_300, %mul3A_403 : i32
        %add3A_405 = arith.constant 112 : i32
        %add3A_406 = arith.addi %mul3A_404, %add3A_405 : i32
        %get3A_407 = arith.index_cast %add3A_406 : i32 to index
        %get3A_408 = tpu.vector_load %arg8[%get3A_407] {strides = array<i32>} : memref<2048xi32, #tpu.memory_space<vmem>>, vector<16xi32>,
        %get3A_409 = arith.index_cast %add3A_300 : i32 to index
        %get3A_410 = arith.constant 112 : index
        %get3A_411 = tpu.vector_load %arg14[%get3A_409, %get3A_410] {strides = array<i32>} : memref<16x128xf32, #tpu.memory_space<vmem>>, vector<16xf32>,
        %shift_right_logical3A_412 = arith.constant 7 : i32
        %shift_right_logical3A_413 = vector.broadcast %shift_right_logical3A_412 : i32 to vector<16xi32>
        %shift_right_logical3A_414 = arith.shrui %get3A_408, %shift_right_logical3A_413 : vector<16xi32>
        %and3A_415 = arith.constant 127 : i32
        %and3A_416 = vector.broadcast %and3A_415 : i32 to vector<16xi32>
        %and3A_417 = arith.andi %get3A_408, %and3A_416 : vector<16xi32>
        tpu.vector_store_idx %arg18[%shift_right_logical3A_414, %and3A_417], %get3A_411 {add = true} : memref<80x128xf32, #tpu.memory_space<vmem>>[vector<16xi32>, vector<16xi32>], vector<16xf32>,
      }
      %scan3A_176 = arith.constant 16 : i32
      %add3A_177 = arith.constant 2 : i32
      %add3A_178 = arith.addi %mul3A_94, %add3A_177 : i32
      %rem3A_179 = arith.constant 16 : i32
      %rem3A_180 = arith.remsi %add3A_178, %rem3A_179 : i32
      %eq3A_181 = arith.cmpi eq, %rem3A_180, %arg1 : i32
      %convert_element_type3A_182 = arith.extui %eq3A_181 : i1 to i32
      %cond3A_183 = arith.constant 0 : i32
      %cond3A_184 = arith.cmpi ne, %convert_element_type3A_182, %cond3A_183 : i32
      scf.if %cond3A_184 {
        %scan3A_296 = arith.constant 0 : i32
        %scan3A_297 = arith.constant 16 : i32
        %scan3A_298 = arith.addi %scan3A_296, %scan3A_297 : i32
        %scan3A_299 = arith.constant 1 : i32
        scf.for %scan3A_301 = %scan3A_296 to %scan3A_298 step %scan3A_299  : i32 {
          %mul3A_302 = arith.constant 1 : i32
          %mul3A_303 = arith.muli %scan3A_301, %mul3A_302 : i32
          %add3A_304 = arith.constant 0 : i32
          %add3A_305 = arith.addi %add3A_304, %mul3A_303 : i32
          %mul3A_306 = arith.constant 128 : i32
          %mul3A_307 = arith.muli %add3A_305, %mul3A_306 : i32
          %add3A_308 = arith.constant 0 : i32
          %add3A_309 = arith.addi %mul3A_307, %add3A_308 : i32
          %get3A = arith.index_cast %add3A_309 : i32 to index
          %get3A_310 = tpu.vector_load %arg8[%get3A] {strides = array<i32>} : memref<2048xi32, #tpu.memory_space<vmem>>, vector<16xi32>,
          %shift_right_logical3A = arith.constant 7 : i32
          %shift_right_logical3A_311 = vector.broadcast %shift_right_logical3A : i32 to vector<16xi32>
          %shift_right_logical3A_312 = arith.shrui %get3A_310, %shift_right_logical3A_311 : vector<16xi32>
          %and3A = arith.constant 127 : i32
          %and3A_313 = vector.broadcast %and3A : i32 to vector<16xi32>
          %and3A_314 = arith.andi %get3A_310, %and3A_313 : vector<16xi32>
          tpu.vector_store_idx %arg19[%shift_right_logical3A_312, %and3A_314], %broadcast_in_dim3A_5 {add = true} : memref<80x128xf32, #tpu.memory_space<vmem>>[vector<16xi32>, vector<16xi32>], vector<16xf32>,
          %mul3A_315 = arith.constant 128 : i32
          %mul3A_316 = arith.muli %add3A_305, %mul3A_315 : i32
          %add3A_317 = arith.constant 16 : i32
          %add3A_318 = arith.addi %mul3A_316, %add3A_317 : i32
          %get3A_319 = arith.index_cast %add3A_318 : i32 to index
          %get3A_320 = tpu.vector_load %arg8[%get3A_319] {strides = array<i32>} : memref<2048xi32, #tpu.memory_space<vmem>>, vector<16xi32>,
          %shift_right_logical3A_321 = arith.constant 7 : i32
          %shift_right_logical3A_322 = vector.broadcast %shift_right_logical3A_321 : i32 to vector<16xi32>
          %shift_right_logical3A_323 = arith.shrui %get3A_320, %shift_right_logical3A_322 : vector<16xi32>
          %and3A_324 = arith.constant 127 : i32
          %and3A_325 = vector.broadcast %and3A_324 : i32 to vector<16xi32>
          %and3A_326 = arith.andi %get3A_320, %and3A_325 : vector<16xi32>
          tpu.vector_store_idx %arg19[%shift_right_logical3A_323, %and3A_326], %broadcast_in_dim3A_5 {add = true} : memref<80x128xf32, #tpu.memory_space<vmem>>[vector<16xi32>, vector<16xi32>], vector<16xf32>,
          %mul3A_327 = arith.constant 128 : i32
          %mul3A_328 = arith.muli %add3A_305, %mul3A_327 : i32
          %add3A_329 = arith.constant 32 : i32
          %add3A_330 = arith.addi %mul3A_328, %add3A_329 : i32
          %get3A_331 = arith.index_cast %add3A_330 : i32 to index
          %get3A_332 = tpu.vector_load %arg8[%get3A_331] {strides = array<i32>} : memref<2048xi32, #tpu.memory_space<vmem>>, vector<16xi32>,
          %shift_right_logical3A_333 = arith.constant 7 : i32
          %shift_right_logical3A_334 = vector.broadcast %shift_right_logical3A_333 : i32 to vector<16xi32>
          %shift_right_logical3A_335 = arith.shrui %get3A_332, %shift_right_logical3A_334 : vector<16xi32>
          %and3A_336 = arith.constant 127 : i32
          %and3A_337 = vector.broadcast %and3A_336 : i32 to vector<16xi32>
          %and3A_338 = arith.andi %get3A_332, %and3A_337 : vector<16xi32>
          tpu.vector_store_idx %arg19[%shift_right_logical3A_335, %and3A_338], %broadcast_in_dim3A_5 {add = true} : memref<80x128xf32, #tpu.memory_space<vmem>>[vector<16xi32>, vector<16xi32>], vector<16xf32>,
          %mul3A_339 = arith.constant 128 : i32
          %mul3A_340 = arith.muli %add3A_305, %mul3A_339 : i32
          %add3A_341 = arith.constant 48 : i32
          %add3A_342 = arith.addi %mul3A_340, %add3A_341 : i32
          %get3A_343 = arith.index_cast %add3A_342 : i32 to index
          %get3A_344 = tpu.vector_load %arg8[%get3A_343] {strides = array<i32>} : memref<2048xi32, #tpu.memory_space<vmem>>, vector<16xi32>,
          %shift_right_logical3A_345 = arith.constant 7 : i32
          %shift_right_logical3A_346 = vector.broadcast %shift_right_logical3A_345 : i32 to vector<16xi32>
          %shift_right_logical3A_347 = arith.shrui %get3A_344, %shift_right_logical3A_346 : vector<16xi32>
          %and3A_348 = arith.constant 127 : i32
          %and3A_349 = vector.broadcast %and3A_348 : i32 to vector<16xi32>
          %and3A_350 = arith.andi %get3A_344, %and3A_349 : vector<16xi32>
          tpu.vector_store_idx %arg19[%shift_right_logical3A_347, %and3A_350], %broadcast_in_dim3A_5 {add = true} : memref<80x128xf32, #tpu.memory_space<vmem>>[vector<16xi32>, vector<16xi32>], vector<16xf32>,
          %mul3A_351 = arith.constant 128 : i32
          %mul3A_352 = arith.muli %add3A_305, %mul3A_351 : i32
          %add3A_353 = arith.constant 64 : i32
          %add3A_354 = arith.addi %mul3A_352, %add3A_353 : i32
          %get3A_355 = arith.index_cast %add3A_354 : i32 to index
          %get3A_356 = tpu.vector_load %arg8[%get3A_355] {strides = array<i32>} : memref<2048xi32, #tpu.memory_space<vmem>>, vector<16xi32>,
          %shift_right_logical3A_357 = arith.constant 7 : i32
          %shift_right_logical3A_358 = vector.broadcast %shift_right_logical3A_357 : i32 to vector<16xi32>
          %shift_right_logical3A_359 = arith.shrui %get3A_356, %shift_right_logical3A_358 : vector<16xi32>
          %and3A_360 = arith.constant 127 : i32
          %and3A_361 = vector.broadcast %and3A_360 : i32 to vector<16xi32>
          %and3A_362 = arith.andi %get3A_356, %and3A_361 : vector<16xi32>
          tpu.vector_store_idx %arg19[%shift_right_logical3A_359, %and3A_362], %broadcast_in_dim3A_5 {add = true} : memref<80x128xf32, #tpu.memory_space<vmem>>[vector<16xi32>, vector<16xi32>], vector<16xf32>,
          %mul3A_363 = arith.constant 128 : i32
          %mul3A_364 = arith.muli %add3A_305, %mul3A_363 : i32
          %add3A_365 = arith.constant 80 : i32
          %add3A_366 = arith.addi %mul3A_364, %add3A_365 : i32
          %get3A_367 = arith.index_cast %add3A_366 : i32 to index
          %get3A_368 = tpu.vector_load %arg8[%get3A_367] {strides = array<i32>} : memref<2048xi32, #tpu.memory_space<vmem>>, vector<16xi32>,
          %shift_right_logical3A_369 = arith.constant 7 : i32
          %shift_right_logical3A_370 = vector.broadcast %shift_right_logical3A_369 : i32 to vector<16xi32>
          %shift_right_logical3A_371 = arith.shrui %get3A_368, %shift_right_logical3A_370 : vector<16xi32>
          %and3A_372 = arith.constant 127 : i32
          %and3A_373 = vector.broadcast %and3A_372 : i32 to vector<16xi32>
          %and3A_374 = arith.andi %get3A_368, %and3A_373 : vector<16xi32>
          tpu.vector_store_idx %arg19[%shift_right_logical3A_371, %and3A_374], %broadcast_in_dim3A_5 {add = true} : memref<80x128xf32, #tpu.memory_space<vmem>>[vector<16xi32>, vector<16xi32>], vector<16xf32>,
          %mul3A_375 = arith.constant 128 : i32
          %mul3A_376 = arith.muli %add3A_305, %mul3A_375 : i32
          %add3A_377 = arith.constant 96 : i32
          %add3A_378 = arith.addi %mul3A_376, %add3A_377 : i32
          %get3A_379 = arith.index_cast %add3A_378 : i32 to index
          %get3A_380 = tpu.vector_load %arg8[%get3A_379] {strides = array<i32>} : memref<2048xi32, #tpu.memory_space<vmem>>, vector<16xi32>,
          %shift_right_logical3A_381 = arith.constant 7 : i32
          %shift_right_logical3A_382 = vector.broadcast %shift_right_logical3A_381 : i32 to vector<16xi32>
          %shift_right_logical3A_383 = arith.shrui %get3A_380, %shift_right_logical3A_382 : vector<16xi32>
          %and3A_384 = arith.constant 127 : i32
          %and3A_385 = vector.broadcast %and3A_384 : i32 to vector<16xi32>
          %and3A_386 = arith.andi %get3A_380, %and3A_385 : vector<16xi32>
          tpu.vector_store_idx %arg19[%shift_right_logical3A_383, %and3A_386], %broadcast_in_dim3A_5 {add = true} : memref<80x128xf32, #tpu.memory_space<vmem>>[vector<16xi32>, vector<16xi32>], vector<16xf32>,
          %mul3A_387 = arith.constant 128 : i32
          %mul3A_388 = arith.muli %add3A_305, %mul3A_387 : i32
          %add3A_389 = arith.constant 112 : i32
          %add3A_390 = arith.addi %mul3A_388, %add3A_389 : i32
          %get3A_391 = arith.index_cast %add3A_390 : i32 to index
          %get3A_392 = tpu.vector_load %arg8[%get3A_391] {strides = array<i32>} : memref<2048xi32, #tpu.memory_space<vmem>>, vector<16xi32>,
          %shift_right_logical3A_393 = arith.constant 7 : i32
          %shift_right_logical3A_394 = vector.broadcast %shift_right_logical3A_393 : i32 to vector<16xi32>
          %shift_right_logical3A_395 = arith.shrui %get3A_392, %shift_right_logical3A_394 : vector<16xi32>
          %and3A_396 = arith.constant 127 : i32
          %and3A_397 = vector.broadcast %and3A_396 : i32 to vector<16xi32>
          %and3A_398 = arith.andi %get3A_392, %and3A_397 : vector<16xi32>
          tpu.vector_store_idx %arg19[%shift_right_logical3A_395, %and3A_398], %broadcast_in_dim3A_5 {add = true} : memref<80x128xf32, #tpu.memory_space<vmem>>[vector<16xi32>, vector<16xi32>], vector<16xf32>,
        }
        %scan3A_300 = arith.constant 16 : i32
      } else {
      }
      %add3A_185 = arith.constant 2 : i32
      %add3A_186 = arith.addi %mul3A_94, %add3A_185 : i32
      %add3A_187 = arith.constant 6 : i32
      %add3A_188 = arith.addi %add3A_186, %add3A_187 : i32
      %lt3A_189 = arith.constant 78 : i32
      %lt3A_190 = arith.cmpi slt, %add3A_188, %lt3A_189 : i32
      %convert_element_type3A_191 = arith.extui %lt3A_190 : i1 to i32
      %cond3A_192 = arith.constant 0 : i32
      %cond3A_193 = arith.cmpi ne, %convert_element_type3A_191, %cond3A_192 : i32
      scf.if %cond3A_193 {
        %add3A_296 = arith.constant 2 : i32
        %add3A_297 = arith.addi %mul3A_94, %add3A_296 : i32
        %add3A_298 = arith.constant 6 : i32
        %add3A_299 = arith.addi %add3A_297, %add3A_298 : i32
        %mul3A_300 = arith.constant 16 : i32
        %mul3A_301 = arith.muli %add3A_299, %mul3A_300 : i32
        %add3A_302 = arith.addi %mul3A_2, %mul3A_301 : i32
        %mul3A_303 = arith.constant 128 : i32
        %mul3A_304 = arith.muli %add3A_302, %mul3A_303 : i32
        %dma_start3A_305 = tpu.memref_slice %arg2[%mul3A_304] : memref<320000xi32, #tpu.memory_space<hbm>> -> memref<2048xi32, #tpu.memory_space<hbm>>
        %dma_start3A_306 = tpu.memref_slice %arg2[%mul3A_304] : memref<320000xi32, #tpu.memory_space<hbm>> -> memref<2048xi32, #tpu.memory_space<hbm>>
        tpu.enqueue_dma source(%dma_start3A_306 : memref<2048xi32, #tpu.memory_space<hbm>>) target(%arg8 : memref<2048xi32, #tpu.memory_space<vmem>>) target_semaphore(%arg22 : memref<!tpu.dma_semaphore, #tpu.memory_space<semaphore_mem>>)
        %dma_start3A_307 = arith.constant 0 : i32
        %dma_start3A_308 = tpu.memref_slice %arg3[%arg1, %add3A_302, %dma_start3A_307] : memref<16x2500x128xf32, #tpu.memory_space<hbm>> -> memref<1x16x128xf32, #tpu.memory_space<hbm>>
        %dma_start3A_309 = tpu.memref_squeeze %dma_start3A_308 : memref<1x16x128xf32, #tpu.memory_space<hbm>> -> memref<16x128xf32, #tpu.memory_space<hbm>>
        %dma_start3A_310 = arith.constant 0 : i32
        %dma_start3A_311 = tpu.memref_slice %arg3[%arg1, %add3A_302, %dma_start3A_310] : memref<16x2500x128xf32, #tpu.memory_space<hbm>> -> memref<1x16x128xf32, #tpu.memory_space<hbm>>
        %dma_start3A_312 = tpu.memref_squeeze %dma_start3A_311 : memref<1x16x128xf32, #tpu.memory_space<hbm>> -> memref<16x128xf32, #tpu.memory_space<hbm>>
        tpu.enqueue_dma source(%dma_start3A_312 : memref<16x128xf32, #tpu.memory_space<hbm>>) target(%arg14 : memref<16x128xf32, #tpu.memory_space<vmem>>) target_semaphore(%arg28 : memref<!tpu.dma_semaphore, #tpu.memory_space<semaphore_mem>>)
      } else {
      }
      %dma_wait3A_194 = arith.constant 0 : i32
      %dma_wait3A_195 = tpu.memref_slice %arg2[%dma_wait3A_194] : memref<320000xi32, #tpu.memory_space<hbm>> -> memref<2048xi32, #tpu.memory_space<hbm>>
      %dma_wait3A_196 = arith.constant 0 : i32
      %dma_wait3A_197 = tpu.memref_slice %arg2[%dma_wait3A_196] : memref<320000xi32, #tpu.memory_space<hbm>> -> memref<2048xi32, #tpu.memory_space<hbm>>
      tpu.wait_dma2 semaphore(%arg23 : memref<!tpu.dma_semaphore, #tpu.memory_space<semaphore_mem>>) src(%dma_wait3A_197 : memref<2048xi32, #tpu.memory_space<hbm>>) dst(%arg9 : memref<2048xi32, #tpu.memory_space<vmem>>)
      %dma_wait3A_198 = arith.constant 0 : i32
      %dma_wait3A_199 = arith.constant 0 : i32
      %dma_wait3A_200 = tpu.memref_slice %arg3[%arg1, %dma_wait3A_198, %dma_wait3A_199] : memref<16x2500x128xf32, #tpu.memory_space<hbm>> -> memref<1x16x128xf32, #tpu.memory_space<hbm>>
      %dma_wait3A_201 = tpu.memref_squeeze %dma_wait3A_200 : memref<1x16x128xf32, #tpu.memory_space<hbm>> -> memref<16x128xf32, #tpu.memory_space<hbm>>
      %dma_wait3A_202 = arith.constant 0 : i32
      %dma_wait3A_203 = arith.constant 0 : i32
      %dma_wait3A_204 = tpu.memref_slice %arg3[%arg1, %dma_wait3A_202, %dma_wait3A_203] : memref<16x2500x128xf32, #tpu.memory_space<hbm>> -> memref<1x16x128xf32, #tpu.memory_space<hbm>>
      %dma_wait3A_205 = tpu.memref_squeeze %dma_wait3A_204 : memref<1x16x128xf32, #tpu.memory_space<hbm>> -> memref<16x128xf32, #tpu.memory_space<hbm>>
      tpu.wait_dma2 semaphore(%arg29 : memref<!tpu.dma_semaphore, #tpu.memory_space<semaphore_mem>>) src(%dma_wait3A_205 : memref<16x128xf32, #tpu.memory_space<hbm>>) dst(%arg15 : memref<16x128xf32, #tpu.memory_space<vmem>>)
      %scan3A_206 = arith.constant 0 : i32
      %scan3A_207 = arith.constant 16 : i32
      %scan3A_208 = arith.addi %scan3A_206, %scan3A_207 : i32
      %scan3A_209 = arith.constant 1 : i32
      scf.for %scan3A_296 = %scan3A_206 to %scan3A_208 step %scan3A_209  : i32 {
        %mul3A_297 = arith.constant 1 : i32
        %mul3A_298 = arith.muli %scan3A_296, %mul3A_297 : i32
        %add3A_299 = arith.constant 0 : i32
        %add3A_300 = arith.addi %add3A_299, %mul3A_298 : i32
        %mul3A_301 = arith.constant 128 : i32
        %mul3A_302 = arith.muli %add3A_300, %mul3A_301 : i32
        %add3A_303 = arith.constant 0 : i32
        %add3A_304 = arith.addi %mul3A_302, %add3A_303 : i32
        %get3A = arith.index_cast %add3A_304 : i32 to index
        %get3A_305 = tpu.vector_load %arg9[%get3A] {strides = array<i32>} : memref<2048xi32, #tpu.memory_space<vmem>>, vector<16xi32>,
        %get3A_306 = arith.index_cast %add3A_300 : i32 to index
        %get3A_307 = arith.constant 0 : index
        %get3A_308 = tpu.vector_load %arg15[%get3A_306, %get3A_307] {strides = array<i32>} : memref<16x128xf32, #tpu.memory_space<vmem>>, vector<16xf32>,
        %shift_right_logical3A = arith.constant 7 : i32
        %shift_right_logical3A_309 = vector.broadcast %shift_right_logical3A : i32 to vector<16xi32>
        %shift_right_logical3A_310 = arith.shrui %get3A_305, %shift_right_logical3A_309 : vector<16xi32>
        %and3A = arith.constant 127 : i32
        %and3A_311 = vector.broadcast %and3A : i32 to vector<16xi32>
        %and3A_312 = arith.andi %get3A_305, %and3A_311 : vector<16xi32>
        tpu.vector_store_idx %arg18[%shift_right_logical3A_310, %and3A_312], %get3A_308 {add = true} : memref<80x128xf32, #tpu.memory_space<vmem>>[vector<16xi32>, vector<16xi32>], vector<16xf32>,
        %mul3A_313 = arith.constant 128 : i32
        %mul3A_314 = arith.muli %add3A_300, %mul3A_313 : i32
        %add3A_315 = arith.constant 16 : i32
        %add3A_316 = arith.addi %mul3A_314, %add3A_315 : i32
        %get3A_317 = arith.index_cast %add3A_316 : i32 to index
        %get3A_318 = tpu.vector_load %arg9[%get3A_317] {strides = array<i32>} : memref<2048xi32, #tpu.memory_space<vmem>>, vector<16xi32>,
        %get3A_319 = arith.index_cast %add3A_300 : i32 to index
        %get3A_320 = arith.constant 16 : index
        %get3A_321 = tpu.vector_load %arg15[%get3A_319, %get3A_320] {strides = array<i32>} : memref<16x128xf32, #tpu.memory_space<vmem>>, vector<16xf32>,
        %shift_right_logical3A_322 = arith.constant 7 : i32
        %shift_right_logical3A_323 = vector.broadcast %shift_right_logical3A_322 : i32 to vector<16xi32>
        %shift_right_logical3A_324 = arith.shrui %get3A_318, %shift_right_logical3A_323 : vector<16xi32>
        %and3A_325 = arith.constant 127 : i32
        %and3A_326 = vector.broadcast %and3A_325 : i32 to vector<16xi32>
        %and3A_327 = arith.andi %get3A_318, %and3A_326 : vector<16xi32>
        tpu.vector_store_idx %arg18[%shift_right_logical3A_324, %and3A_327], %get3A_321 {add = true} : memref<80x128xf32, #tpu.memory_space<vmem>>[vector<16xi32>, vector<16xi32>], vector<16xf32>,
        %mul3A_328 = arith.constant 128 : i32
        %mul3A_329 = arith.muli %add3A_300, %mul3A_328 : i32
        %add3A_330 = arith.constant 32 : i32
        %add3A_331 = arith.addi %mul3A_329, %add3A_330 : i32
        %get3A_332 = arith.index_cast %add3A_331 : i32 to index
        %get3A_333 = tpu.vector_load %arg9[%get3A_332] {strides = array<i32>} : memref<2048xi32, #tpu.memory_space<vmem>>, vector<16xi32>,
        %get3A_334 = arith.index_cast %add3A_300 : i32 to index
        %get3A_335 = arith.constant 32 : index
        %get3A_336 = tpu.vector_load %arg15[%get3A_334, %get3A_335] {strides = array<i32>} : memref<16x128xf32, #tpu.memory_space<vmem>>, vector<16xf32>,
        %shift_right_logical3A_337 = arith.constant 7 : i32
        %shift_right_logical3A_338 = vector.broadcast %shift_right_logical3A_337 : i32 to vector<16xi32>
        %shift_right_logical3A_339 = arith.shrui %get3A_333, %shift_right_logical3A_338 : vector<16xi32>
        %and3A_340 = arith.constant 127 : i32
        %and3A_341 = vector.broadcast %and3A_340 : i32 to vector<16xi32>
        %and3A_342 = arith.andi %get3A_333, %and3A_341 : vector<16xi32>
        tpu.vector_store_idx %arg18[%shift_right_logical3A_339, %and3A_342], %get3A_336 {add = true} : memref<80x128xf32, #tpu.memory_space<vmem>>[vector<16xi32>, vector<16xi32>], vector<16xf32>,
        %mul3A_343 = arith.constant 128 : i32
        %mul3A_344 = arith.muli %add3A_300, %mul3A_343 : i32
        %add3A_345 = arith.constant 48 : i32
        %add3A_346 = arith.addi %mul3A_344, %add3A_345 : i32
        %get3A_347 = arith.index_cast %add3A_346 : i32 to index
        %get3A_348 = tpu.vector_load %arg9[%get3A_347] {strides = array<i32>} : memref<2048xi32, #tpu.memory_space<vmem>>, vector<16xi32>,
        %get3A_349 = arith.index_cast %add3A_300 : i32 to index
        %get3A_350 = arith.constant 48 : index
        %get3A_351 = tpu.vector_load %arg15[%get3A_349, %get3A_350] {strides = array<i32>} : memref<16x128xf32, #tpu.memory_space<vmem>>, vector<16xf32>,
        %shift_right_logical3A_352 = arith.constant 7 : i32
        %shift_right_logical3A_353 = vector.broadcast %shift_right_logical3A_352 : i32 to vector<16xi32>
        %shift_right_logical3A_354 = arith.shrui %get3A_348, %shift_right_logical3A_353 : vector<16xi32>
        %and3A_355 = arith.constant 127 : i32
        %and3A_356 = vector.broadcast %and3A_355 : i32 to vector<16xi32>
        %and3A_357 = arith.andi %get3A_348, %and3A_356 : vector<16xi32>
        tpu.vector_store_idx %arg18[%shift_right_logical3A_354, %and3A_357], %get3A_351 {add = true} : memref<80x128xf32, #tpu.memory_space<vmem>>[vector<16xi32>, vector<16xi32>], vector<16xf32>,
        %mul3A_358 = arith.constant 128 : i32
        %mul3A_359 = arith.muli %add3A_300, %mul3A_358 : i32
        %add3A_360 = arith.constant 64 : i32
        %add3A_361 = arith.addi %mul3A_359, %add3A_360 : i32
        %get3A_362 = arith.index_cast %add3A_361 : i32 to index
        %get3A_363 = tpu.vector_load %arg9[%get3A_362] {strides = array<i32>} : memref<2048xi32, #tpu.memory_space<vmem>>, vector<16xi32>,
        %get3A_364 = arith.index_cast %add3A_300 : i32 to index
        %get3A_365 = arith.constant 64 : index
        %get3A_366 = tpu.vector_load %arg15[%get3A_364, %get3A_365] {strides = array<i32>} : memref<16x128xf32, #tpu.memory_space<vmem>>, vector<16xf32>,
        %shift_right_logical3A_367 = arith.constant 7 : i32
        %shift_right_logical3A_368 = vector.broadcast %shift_right_logical3A_367 : i32 to vector<16xi32>
        %shift_right_logical3A_369 = arith.shrui %get3A_363, %shift_right_logical3A_368 : vector<16xi32>
        %and3A_370 = arith.constant 127 : i32
        %and3A_371 = vector.broadcast %and3A_370 : i32 to vector<16xi32>
        %and3A_372 = arith.andi %get3A_363, %and3A_371 : vector<16xi32>
        tpu.vector_store_idx %arg18[%shift_right_logical3A_369, %and3A_372], %get3A_366 {add = true} : memref<80x128xf32, #tpu.memory_space<vmem>>[vector<16xi32>, vector<16xi32>], vector<16xf32>,
        %mul3A_373 = arith.constant 128 : i32
        %mul3A_374 = arith.muli %add3A_300, %mul3A_373 : i32
        %add3A_375 = arith.constant 80 : i32
        %add3A_376 = arith.addi %mul3A_374, %add3A_375 : i32
        %get3A_377 = arith.index_cast %add3A_376 : i32 to index
        %get3A_378 = tpu.vector_load %arg9[%get3A_377] {strides = array<i32>} : memref<2048xi32, #tpu.memory_space<vmem>>, vector<16xi32>,
        %get3A_379 = arith.index_cast %add3A_300 : i32 to index
        %get3A_380 = arith.constant 80 : index
        %get3A_381 = tpu.vector_load %arg15[%get3A_379, %get3A_380] {strides = array<i32>} : memref<16x128xf32, #tpu.memory_space<vmem>>, vector<16xf32>,
        %shift_right_logical3A_382 = arith.constant 7 : i32
        %shift_right_logical3A_383 = vector.broadcast %shift_right_logical3A_382 : i32 to vector<16xi32>
        %shift_right_logical3A_384 = arith.shrui %get3A_378, %shift_right_logical3A_383 : vector<16xi32>
        %and3A_385 = arith.constant 127 : i32
        %and3A_386 = vector.broadcast %and3A_385 : i32 to vector<16xi32>
        %and3A_387 = arith.andi %get3A_378, %and3A_386 : vector<16xi32>
        tpu.vector_store_idx %arg18[%shift_right_logical3A_384, %and3A_387], %get3A_381 {add = true} : memref<80x128xf32, #tpu.memory_space<vmem>>[vector<16xi32>, vector<16xi32>], vector<16xf32>,
        %mul3A_388 = arith.constant 128 : i32
        %mul3A_389 = arith.muli %add3A_300, %mul3A_388 : i32
        %add3A_390 = arith.constant 96 : i32
        %add3A_391 = arith.addi %mul3A_389, %add3A_390 : i32
        %get3A_392 = arith.index_cast %add3A_391 : i32 to index
        %get3A_393 = tpu.vector_load %arg9[%get3A_392] {strides = array<i32>} : memref<2048xi32, #tpu.memory_space<vmem>>, vector<16xi32>,
        %get3A_394 = arith.index_cast %add3A_300 : i32 to index
        %get3A_395 = arith.constant 96 : index
        %get3A_396 = tpu.vector_load %arg15[%get3A_394, %get3A_395] {strides = array<i32>} : memref<16x128xf32, #tpu.memory_space<vmem>>, vector<16xf32>,
        %shift_right_logical3A_397 = arith.constant 7 : i32
        %shift_right_logical3A_398 = vector.broadcast %shift_right_logical3A_397 : i32 to vector<16xi32>
        %shift_right_logical3A_399 = arith.shrui %get3A_393, %shift_right_logical3A_398 : vector<16xi32>
        %and3A_400 = arith.constant 127 : i32
        %and3A_401 = vector.broadcast %and3A_400 : i32 to vector<16xi32>
        %and3A_402 = arith.andi %get3A_393, %and3A_401 : vector<16xi32>
        tpu.vector_store_idx %arg18[%shift_right_logical3A_399, %and3A_402], %get3A_396 {add = true} : memref<80x128xf32, #tpu.memory_space<vmem>>[vector<16xi32>, vector<16xi32>], vector<16xf32>,
        %mul3A_403 = arith.constant 128 : i32
        %mul3A_404 = arith.muli %add3A_300, %mul3A_403 : i32
        %add3A_405 = arith.constant 112 : i32
        %add3A_406 = arith.addi %mul3A_404, %add3A_405 : i32
        %get3A_407 = arith.index_cast %add3A_406 : i32 to index
        %get3A_408 = tpu.vector_load %arg9[%get3A_407] {strides = array<i32>} : memref<2048xi32, #tpu.memory_space<vmem>>, vector<16xi32>,
        %get3A_409 = arith.index_cast %add3A_300 : i32 to index
        %get3A_410 = arith.constant 112 : index
        %get3A_411 = tpu.vector_load %arg15[%get3A_409, %get3A_410] {strides = array<i32>} : memref<16x128xf32, #tpu.memory_space<vmem>>, vector<16xf32>,
        %shift_right_logical3A_412 = arith.constant 7 : i32
        %shift_right_logical3A_413 = vector.broadcast %shift_right_logical3A_412 : i32 to vector<16xi32>
        %shift_right_logical3A_414 = arith.shrui %get3A_408, %shift_right_logical3A_413 : vector<16xi32>
        %and3A_415 = arith.constant 127 : i32
        %and3A_416 = vector.broadcast %and3A_415 : i32 to vector<16xi32>
        %and3A_417 = arith.andi %get3A_408, %and3A_416 : vector<16xi32>
        tpu.vector_store_idx %arg18[%shift_right_logical3A_414, %and3A_417], %get3A_411 {add = true} : memref<80x128xf32, #tpu.memory_space<vmem>>[vector<16xi32>, vector<16xi32>], vector<16xf32>,
      }
      %scan3A_210 = arith.constant 16 : i32
      %add3A_211 = arith.constant 3 : i32
      %add3A_212 = arith.addi %mul3A_94, %add3A_211 : i32
      %rem3A_213 = arith.constant 16 : i32
      %rem3A_214 = arith.remsi %add3A_212, %rem3A_213 : i32
      %eq3A_215 = arith.cmpi eq, %rem3A_214, %arg1 : i32
      %convert_element_type3A_216 = arith.extui %eq3A_215 : i1 to i32
      %cond3A_217 = arith.constant 0 : i32
      %cond3A_218 = arith.cmpi ne, %convert_element_type3A_216, %cond3A_217 : i32
      scf.if %cond3A_218 {
        %scan3A_296 = arith.constant 0 : i32
        %scan3A_297 = arith.constant 16 : i32
        %scan3A_298 = arith.addi %scan3A_296, %scan3A_297 : i32
        %scan3A_299 = arith.constant 1 : i32
        scf.for %scan3A_301 = %scan3A_296 to %scan3A_298 step %scan3A_299  : i32 {
          %mul3A_302 = arith.constant 1 : i32
          %mul3A_303 = arith.muli %scan3A_301, %mul3A_302 : i32
          %add3A_304 = arith.constant 0 : i32
          %add3A_305 = arith.addi %add3A_304, %mul3A_303 : i32
          %mul3A_306 = arith.constant 128 : i32
          %mul3A_307 = arith.muli %add3A_305, %mul3A_306 : i32
          %add3A_308 = arith.constant 0 : i32
          %add3A_309 = arith.addi %mul3A_307, %add3A_308 : i32
          %get3A = arith.index_cast %add3A_309 : i32 to index
          %get3A_310 = tpu.vector_load %arg9[%get3A] {strides = array<i32>} : memref<2048xi32, #tpu.memory_space<vmem>>, vector<16xi32>,
          %shift_right_logical3A = arith.constant 7 : i32
          %shift_right_logical3A_311 = vector.broadcast %shift_right_logical3A : i32 to vector<16xi32>
          %shift_right_logical3A_312 = arith.shrui %get3A_310, %shift_right_logical3A_311 : vector<16xi32>
          %and3A = arith.constant 127 : i32
          %and3A_313 = vector.broadcast %and3A : i32 to vector<16xi32>
          %and3A_314 = arith.andi %get3A_310, %and3A_313 : vector<16xi32>
          tpu.vector_store_idx %arg19[%shift_right_logical3A_312, %and3A_314], %broadcast_in_dim3A_5 {add = true} : memref<80x128xf32, #tpu.memory_space<vmem>>[vector<16xi32>, vector<16xi32>], vector<16xf32>,
          %mul3A_315 = arith.constant 128 : i32
          %mul3A_316 = arith.muli %add3A_305, %mul3A_315 : i32
          %add3A_317 = arith.constant 16 : i32
          %add3A_318 = arith.addi %mul3A_316, %add3A_317 : i32
          %get3A_319 = arith.index_cast %add3A_318 : i32 to index
          %get3A_320 = tpu.vector_load %arg9[%get3A_319] {strides = array<i32>} : memref<2048xi32, #tpu.memory_space<vmem>>, vector<16xi32>,
          %shift_right_logical3A_321 = arith.constant 7 : i32
          %shift_right_logical3A_322 = vector.broadcast %shift_right_logical3A_321 : i32 to vector<16xi32>
          %shift_right_logical3A_323 = arith.shrui %get3A_320, %shift_right_logical3A_322 : vector<16xi32>
          %and3A_324 = arith.constant 127 : i32
          %and3A_325 = vector.broadcast %and3A_324 : i32 to vector<16xi32>
          %and3A_326 = arith.andi %get3A_320, %and3A_325 : vector<16xi32>
          tpu.vector_store_idx %arg19[%shift_right_logical3A_323, %and3A_326], %broadcast_in_dim3A_5 {add = true} : memref<80x128xf32, #tpu.memory_space<vmem>>[vector<16xi32>, vector<16xi32>], vector<16xf32>,
          %mul3A_327 = arith.constant 128 : i32
          %mul3A_328 = arith.muli %add3A_305, %mul3A_327 : i32
          %add3A_329 = arith.constant 32 : i32
          %add3A_330 = arith.addi %mul3A_328, %add3A_329 : i32
          %get3A_331 = arith.index_cast %add3A_330 : i32 to index
          %get3A_332 = tpu.vector_load %arg9[%get3A_331] {strides = array<i32>} : memref<2048xi32, #tpu.memory_space<vmem>>, vector<16xi32>,
          %shift_right_logical3A_333 = arith.constant 7 : i32
          %shift_right_logical3A_334 = vector.broadcast %shift_right_logical3A_333 : i32 to vector<16xi32>
          %shift_right_logical3A_335 = arith.shrui %get3A_332, %shift_right_logical3A_334 : vector<16xi32>
          %and3A_336 = arith.constant 127 : i32
          %and3A_337 = vector.broadcast %and3A_336 : i32 to vector<16xi32>
          %and3A_338 = arith.andi %get3A_332, %and3A_337 : vector<16xi32>
          tpu.vector_store_idx %arg19[%shift_right_logical3A_335, %and3A_338], %broadcast_in_dim3A_5 {add = true} : memref<80x128xf32, #tpu.memory_space<vmem>>[vector<16xi32>, vector<16xi32>], vector<16xf32>,
          %mul3A_339 = arith.constant 128 : i32
          %mul3A_340 = arith.muli %add3A_305, %mul3A_339 : i32
          %add3A_341 = arith.constant 48 : i32
          %add3A_342 = arith.addi %mul3A_340, %add3A_341 : i32
          %get3A_343 = arith.index_cast %add3A_342 : i32 to index
          %get3A_344 = tpu.vector_load %arg9[%get3A_343] {strides = array<i32>} : memref<2048xi32, #tpu.memory_space<vmem>>, vector<16xi32>,
          %shift_right_logical3A_345 = arith.constant 7 : i32
          %shift_right_logical3A_346 = vector.broadcast %shift_right_logical3A_345 : i32 to vector<16xi32>
          %shift_right_logical3A_347 = arith.shrui %get3A_344, %shift_right_logical3A_346 : vector<16xi32>
          %and3A_348 = arith.constant 127 : i32
          %and3A_349 = vector.broadcast %and3A_348 : i32 to vector<16xi32>
          %and3A_350 = arith.andi %get3A_344, %and3A_349 : vector<16xi32>
          tpu.vector_store_idx %arg19[%shift_right_logical3A_347, %and3A_350], %broadcast_in_dim3A_5 {add = true} : memref<80x128xf32, #tpu.memory_space<vmem>>[vector<16xi32>, vector<16xi32>], vector<16xf32>,
          %mul3A_351 = arith.constant 128 : i32
          %mul3A_352 = arith.muli %add3A_305, %mul3A_351 : i32
          %add3A_353 = arith.constant 64 : i32
          %add3A_354 = arith.addi %mul3A_352, %add3A_353 : i32
          %get3A_355 = arith.index_cast %add3A_354 : i32 to index
          %get3A_356 = tpu.vector_load %arg9[%get3A_355] {strides = array<i32>} : memref<2048xi32, #tpu.memory_space<vmem>>, vector<16xi32>,
          %shift_right_logical3A_357 = arith.constant 7 : i32
          %shift_right_logical3A_358 = vector.broadcast %shift_right_logical3A_357 : i32 to vector<16xi32>
          %shift_right_logical3A_359 = arith.shrui %get3A_356, %shift_right_logical3A_358 : vector<16xi32>
          %and3A_360 = arith.constant 127 : i32
          %and3A_361 = vector.broadcast %and3A_360 : i32 to vector<16xi32>
          %and3A_362 = arith.andi %get3A_356, %and3A_361 : vector<16xi32>
          tpu.vector_store_idx %arg19[%shift_right_logical3A_359, %and3A_362], %broadcast_in_dim3A_5 {add = true} : memref<80x128xf32, #tpu.memory_space<vmem>>[vector<16xi32>, vector<16xi32>], vector<16xf32>,
          %mul3A_363 = arith.constant 128 : i32
          %mul3A_364 = arith.muli %add3A_305, %mul3A_363 : i32
          %add3A_365 = arith.constant 80 : i32
          %add3A_366 = arith.addi %mul3A_364, %add3A_365 : i32
          %get3A_367 = arith.index_cast %add3A_366 : i32 to index
          %get3A_368 = tpu.vector_load %arg9[%get3A_367] {strides = array<i32>} : memref<2048xi32, #tpu.memory_space<vmem>>, vector<16xi32>,
          %shift_right_logical3A_369 = arith.constant 7 : i32
          %shift_right_logical3A_370 = vector.broadcast %shift_right_logical3A_369 : i32 to vector<16xi32>
          %shift_right_logical3A_371 = arith.shrui %get3A_368, %shift_right_logical3A_370 : vector<16xi32>
          %and3A_372 = arith.constant 127 : i32
          %and3A_373 = vector.broadcast %and3A_372 : i32 to vector<16xi32>
          %and3A_374 = arith.andi %get3A_368, %and3A_373 : vector<16xi32>
          tpu.vector_store_idx %arg19[%shift_right_logical3A_371, %and3A_374], %broadcast_in_dim3A_5 {add = true} : memref<80x128xf32, #tpu.memory_space<vmem>>[vector<16xi32>, vector<16xi32>], vector<16xf32>,
          %mul3A_375 = arith.constant 128 : i32
          %mul3A_376 = arith.muli %add3A_305, %mul3A_375 : i32
          %add3A_377 = arith.constant 96 : i32
          %add3A_378 = arith.addi %mul3A_376, %add3A_377 : i32
          %get3A_379 = arith.index_cast %add3A_378 : i32 to index
          %get3A_380 = tpu.vector_load %arg9[%get3A_379] {strides = array<i32>} : memref<2048xi32, #tpu.memory_space<vmem>>, vector<16xi32>,
          %shift_right_logical3A_381 = arith.constant 7 : i32
          %shift_right_logical3A_382 = vector.broadcast %shift_right_logical3A_381 : i32 to vector<16xi32>
          %shift_right_logical3A_383 = arith.shrui %get3A_380, %shift_right_logical3A_382 : vector<16xi32>
          %and3A_384 = arith.constant 127 : i32
          %and3A_385 = vector.broadcast %and3A_384 : i32 to vector<16xi32>
          %and3A_386 = arith.andi %get3A_380, %and3A_385 : vector<16xi32>
          tpu.vector_store_idx %arg19[%shift_right_logical3A_383, %and3A_386], %broadcast_in_dim3A_5 {add = true} : memref<80x128xf32, #tpu.memory_space<vmem>>[vector<16xi32>, vector<16xi32>], vector<16xf32>,
          %mul3A_387 = arith.constant 128 : i32
          %mul3A_388 = arith.muli %add3A_305, %mul3A_387 : i32
          %add3A_389 = arith.constant 112 : i32
          %add3A_390 = arith.addi %mul3A_388, %add3A_389 : i32
          %get3A_391 = arith.index_cast %add3A_390 : i32 to index
          %get3A_392 = tpu.vector_load %arg9[%get3A_391] {strides = array<i32>} : memref<2048xi32, #tpu.memory_space<vmem>>, vector<16xi32>,
          %shift_right_logical3A_393 = arith.constant 7 : i32
          %shift_right_logical3A_394 = vector.broadcast %shift_right_logical3A_393 : i32 to vector<16xi32>
          %shift_right_logical3A_395 = arith.shrui %get3A_392, %shift_right_logical3A_394 : vector<16xi32>
          %and3A_396 = arith.constant 127 : i32
          %and3A_397 = vector.broadcast %and3A_396 : i32 to vector<16xi32>
          %and3A_398 = arith.andi %get3A_392, %and3A_397 : vector<16xi32>
          tpu.vector_store_idx %arg19[%shift_right_logical3A_395, %and3A_398], %broadcast_in_dim3A_5 {add = true} : memref<80x128xf32, #tpu.memory_space<vmem>>[vector<16xi32>, vector<16xi32>], vector<16xf32>,
        }
        %scan3A_300 = arith.constant 16 : i32
      } else {
      }
      %add3A_219 = arith.constant 3 : i32
      %add3A_220 = arith.addi %mul3A_94, %add3A_219 : i32
      %add3A_221 = arith.constant 6 : i32
      %add3A_222 = arith.addi %add3A_220, %add3A_221 : i32
      %lt3A_223 = arith.constant 78 : i32
      %lt3A_224 = arith.cmpi slt, %add3A_222, %lt3A_223 : i32
      %convert_element_type3A_225 = arith.extui %lt3A_224 : i1 to i32
      %cond3A_226 = arith.constant 0 : i32
      %cond3A_227 = arith.cmpi ne, %convert_element_type3A_225, %cond3A_226 : i32
      scf.if %cond3A_227 {
        %add3A_296 = arith.constant 3 : i32
        %add3A_297 = arith.addi %mul3A_94, %add3A_296 : i32
        %add3A_298 = arith.constant 6 : i32
        %add3A_299 = arith.addi %add3A_297, %add3A_298 : i32
        %mul3A_300 = arith.constant 16 : i32
        %mul3A_301 = arith.muli %add3A_299, %mul3A_300 : i32
        %add3A_302 = arith.addi %mul3A_2, %mul3A_301 : i32
        %mul3A_303 = arith.constant 128 : i32
        %mul3A_304 = arith.muli %add3A_302, %mul3A_303 : i32
        %dma_start3A_305 = tpu.memref_slice %arg2[%mul3A_304] : memref<320000xi32, #tpu.memory_space<hbm>> -> memref<2048xi32, #tpu.memory_space<hbm>>
        %dma_start3A_306 = tpu.memref_slice %arg2[%mul3A_304] : memref<320000xi32, #tpu.memory_space<hbm>> -> memref<2048xi32, #tpu.memory_space<hbm>>
        tpu.enqueue_dma source(%dma_start3A_306 : memref<2048xi32, #tpu.memory_space<hbm>>) target(%arg9 : memref<2048xi32, #tpu.memory_space<vmem>>) target_semaphore(%arg23 : memref<!tpu.dma_semaphore, #tpu.memory_space<semaphore_mem>>)
        %dma_start3A_307 = arith.constant 0 : i32
        %dma_start3A_308 = tpu.memref_slice %arg3[%arg1, %add3A_302, %dma_start3A_307] : memref<16x2500x128xf32, #tpu.memory_space<hbm>> -> memref<1x16x128xf32, #tpu.memory_space<hbm>>
        %dma_start3A_309 = tpu.memref_squeeze %dma_start3A_308 : memref<1x16x128xf32, #tpu.memory_space<hbm>> -> memref<16x128xf32, #tpu.memory_space<hbm>>
        %dma_start3A_310 = arith.constant 0 : i32
        %dma_start3A_311 = tpu.memref_slice %arg3[%arg1, %add3A_302, %dma_start3A_310] : memref<16x2500x128xf32, #tpu.memory_space<hbm>> -> memref<1x16x128xf32, #tpu.memory_space<hbm>>
        %dma_start3A_312 = tpu.memref_squeeze %dma_start3A_311 : memref<1x16x128xf32, #tpu.memory_space<hbm>> -> memref<16x128xf32, #tpu.memory_space<hbm>>
        tpu.enqueue_dma source(%dma_start3A_312 : memref<16x128xf32, #tpu.memory_space<hbm>>) target(%arg15 : memref<16x128xf32, #tpu.memory_space<vmem>>) target_semaphore(%arg29 : memref<!tpu.dma_semaphore, #tpu.memory_space<semaphore_mem>>)
      } else {
      }
      %dma_wait3A_228 = arith.constant 0 : i32
      %dma_wait3A_229 = tpu.memref_slice %arg2[%dma_wait3A_228] : memref<320000xi32, #tpu.memory_space<hbm>> -> memref<2048xi32, #tpu.memory_space<hbm>>
      %dma_wait3A_230 = arith.constant 0 : i32
      %dma_wait3A_231 = tpu.memref_slice %arg2[%dma_wait3A_230] : memref<320000xi32, #tpu.memory_space<hbm>> -> memref<2048xi32, #tpu.memory_space<hbm>>
      tpu.wait_dma2 semaphore(%arg24 : memref<!tpu.dma_semaphore, #tpu.memory_space<semaphore_mem>>) src(%dma_wait3A_231 : memref<2048xi32, #tpu.memory_space<hbm>>) dst(%arg10 : memref<2048xi32, #tpu.memory_space<vmem>>)
      %dma_wait3A_232 = arith.constant 0 : i32
      %dma_wait3A_233 = arith.constant 0 : i32
      %dma_wait3A_234 = tpu.memref_slice %arg3[%arg1, %dma_wait3A_232, %dma_wait3A_233] : memref<16x2500x128xf32, #tpu.memory_space<hbm>> -> memref<1x16x128xf32, #tpu.memory_space<hbm>>
      %dma_wait3A_235 = tpu.memref_squeeze %dma_wait3A_234 : memref<1x16x128xf32, #tpu.memory_space<hbm>> -> memref<16x128xf32, #tpu.memory_space<hbm>>
      %dma_wait3A_236 = arith.constant 0 : i32
      %dma_wait3A_237 = arith.constant 0 : i32
      %dma_wait3A_238 = tpu.memref_slice %arg3[%arg1, %dma_wait3A_236, %dma_wait3A_237] : memref<16x2500x128xf32, #tpu.memory_space<hbm>> -> memref<1x16x128xf32, #tpu.memory_space<hbm>>
      %dma_wait3A_239 = tpu.memref_squeeze %dma_wait3A_238 : memref<1x16x128xf32, #tpu.memory_space<hbm>> -> memref<16x128xf32, #tpu.memory_space<hbm>>
      tpu.wait_dma2 semaphore(%arg30 : memref<!tpu.dma_semaphore, #tpu.memory_space<semaphore_mem>>) src(%dma_wait3A_239 : memref<16x128xf32, #tpu.memory_space<hbm>>) dst(%arg16 : memref<16x128xf32, #tpu.memory_space<vmem>>)
      %scan3A_240 = arith.constant 0 : i32
      %scan3A_241 = arith.constant 16 : i32
      %scan3A_242 = arith.addi %scan3A_240, %scan3A_241 : i32
      %scan3A_243 = arith.constant 1 : i32
      scf.for %scan3A_296 = %scan3A_240 to %scan3A_242 step %scan3A_243  : i32 {
        %mul3A_297 = arith.constant 1 : i32
        %mul3A_298 = arith.muli %scan3A_296, %mul3A_297 : i32
        %add3A_299 = arith.constant 0 : i32
        %add3A_300 = arith.addi %add3A_299, %mul3A_298 : i32
        %mul3A_301 = arith.constant 128 : i32
        %mul3A_302 = arith.muli %add3A_300, %mul3A_301 : i32
        %add3A_303 = arith.constant 0 : i32
        %add3A_304 = arith.addi %mul3A_302, %add3A_303 : i32
        %get3A = arith.index_cast %add3A_304 : i32 to index
        %get3A_305 = tpu.vector_load %arg10[%get3A] {strides = array<i32>} : memref<2048xi32, #tpu.memory_space<vmem>>, vector<16xi32>,
        %get3A_306 = arith.index_cast %add3A_300 : i32 to index
        %get3A_307 = arith.constant 0 : index
        %get3A_308 = tpu.vector_load %arg16[%get3A_306, %get3A_307] {strides = array<i32>} : memref<16x128xf32, #tpu.memory_space<vmem>>, vector<16xf32>,
        %shift_right_logical3A = arith.constant 7 : i32
        %shift_right_logical3A_309 = vector.broadcast %shift_right_logical3A : i32 to vector<16xi32>
        %shift_right_logical3A_310 = arith.shrui %get3A_305, %shift_right_logical3A_309 : vector<16xi32>
        %and3A = arith.constant 127 : i32
        %and3A_311 = vector.broadcast %and3A : i32 to vector<16xi32>
        %and3A_312 = arith.andi %get3A_305, %and3A_311 : vector<16xi32>
        tpu.vector_store_idx %arg18[%shift_right_logical3A_310, %and3A_312], %get3A_308 {add = true} : memref<80x128xf32, #tpu.memory_space<vmem>>[vector<16xi32>, vector<16xi32>], vector<16xf32>,
        %mul3A_313 = arith.constant 128 : i32
        %mul3A_314 = arith.muli %add3A_300, %mul3A_313 : i32
        %add3A_315 = arith.constant 16 : i32
        %add3A_316 = arith.addi %mul3A_314, %add3A_315 : i32
        %get3A_317 = arith.index_cast %add3A_316 : i32 to index
        %get3A_318 = tpu.vector_load %arg10[%get3A_317] {strides = array<i32>} : memref<2048xi32, #tpu.memory_space<vmem>>, vector<16xi32>,
        %get3A_319 = arith.index_cast %add3A_300 : i32 to index
        %get3A_320 = arith.constant 16 : index
        %get3A_321 = tpu.vector_load %arg16[%get3A_319, %get3A_320] {strides = array<i32>} : memref<16x128xf32, #tpu.memory_space<vmem>>, vector<16xf32>,
        %shift_right_logical3A_322 = arith.constant 7 : i32
        %shift_right_logical3A_323 = vector.broadcast %shift_right_logical3A_322 : i32 to vector<16xi32>
        %shift_right_logical3A_324 = arith.shrui %get3A_318, %shift_right_logical3A_323 : vector<16xi32>
        %and3A_325 = arith.constant 127 : i32
        %and3A_326 = vector.broadcast %and3A_325 : i32 to vector<16xi32>
        %and3A_327 = arith.andi %get3A_318, %and3A_326 : vector<16xi32>
        tpu.vector_store_idx %arg18[%shift_right_logical3A_324, %and3A_327], %get3A_321 {add = true} : memref<80x128xf32, #tpu.memory_space<vmem>>[vector<16xi32>, vector<16xi32>], vector<16xf32>,
        %mul3A_328 = arith.constant 128 : i32
        %mul3A_329 = arith.muli %add3A_300, %mul3A_328 : i32
        %add3A_330 = arith.constant 32 : i32
        %add3A_331 = arith.addi %mul3A_329, %add3A_330 : i32
        %get3A_332 = arith.index_cast %add3A_331 : i32 to index
        %get3A_333 = tpu.vector_load %arg10[%get3A_332] {strides = array<i32>} : memref<2048xi32, #tpu.memory_space<vmem>>, vector<16xi32>,
        %get3A_334 = arith.index_cast %add3A_300 : i32 to index
        %get3A_335 = arith.constant 32 : index
        %get3A_336 = tpu.vector_load %arg16[%get3A_334, %get3A_335] {strides = array<i32>} : memref<16x128xf32, #tpu.memory_space<vmem>>, vector<16xf32>,
        %shift_right_logical3A_337 = arith.constant 7 : i32
        %shift_right_logical3A_338 = vector.broadcast %shift_right_logical3A_337 : i32 to vector<16xi32>
        %shift_right_logical3A_339 = arith.shrui %get3A_333, %shift_right_logical3A_338 : vector<16xi32>
        %and3A_340 = arith.constant 127 : i32
        %and3A_341 = vector.broadcast %and3A_340 : i32 to vector<16xi32>
        %and3A_342 = arith.andi %get3A_333, %and3A_341 : vector<16xi32>
        tpu.vector_store_idx %arg18[%shift_right_logical3A_339, %and3A_342], %get3A_336 {add = true} : memref<80x128xf32, #tpu.memory_space<vmem>>[vector<16xi32>, vector<16xi32>], vector<16xf32>,
        %mul3A_343 = arith.constant 128 : i32
        %mul3A_344 = arith.muli %add3A_300, %mul3A_343 : i32
        %add3A_345 = arith.constant 48 : i32
        %add3A_346 = arith.addi %mul3A_344, %add3A_345 : i32
        %get3A_347 = arith.index_cast %add3A_346 : i32 to index
        %get3A_348 = tpu.vector_load %arg10[%get3A_347] {strides = array<i32>} : memref<2048xi32, #tpu.memory_space<vmem>>, vector<16xi32>,
        %get3A_349 = arith.index_cast %add3A_300 : i32 to index
        %get3A_350 = arith.constant 48 : index
        %get3A_351 = tpu.vector_load %arg16[%get3A_349, %get3A_350] {strides = array<i32>} : memref<16x128xf32, #tpu.memory_space<vmem>>, vector<16xf32>,
        %shift_right_logical3A_352 = arith.constant 7 : i32
        %shift_right_logical3A_353 = vector.broadcast %shift_right_logical3A_352 : i32 to vector<16xi32>
        %shift_right_logical3A_354 = arith.shrui %get3A_348, %shift_right_logical3A_353 : vector<16xi32>
        %and3A_355 = arith.constant 127 : i32
        %and3A_356 = vector.broadcast %and3A_355 : i32 to vector<16xi32>
        %and3A_357 = arith.andi %get3A_348, %and3A_356 : vector<16xi32>
        tpu.vector_store_idx %arg18[%shift_right_logical3A_354, %and3A_357], %get3A_351 {add = true} : memref<80x128xf32, #tpu.memory_space<vmem>>[vector<16xi32>, vector<16xi32>], vector<16xf32>,
        %mul3A_358 = arith.constant 128 : i32
        %mul3A_359 = arith.muli %add3A_300, %mul3A_358 : i32
        %add3A_360 = arith.constant 64 : i32
        %add3A_361 = arith.addi %mul3A_359, %add3A_360 : i32
        %get3A_362 = arith.index_cast %add3A_361 : i32 to index
        %get3A_363 = tpu.vector_load %arg10[%get3A_362] {strides = array<i32>} : memref<2048xi32, #tpu.memory_space<vmem>>, vector<16xi32>,
        %get3A_364 = arith.index_cast %add3A_300 : i32 to index
        %get3A_365 = arith.constant 64 : index
        %get3A_366 = tpu.vector_load %arg16[%get3A_364, %get3A_365] {strides = array<i32>} : memref<16x128xf32, #tpu.memory_space<vmem>>, vector<16xf32>,
        %shift_right_logical3A_367 = arith.constant 7 : i32
        %shift_right_logical3A_368 = vector.broadcast %shift_right_logical3A_367 : i32 to vector<16xi32>
        %shift_right_logical3A_369 = arith.shrui %get3A_363, %shift_right_logical3A_368 : vector<16xi32>
        %and3A_370 = arith.constant 127 : i32
        %and3A_371 = vector.broadcast %and3A_370 : i32 to vector<16xi32>
        %and3A_372 = arith.andi %get3A_363, %and3A_371 : vector<16xi32>
        tpu.vector_store_idx %arg18[%shift_right_logical3A_369, %and3A_372], %get3A_366 {add = true} : memref<80x128xf32, #tpu.memory_space<vmem>>[vector<16xi32>, vector<16xi32>], vector<16xf32>,
        %mul3A_373 = arith.constant 128 : i32
        %mul3A_374 = arith.muli %add3A_300, %mul3A_373 : i32
        %add3A_375 = arith.constant 80 : i32
        %add3A_376 = arith.addi %mul3A_374, %add3A_375 : i32
        %get3A_377 = arith.index_cast %add3A_376 : i32 to index
        %get3A_378 = tpu.vector_load %arg10[%get3A_377] {strides = array<i32>} : memref<2048xi32, #tpu.memory_space<vmem>>, vector<16xi32>,
        %get3A_379 = arith.index_cast %add3A_300 : i32 to index
        %get3A_380 = arith.constant 80 : index
        %get3A_381 = tpu.vector_load %arg16[%get3A_379, %get3A_380] {strides = array<i32>} : memref<16x128xf32, #tpu.memory_space<vmem>>, vector<16xf32>,
        %shift_right_logical3A_382 = arith.constant 7 : i32
        %shift_right_logical3A_383 = vector.broadcast %shift_right_logical3A_382 : i32 to vector<16xi32>
        %shift_right_logical3A_384 = arith.shrui %get3A_378, %shift_right_logical3A_383 : vector<16xi32>
        %and3A_385 = arith.constant 127 : i32
        %and3A_386 = vector.broadcast %and3A_385 : i32 to vector<16xi32>
        %and3A_387 = arith.andi %get3A_378, %and3A_386 : vector<16xi32>
        tpu.vector_store_idx %arg18[%shift_right_logical3A_384, %and3A_387], %get3A_381 {add = true} : memref<80x128xf32, #tpu.memory_space<vmem>>[vector<16xi32>, vector<16xi32>], vector<16xf32>,
        %mul3A_388 = arith.constant 128 : i32
        %mul3A_389 = arith.muli %add3A_300, %mul3A_388 : i32
        %add3A_390 = arith.constant 96 : i32
        %add3A_391 = arith.addi %mul3A_389, %add3A_390 : i32
        %get3A_392 = arith.index_cast %add3A_391 : i32 to index
        %get3A_393 = tpu.vector_load %arg10[%get3A_392] {strides = array<i32>} : memref<2048xi32, #tpu.memory_space<vmem>>, vector<16xi32>,
        %get3A_394 = arith.index_cast %add3A_300 : i32 to index
        %get3A_395 = arith.constant 96 : index
        %get3A_396 = tpu.vector_load %arg16[%get3A_394, %get3A_395] {strides = array<i32>} : memref<16x128xf32, #tpu.memory_space<vmem>>, vector<16xf32>,
        %shift_right_logical3A_397 = arith.constant 7 : i32
        %shift_right_logical3A_398 = vector.broadcast %shift_right_logical3A_397 : i32 to vector<16xi32>
        %shift_right_logical3A_399 = arith.shrui %get3A_393, %shift_right_logical3A_398 : vector<16xi32>
        %and3A_400 = arith.constant 127 : i32
        %and3A_401 = vector.broadcast %and3A_400 : i32 to vector<16xi32>
        %and3A_402 = arith.andi %get3A_393, %and3A_401 : vector<16xi32>
        tpu.vector_store_idx %arg18[%shift_right_logical3A_399, %and3A_402], %get3A_396 {add = true} : memref<80x128xf32, #tpu.memory_space<vmem>>[vector<16xi32>, vector<16xi32>], vector<16xf32>,
        %mul3A_403 = arith.constant 128 : i32
        %mul3A_404 = arith.muli %add3A_300, %mul3A_403 : i32
        %add3A_405 = arith.constant 112 : i32
        %add3A_406 = arith.addi %mul3A_404, %add3A_405 : i32
        %get3A_407 = arith.index_cast %add3A_406 : i32 to index
        %get3A_408 = tpu.vector_load %arg10[%get3A_407] {strides = array<i32>} : memref<2048xi32, #tpu.memory_space<vmem>>, vector<16xi32>,
        %get3A_409 = arith.index_cast %add3A_300 : i32 to index
        %get3A_410 = arith.constant 112 : index
        %get3A_411 = tpu.vector_load %arg16[%get3A_409, %get3A_410] {strides = array<i32>} : memref<16x128xf32, #tpu.memory_space<vmem>>, vector<16xf32>,
        %shift_right_logical3A_412 = arith.constant 7 : i32
        %shift_right_logical3A_413 = vector.broadcast %shift_right_logical3A_412 : i32 to vector<16xi32>
        %shift_right_logical3A_414 = arith.shrui %get3A_408, %shift_right_logical3A_413 : vector<16xi32>
        %and3A_415 = arith.constant 127 : i32
        %and3A_416 = vector.broadcast %and3A_415 : i32 to vector<16xi32>
        %and3A_417 = arith.andi %get3A_408, %and3A_416 : vector<16xi32>
        tpu.vector_store_idx %arg18[%shift_right_logical3A_414, %and3A_417], %get3A_411 {add = true} : memref<80x128xf32, #tpu.memory_space<vmem>>[vector<16xi32>, vector<16xi32>], vector<16xf32>,
      }
      %scan3A_244 = arith.constant 16 : i32
      %add3A_245 = arith.constant 4 : i32
      %add3A_246 = arith.addi %mul3A_94, %add3A_245 : i32
      %rem3A_247 = arith.constant 16 : i32
      %rem3A_248 = arith.remsi %add3A_246, %rem3A_247 : i32
      %eq3A_249 = arith.cmpi eq, %rem3A_248, %arg1 : i32
      %convert_element_type3A_250 = arith.extui %eq3A_249 : i1 to i32
      %cond3A_251 = arith.constant 0 : i32
      %cond3A_252 = arith.cmpi ne, %convert_element_type3A_250, %cond3A_251 : i32
      scf.if %cond3A_252 {
        %scan3A_296 = arith.constant 0 : i32
        %scan3A_297 = arith.constant 16 : i32
        %scan3A_298 = arith.addi %scan3A_296, %scan3A_297 : i32
        %scan3A_299 = arith.constant 1 : i32
        scf.for %scan3A_301 = %scan3A_296 to %scan3A_298 step %scan3A_299  : i32 {
          %mul3A_302 = arith.constant 1 : i32
          %mul3A_303 = arith.muli %scan3A_301, %mul3A_302 : i32
          %add3A_304 = arith.constant 0 : i32
          %add3A_305 = arith.addi %add3A_304, %mul3A_303 : i32
          %mul3A_306 = arith.constant 128 : i32
          %mul3A_307 = arith.muli %add3A_305, %mul3A_306 : i32
          %add3A_308 = arith.constant 0 : i32
          %add3A_309 = arith.addi %mul3A_307, %add3A_308 : i32
          %get3A = arith.index_cast %add3A_309 : i32 to index
          %get3A_310 = tpu.vector_load %arg10[%get3A] {strides = array<i32>} : memref<2048xi32, #tpu.memory_space<vmem>>, vector<16xi32>,
          %shift_right_logical3A = arith.constant 7 : i32
          %shift_right_logical3A_311 = vector.broadcast %shift_right_logical3A : i32 to vector<16xi32>
          %shift_right_logical3A_312 = arith.shrui %get3A_310, %shift_right_logical3A_311 : vector<16xi32>
          %and3A = arith.constant 127 : i32
          %and3A_313 = vector.broadcast %and3A : i32 to vector<16xi32>
          %and3A_314 = arith.andi %get3A_310, %and3A_313 : vector<16xi32>
          tpu.vector_store_idx %arg19[%shift_right_logical3A_312, %and3A_314], %broadcast_in_dim3A_5 {add = true} : memref<80x128xf32, #tpu.memory_space<vmem>>[vector<16xi32>, vector<16xi32>], vector<16xf32>,
          %mul3A_315 = arith.constant 128 : i32
          %mul3A_316 = arith.muli %add3A_305, %mul3A_315 : i32
          %add3A_317 = arith.constant 16 : i32
          %add3A_318 = arith.addi %mul3A_316, %add3A_317 : i32
          %get3A_319 = arith.index_cast %add3A_318 : i32 to index
          %get3A_320 = tpu.vector_load %arg10[%get3A_319] {strides = array<i32>} : memref<2048xi32, #tpu.memory_space<vmem>>, vector<16xi32>,
          %shift_right_logical3A_321 = arith.constant 7 : i32
          %shift_right_logical3A_322 = vector.broadcast %shift_right_logical3A_321 : i32 to vector<16xi32>
          %shift_right_logical3A_323 = arith.shrui %get3A_320, %shift_right_logical3A_322 : vector<16xi32>
          %and3A_324 = arith.constant 127 : i32
          %and3A_325 = vector.broadcast %and3A_324 : i32 to vector<16xi32>
          %and3A_326 = arith.andi %get3A_320, %and3A_325 : vector<16xi32>
          tpu.vector_store_idx %arg19[%shift_right_logical3A_323, %and3A_326], %broadcast_in_dim3A_5 {add = true} : memref<80x128xf32, #tpu.memory_space<vmem>>[vector<16xi32>, vector<16xi32>], vector<16xf32>,
          %mul3A_327 = arith.constant 128 : i32
          %mul3A_328 = arith.muli %add3A_305, %mul3A_327 : i32
          %add3A_329 = arith.constant 32 : i32
          %add3A_330 = arith.addi %mul3A_328, %add3A_329 : i32
          %get3A_331 = arith.index_cast %add3A_330 : i32 to index
          %get3A_332 = tpu.vector_load %arg10[%get3A_331] {strides = array<i32>} : memref<2048xi32, #tpu.memory_space<vmem>>, vector<16xi32>,
          %shift_right_logical3A_333 = arith.constant 7 : i32
          %shift_right_logical3A_334 = vector.broadcast %shift_right_logical3A_333 : i32 to vector<16xi32>
          %shift_right_logical3A_335 = arith.shrui %get3A_332, %shift_right_logical3A_334 : vector<16xi32>
          %and3A_336 = arith.constant 127 : i32
          %and3A_337 = vector.broadcast %and3A_336 : i32 to vector<16xi32>
          %and3A_338 = arith.andi %get3A_332, %and3A_337 : vector<16xi32>
          tpu.vector_store_idx %arg19[%shift_right_logical3A_335, %and3A_338], %broadcast_in_dim3A_5 {add = true} : memref<80x128xf32, #tpu.memory_space<vmem>>[vector<16xi32>, vector<16xi32>], vector<16xf32>,
          %mul3A_339 = arith.constant 128 : i32
          %mul3A_340 = arith.muli %add3A_305, %mul3A_339 : i32
          %add3A_341 = arith.constant 48 : i32
          %add3A_342 = arith.addi %mul3A_340, %add3A_341 : i32
          %get3A_343 = arith.index_cast %add3A_342 : i32 to index
          %get3A_344 = tpu.vector_load %arg10[%get3A_343] {strides = array<i32>} : memref<2048xi32, #tpu.memory_space<vmem>>, vector<16xi32>,
          %shift_right_logical3A_345 = arith.constant 7 : i32
          %shift_right_logical3A_346 = vector.broadcast %shift_right_logical3A_345 : i32 to vector<16xi32>
          %shift_right_logical3A_347 = arith.shrui %get3A_344, %shift_right_logical3A_346 : vector<16xi32>
          %and3A_348 = arith.constant 127 : i32
          %and3A_349 = vector.broadcast %and3A_348 : i32 to vector<16xi32>
          %and3A_350 = arith.andi %get3A_344, %and3A_349 : vector<16xi32>
          tpu.vector_store_idx %arg19[%shift_right_logical3A_347, %and3A_350], %broadcast_in_dim3A_5 {add = true} : memref<80x128xf32, #tpu.memory_space<vmem>>[vector<16xi32>, vector<16xi32>], vector<16xf32>,
          %mul3A_351 = arith.constant 128 : i32
          %mul3A_352 = arith.muli %add3A_305, %mul3A_351 : i32
          %add3A_353 = arith.constant 64 : i32
          %add3A_354 = arith.addi %mul3A_352, %add3A_353 : i32
          %get3A_355 = arith.index_cast %add3A_354 : i32 to index
          %get3A_356 = tpu.vector_load %arg10[%get3A_355] {strides = array<i32>} : memref<2048xi32, #tpu.memory_space<vmem>>, vector<16xi32>,
          %shift_right_logical3A_357 = arith.constant 7 : i32
          %shift_right_logical3A_358 = vector.broadcast %shift_right_logical3A_357 : i32 to vector<16xi32>
          %shift_right_logical3A_359 = arith.shrui %get3A_356, %shift_right_logical3A_358 : vector<16xi32>
          %and3A_360 = arith.constant 127 : i32
          %and3A_361 = vector.broadcast %and3A_360 : i32 to vector<16xi32>
          %and3A_362 = arith.andi %get3A_356, %and3A_361 : vector<16xi32>
          tpu.vector_store_idx %arg19[%shift_right_logical3A_359, %and3A_362], %broadcast_in_dim3A_5 {add = true} : memref<80x128xf32, #tpu.memory_space<vmem>>[vector<16xi32>, vector<16xi32>], vector<16xf32>,
          %mul3A_363 = arith.constant 128 : i32
          %mul3A_364 = arith.muli %add3A_305, %mul3A_363 : i32
          %add3A_365 = arith.constant 80 : i32
          %add3A_366 = arith.addi %mul3A_364, %add3A_365 : i32
          %get3A_367 = arith.index_cast %add3A_366 : i32 to index
          %get3A_368 = tpu.vector_load %arg10[%get3A_367] {strides = array<i32>} : memref<2048xi32, #tpu.memory_space<vmem>>, vector<16xi32>,
          %shift_right_logical3A_369 = arith.constant 7 : i32
          %shift_right_logical3A_370 = vector.broadcast %shift_right_logical3A_369 : i32 to vector<16xi32>
          %shift_right_logical3A_371 = arith.shrui %get3A_368, %shift_right_logical3A_370 : vector<16xi32>
          %and3A_372 = arith.constant 127 : i32
          %and3A_373 = vector.broadcast %and3A_372 : i32 to vector<16xi32>
          %and3A_374 = arith.andi %get3A_368, %and3A_373 : vector<16xi32>
          tpu.vector_store_idx %arg19[%shift_right_logical3A_371, %and3A_374], %broadcast_in_dim3A_5 {add = true} : memref<80x128xf32, #tpu.memory_space<vmem>>[vector<16xi32>, vector<16xi32>], vector<16xf32>,
          %mul3A_375 = arith.constant 128 : i32
          %mul3A_376 = arith.muli %add3A_305, %mul3A_375 : i32
          %add3A_377 = arith.constant 96 : i32
          %add3A_378 = arith.addi %mul3A_376, %add3A_377 : i32
          %get3A_379 = arith.index_cast %add3A_378 : i32 to index
          %get3A_380 = tpu.vector_load %arg10[%get3A_379] {strides = array<i32>} : memref<2048xi32, #tpu.memory_space<vmem>>, vector<16xi32>,
          %shift_right_logical3A_381 = arith.constant 7 : i32
          %shift_right_logical3A_382 = vector.broadcast %shift_right_logical3A_381 : i32 to vector<16xi32>
          %shift_right_logical3A_383 = arith.shrui %get3A_380, %shift_right_logical3A_382 : vector<16xi32>
          %and3A_384 = arith.constant 127 : i32
          %and3A_385 = vector.broadcast %and3A_384 : i32 to vector<16xi32>
          %and3A_386 = arith.andi %get3A_380, %and3A_385 : vector<16xi32>
          tpu.vector_store_idx %arg19[%shift_right_logical3A_383, %and3A_386], %broadcast_in_dim3A_5 {add = true} : memref<80x128xf32, #tpu.memory_space<vmem>>[vector<16xi32>, vector<16xi32>], vector<16xf32>,
          %mul3A_387 = arith.constant 128 : i32
          %mul3A_388 = arith.muli %add3A_305, %mul3A_387 : i32
          %add3A_389 = arith.constant 112 : i32
          %add3A_390 = arith.addi %mul3A_388, %add3A_389 : i32
          %get3A_391 = arith.index_cast %add3A_390 : i32 to index
          %get3A_392 = tpu.vector_load %arg10[%get3A_391] {strides = array<i32>} : memref<2048xi32, #tpu.memory_space<vmem>>, vector<16xi32>,
          %shift_right_logical3A_393 = arith.constant 7 : i32
          %shift_right_logical3A_394 = vector.broadcast %shift_right_logical3A_393 : i32 to vector<16xi32>
          %shift_right_logical3A_395 = arith.shrui %get3A_392, %shift_right_logical3A_394 : vector<16xi32>
          %and3A_396 = arith.constant 127 : i32
          %and3A_397 = vector.broadcast %and3A_396 : i32 to vector<16xi32>
          %and3A_398 = arith.andi %get3A_392, %and3A_397 : vector<16xi32>
          tpu.vector_store_idx %arg19[%shift_right_logical3A_395, %and3A_398], %broadcast_in_dim3A_5 {add = true} : memref<80x128xf32, #tpu.memory_space<vmem>>[vector<16xi32>, vector<16xi32>], vector<16xf32>,
        }
        %scan3A_300 = arith.constant 16 : i32
      } else {
      }
      %add3A_253 = arith.constant 4 : i32
      %add3A_254 = arith.addi %mul3A_94, %add3A_253 : i32
      %add3A_255 = arith.constant 6 : i32
      %add3A_256 = arith.addi %add3A_254, %add3A_255 : i32
      %lt3A_257 = arith.constant 78 : i32
      %lt3A_258 = arith.cmpi slt, %add3A_256, %lt3A_257 : i32
      %convert_element_type3A_259 = arith.extui %lt3A_258 : i1 to i32
      %cond3A_260 = arith.constant 0 : i32
      %cond3A_261 = arith.cmpi ne, %convert_element_type3A_259, %cond3A_260 : i32
      scf.if %cond3A_261 {
        %add3A_296 = arith.constant 4 : i32
        %add3A_297 = arith.addi %mul3A_94, %add3A_296 : i32
        %add3A_298 = arith.constant 6 : i32
        %add3A_299 = arith.addi %add3A_297, %add3A_298 : i32
        %mul3A_300 = arith.constant 16 : i32
        %mul3A_301 = arith.muli %add3A_299, %mul3A_300 : i32
        %add3A_302 = arith.addi %mul3A_2, %mul3A_301 : i32
        %mul3A_303 = arith.constant 128 : i32
        %mul3A_304 = arith.muli %add3A_302, %mul3A_303 : i32
        %dma_start3A_305 = tpu.memref_slice %arg2[%mul3A_304] : memref<320000xi32, #tpu.memory_space<hbm>> -> memref<2048xi32, #tpu.memory_space<hbm>>
        %dma_start3A_306 = tpu.memref_slice %arg2[%mul3A_304] : memref<320000xi32, #tpu.memory_space<hbm>> -> memref<2048xi32, #tpu.memory_space<hbm>>
        tpu.enqueue_dma source(%dma_start3A_306 : memref<2048xi32, #tpu.memory_space<hbm>>) target(%arg10 : memref<2048xi32, #tpu.memory_space<vmem>>) target_semaphore(%arg24 : memref<!tpu.dma_semaphore, #tpu.memory_space<semaphore_mem>>)
        %dma_start3A_307 = arith.constant 0 : i32
        %dma_start3A_308 = tpu.memref_slice %arg3[%arg1, %add3A_302, %dma_start3A_307] : memref<16x2500x128xf32, #tpu.memory_space<hbm>> -> memref<1x16x128xf32, #tpu.memory_space<hbm>>
        %dma_start3A_309 = tpu.memref_squeeze %dma_start3A_308 : memref<1x16x128xf32, #tpu.memory_space<hbm>> -> memref<16x128xf32, #tpu.memory_space<hbm>>
        %dma_start3A_310 = arith.constant 0 : i32
        %dma_start3A_311 = tpu.memref_slice %arg3[%arg1, %add3A_302, %dma_start3A_310] : memref<16x2500x128xf32, #tpu.memory_space<hbm>> -> memref<1x16x128xf32, #tpu.memory_space<hbm>>
        %dma_start3A_312 = tpu.memref_squeeze %dma_start3A_311 : memref<1x16x128xf32, #tpu.memory_space<hbm>> -> memref<16x128xf32, #tpu.memory_space<hbm>>
        tpu.enqueue_dma source(%dma_start3A_312 : memref<16x128xf32, #tpu.memory_space<hbm>>) target(%arg16 : memref<16x128xf32, #tpu.memory_space<vmem>>) target_semaphore(%arg30 : memref<!tpu.dma_semaphore, #tpu.memory_space<semaphore_mem>>)
      } else {
      }
      %dma_wait3A_262 = arith.constant 0 : i32
      %dma_wait3A_263 = tpu.memref_slice %arg2[%dma_wait3A_262] : memref<320000xi32, #tpu.memory_space<hbm>> -> memref<2048xi32, #tpu.memory_space<hbm>>
      %dma_wait3A_264 = arith.constant 0 : i32
      %dma_wait3A_265 = tpu.memref_slice %arg2[%dma_wait3A_264] : memref<320000xi32, #tpu.memory_space<hbm>> -> memref<2048xi32, #tpu.memory_space<hbm>>
      tpu.wait_dma2 semaphore(%arg25 : memref<!tpu.dma_semaphore, #tpu.memory_space<semaphore_mem>>) src(%dma_wait3A_265 : memref<2048xi32, #tpu.memory_space<hbm>>) dst(%arg11 : memref<2048xi32, #tpu.memory_space<vmem>>)
      %dma_wait3A_266 = arith.constant 0 : i32
      %dma_wait3A_267 = arith.constant 0 : i32
      %dma_wait3A_268 = tpu.memref_slice %arg3[%arg1, %dma_wait3A_266, %dma_wait3A_267] : memref<16x2500x128xf32, #tpu.memory_space<hbm>> -> memref<1x16x128xf32, #tpu.memory_space<hbm>>
      %dma_wait3A_269 = tpu.memref_squeeze %dma_wait3A_268 : memref<1x16x128xf32, #tpu.memory_space<hbm>> -> memref<16x128xf32, #tpu.memory_space<hbm>>
      %dma_wait3A_270 = arith.constant 0 : i32
      %dma_wait3A_271 = arith.constant 0 : i32
      %dma_wait3A_272 = tpu.memref_slice %arg3[%arg1, %dma_wait3A_270, %dma_wait3A_271] : memref<16x2500x128xf32, #tpu.memory_space<hbm>> -> memref<1x16x128xf32, #tpu.memory_space<hbm>>
      %dma_wait3A_273 = tpu.memref_squeeze %dma_wait3A_272 : memref<1x16x128xf32, #tpu.memory_space<hbm>> -> memref<16x128xf32, #tpu.memory_space<hbm>>
      tpu.wait_dma2 semaphore(%arg31 : memref<!tpu.dma_semaphore, #tpu.memory_space<semaphore_mem>>) src(%dma_wait3A_273 : memref<16x128xf32, #tpu.memory_space<hbm>>) dst(%arg17 : memref<16x128xf32, #tpu.memory_space<vmem>>)
      %scan3A_274 = arith.constant 0 : i32
      %scan3A_275 = arith.constant 16 : i32
      %scan3A_276 = arith.addi %scan3A_274, %scan3A_275 : i32
      %scan3A_277 = arith.constant 1 : i32
      scf.for %scan3A_296 = %scan3A_274 to %scan3A_276 step %scan3A_277  : i32 {
        %mul3A_297 = arith.constant 1 : i32
        %mul3A_298 = arith.muli %scan3A_296, %mul3A_297 : i32
        %add3A_299 = arith.constant 0 : i32
        %add3A_300 = arith.addi %add3A_299, %mul3A_298 : i32
        %mul3A_301 = arith.constant 128 : i32
        %mul3A_302 = arith.muli %add3A_300, %mul3A_301 : i32
        %add3A_303 = arith.constant 0 : i32
        %add3A_304 = arith.addi %mul3A_302, %add3A_303 : i32
        %get3A = arith.index_cast %add3A_304 : i32 to index
        %get3A_305 = tpu.vector_load %arg11[%get3A] {strides = array<i32>} : memref<2048xi32, #tpu.memory_space<vmem>>, vector<16xi32>,
        %get3A_306 = arith.index_cast %add3A_300 : i32 to index
        %get3A_307 = arith.constant 0 : index
        %get3A_308 = tpu.vector_load %arg17[%get3A_306, %get3A_307] {strides = array<i32>} : memref<16x128xf32, #tpu.memory_space<vmem>>, vector<16xf32>,
        %shift_right_logical3A = arith.constant 7 : i32
        %shift_right_logical3A_309 = vector.broadcast %shift_right_logical3A : i32 to vector<16xi32>
        %shift_right_logical3A_310 = arith.shrui %get3A_305, %shift_right_logical3A_309 : vector<16xi32>
        %and3A = arith.constant 127 : i32
        %and3A_311 = vector.broadcast %and3A : i32 to vector<16xi32>
        %and3A_312 = arith.andi %get3A_305, %and3A_311 : vector<16xi32>
        tpu.vector_store_idx %arg18[%shift_right_logical3A_310, %and3A_312], %get3A_308 {add = true} : memref<80x128xf32, #tpu.memory_space<vmem>>[vector<16xi32>, vector<16xi32>], vector<16xf32>,
        %mul3A_313 = arith.constant 128 : i32
        %mul3A_314 = arith.muli %add3A_300, %mul3A_313 : i32
        %add3A_315 = arith.constant 16 : i32
        %add3A_316 = arith.addi %mul3A_314, %add3A_315 : i32
        %get3A_317 = arith.index_cast %add3A_316 : i32 to index
        %get3A_318 = tpu.vector_load %arg11[%get3A_317] {strides = array<i32>} : memref<2048xi32, #tpu.memory_space<vmem>>, vector<16xi32>,
        %get3A_319 = arith.index_cast %add3A_300 : i32 to index
        %get3A_320 = arith.constant 16 : index
        %get3A_321 = tpu.vector_load %arg17[%get3A_319, %get3A_320] {strides = array<i32>} : memref<16x128xf32, #tpu.memory_space<vmem>>, vector<16xf32>,
        %shift_right_logical3A_322 = arith.constant 7 : i32
        %shift_right_logical3A_323 = vector.broadcast %shift_right_logical3A_322 : i32 to vector<16xi32>
        %shift_right_logical3A_324 = arith.shrui %get3A_318, %shift_right_logical3A_323 : vector<16xi32>
        %and3A_325 = arith.constant 127 : i32
        %and3A_326 = vector.broadcast %and3A_325 : i32 to vector<16xi32>
        %and3A_327 = arith.andi %get3A_318, %and3A_326 : vector<16xi32>
        tpu.vector_store_idx %arg18[%shift_right_logical3A_324, %and3A_327], %get3A_321 {add = true} : memref<80x128xf32, #tpu.memory_space<vmem>>[vector<16xi32>, vector<16xi32>], vector<16xf32>,
        %mul3A_328 = arith.constant 128 : i32
        %mul3A_329 = arith.muli %add3A_300, %mul3A_328 : i32
        %add3A_330 = arith.constant 32 : i32
        %add3A_331 = arith.addi %mul3A_329, %add3A_330 : i32
        %get3A_332 = arith.index_cast %add3A_331 : i32 to index
        %get3A_333 = tpu.vector_load %arg11[%get3A_332] {strides = array<i32>} : memref<2048xi32, #tpu.memory_space<vmem>>, vector<16xi32>,
        %get3A_334 = arith.index_cast %add3A_300 : i32 to index
        %get3A_335 = arith.constant 32 : index
        %get3A_336 = tpu.vector_load %arg17[%get3A_334, %get3A_335] {strides = array<i32>} : memref<16x128xf32, #tpu.memory_space<vmem>>, vector<16xf32>,
        %shift_right_logical3A_337 = arith.constant 7 : i32
        %shift_right_logical3A_338 = vector.broadcast %shift_right_logical3A_337 : i32 to vector<16xi32>
        %shift_right_logical3A_339 = arith.shrui %get3A_333, %shift_right_logical3A_338 : vector<16xi32>
        %and3A_340 = arith.constant 127 : i32
        %and3A_341 = vector.broadcast %and3A_340 : i32 to vector<16xi32>
        %and3A_342 = arith.andi %get3A_333, %and3A_341 : vector<16xi32>
        tpu.vector_store_idx %arg18[%shift_right_logical3A_339, %and3A_342], %get3A_336 {add = true} : memref<80x128xf32, #tpu.memory_space<vmem>>[vector<16xi32>, vector<16xi32>], vector<16xf32>,
        %mul3A_343 = arith.constant 128 : i32
        %mul3A_344 = arith.muli %add3A_300, %mul3A_343 : i32
        %add3A_345 = arith.constant 48 : i32
        %add3A_346 = arith.addi %mul3A_344, %add3A_345 : i32
        %get3A_347 = arith.index_cast %add3A_346 : i32 to index
        %get3A_348 = tpu.vector_load %arg11[%get3A_347] {strides = array<i32>} : memref<2048xi32, #tpu.memory_space<vmem>>, vector<16xi32>,
        %get3A_349 = arith.index_cast %add3A_300 : i32 to index
        %get3A_350 = arith.constant 48 : index
        %get3A_351 = tpu.vector_load %arg17[%get3A_349, %get3A_350] {strides = array<i32>} : memref<16x128xf32, #tpu.memory_space<vmem>>, vector<16xf32>,
        %shift_right_logical3A_352 = arith.constant 7 : i32
        %shift_right_logical3A_353 = vector.broadcast %shift_right_logical3A_352 : i32 to vector<16xi32>
        %shift_right_logical3A_354 = arith.shrui %get3A_348, %shift_right_logical3A_353 : vector<16xi32>
        %and3A_355 = arith.constant 127 : i32
        %and3A_356 = vector.broadcast %and3A_355 : i32 to vector<16xi32>
        %and3A_357 = arith.andi %get3A_348, %and3A_356 : vector<16xi32>
        tpu.vector_store_idx %arg18[%shift_right_logical3A_354, %and3A_357], %get3A_351 {add = true} : memref<80x128xf32, #tpu.memory_space<vmem>>[vector<16xi32>, vector<16xi32>], vector<16xf32>,
        %mul3A_358 = arith.constant 128 : i32
        %mul3A_359 = arith.muli %add3A_300, %mul3A_358 : i32
        %add3A_360 = arith.constant 64 : i32
        %add3A_361 = arith.addi %mul3A_359, %add3A_360 : i32
        %get3A_362 = arith.index_cast %add3A_361 : i32 to index
        %get3A_363 = tpu.vector_load %arg11[%get3A_362] {strides = array<i32>} : memref<2048xi32, #tpu.memory_space<vmem>>, vector<16xi32>,
        %get3A_364 = arith.index_cast %add3A_300 : i32 to index
        %get3A_365 = arith.constant 64 : index
        %get3A_366 = tpu.vector_load %arg17[%get3A_364, %get3A_365] {strides = array<i32>} : memref<16x128xf32, #tpu.memory_space<vmem>>, vector<16xf32>,
        %shift_right_logical3A_367 = arith.constant 7 : i32
        %shift_right_logical3A_368 = vector.broadcast %shift_right_logical3A_367 : i32 to vector<16xi32>
        %shift_right_logical3A_369 = arith.shrui %get3A_363, %shift_right_logical3A_368 : vector<16xi32>
        %and3A_370 = arith.constant 127 : i32
        %and3A_371 = vector.broadcast %and3A_370 : i32 to vector<16xi32>
        %and3A_372 = arith.andi %get3A_363, %and3A_371 : vector<16xi32>
        tpu.vector_store_idx %arg18[%shift_right_logical3A_369, %and3A_372], %get3A_366 {add = true} : memref<80x128xf32, #tpu.memory_space<vmem>>[vector<16xi32>, vector<16xi32>], vector<16xf32>,
        %mul3A_373 = arith.constant 128 : i32
        %mul3A_374 = arith.muli %add3A_300, %mul3A_373 : i32
        %add3A_375 = arith.constant 80 : i32
        %add3A_376 = arith.addi %mul3A_374, %add3A_375 : i32
        %get3A_377 = arith.index_cast %add3A_376 : i32 to index
        %get3A_378 = tpu.vector_load %arg11[%get3A_377] {strides = array<i32>} : memref<2048xi32, #tpu.memory_space<vmem>>, vector<16xi32>,
        %get3A_379 = arith.index_cast %add3A_300 : i32 to index
        %get3A_380 = arith.constant 80 : index
        %get3A_381 = tpu.vector_load %arg17[%get3A_379, %get3A_380] {strides = array<i32>} : memref<16x128xf32, #tpu.memory_space<vmem>>, vector<16xf32>,
        %shift_right_logical3A_382 = arith.constant 7 : i32
        %shift_right_logical3A_383 = vector.broadcast %shift_right_logical3A_382 : i32 to vector<16xi32>
        %shift_right_logical3A_384 = arith.shrui %get3A_378, %shift_right_logical3A_383 : vector<16xi32>
        %and3A_385 = arith.constant 127 : i32
        %and3A_386 = vector.broadcast %and3A_385 : i32 to vector<16xi32>
        %and3A_387 = arith.andi %get3A_378, %and3A_386 : vector<16xi32>
        tpu.vector_store_idx %arg18[%shift_right_logical3A_384, %and3A_387], %get3A_381 {add = true} : memref<80x128xf32, #tpu.memory_space<vmem>>[vector<16xi32>, vector<16xi32>], vector<16xf32>,
        %mul3A_388 = arith.constant 128 : i32
        %mul3A_389 = arith.muli %add3A_300, %mul3A_388 : i32
        %add3A_390 = arith.constant 96 : i32
        %add3A_391 = arith.addi %mul3A_389, %add3A_390 : i32
        %get3A_392 = arith.index_cast %add3A_391 : i32 to index
        %get3A_393 = tpu.vector_load %arg11[%get3A_392] {strides = array<i32>} : memref<2048xi32, #tpu.memory_space<vmem>>, vector<16xi32>,
        %get3A_394 = arith.index_cast %add3A_300 : i32 to index
        %get3A_395 = arith.constant 96 : index
        %get3A_396 = tpu.vector_load %arg17[%get3A_394, %get3A_395] {strides = array<i32>} : memref<16x128xf32, #tpu.memory_space<vmem>>, vector<16xf32>,
        %shift_right_logical3A_397 = arith.constant 7 : i32
        %shift_right_logical3A_398 = vector.broadcast %shift_right_logical3A_397 : i32 to vector<16xi32>
        %shift_right_logical3A_399 = arith.shrui %get3A_393, %shift_right_logical3A_398 : vector<16xi32>
        %and3A_400 = arith.constant 127 : i32
        %and3A_401 = vector.broadcast %and3A_400 : i32 to vector<16xi32>
        %and3A_402 = arith.andi %get3A_393, %and3A_401 : vector<16xi32>
        tpu.vector_store_idx %arg18[%shift_right_logical3A_399, %and3A_402], %get3A_396 {add = true} : memref<80x128xf32, #tpu.memory_space<vmem>>[vector<16xi32>, vector<16xi32>], vector<16xf32>,
        %mul3A_403 = arith.constant 128 : i32
        %mul3A_404 = arith.muli %add3A_300, %mul3A_403 : i32
        %add3A_405 = arith.constant 112 : i32
        %add3A_406 = arith.addi %mul3A_404, %add3A_405 : i32
        %get3A_407 = arith.index_cast %add3A_406 : i32 to index
        %get3A_408 = tpu.vector_load %arg11[%get3A_407] {strides = array<i32>} : memref<2048xi32, #tpu.memory_space<vmem>>, vector<16xi32>,
        %get3A_409 = arith.index_cast %add3A_300 : i32 to index
        %get3A_410 = arith.constant 112 : index
        %get3A_411 = tpu.vector_load %arg17[%get3A_409, %get3A_410] {strides = array<i32>} : memref<16x128xf32, #tpu.memory_space<vmem>>, vector<16xf32>,
        %shift_right_logical3A_412 = arith.constant 7 : i32
        %shift_right_logical3A_413 = vector.broadcast %shift_right_logical3A_412 : i32 to vector<16xi32>
        %shift_right_logical3A_414 = arith.shrui %get3A_408, %shift_right_logical3A_413 : vector<16xi32>
        %and3A_415 = arith.constant 127 : i32
        %and3A_416 = vector.broadcast %and3A_415 : i32 to vector<16xi32>
        %and3A_417 = arith.andi %get3A_408, %and3A_416 : vector<16xi32>
        tpu.vector_store_idx %arg18[%shift_right_logical3A_414, %and3A_417], %get3A_411 {add = true} : memref<80x128xf32, #tpu.memory_space<vmem>>[vector<16xi32>, vector<16xi32>], vector<16xf32>,
      }
      %scan3A_278 = arith.constant 16 : i32
      %add3A_279 = arith.constant 5 : i32
      %add3A_280 = arith.addi %mul3A_94, %add3A_279 : i32
      %rem3A_281 = arith.constant 16 : i32
      %rem3A_282 = arith.remsi %add3A_280, %rem3A_281 : i32
      %eq3A_283 = arith.cmpi eq, %rem3A_282, %arg1 : i32
      %convert_element_type3A_284 = arith.extui %eq3A_283 : i1 to i32
      %cond3A_285 = arith.constant 0 : i32
      %cond3A_286 = arith.cmpi ne, %convert_element_type3A_284, %cond3A_285 : i32
      scf.if %cond3A_286 {
        %scan3A_296 = arith.constant 0 : i32
        %scan3A_297 = arith.constant 16 : i32
        %scan3A_298 = arith.addi %scan3A_296, %scan3A_297 : i32
        %scan3A_299 = arith.constant 1 : i32
        scf.for %scan3A_301 = %scan3A_296 to %scan3A_298 step %scan3A_299  : i32 {
          %mul3A_302 = arith.constant 1 : i32
          %mul3A_303 = arith.muli %scan3A_301, %mul3A_302 : i32
          %add3A_304 = arith.constant 0 : i32
          %add3A_305 = arith.addi %add3A_304, %mul3A_303 : i32
          %mul3A_306 = arith.constant 128 : i32
          %mul3A_307 = arith.muli %add3A_305, %mul3A_306 : i32
          %add3A_308 = arith.constant 0 : i32
          %add3A_309 = arith.addi %mul3A_307, %add3A_308 : i32
          %get3A = arith.index_cast %add3A_309 : i32 to index
          %get3A_310 = tpu.vector_load %arg11[%get3A] {strides = array<i32>} : memref<2048xi32, #tpu.memory_space<vmem>>, vector<16xi32>,
          %shift_right_logical3A = arith.constant 7 : i32
          %shift_right_logical3A_311 = vector.broadcast %shift_right_logical3A : i32 to vector<16xi32>
          %shift_right_logical3A_312 = arith.shrui %get3A_310, %shift_right_logical3A_311 : vector<16xi32>
          %and3A = arith.constant 127 : i32
          %and3A_313 = vector.broadcast %and3A : i32 to vector<16xi32>
          %and3A_314 = arith.andi %get3A_310, %and3A_313 : vector<16xi32>
          tpu.vector_store_idx %arg19[%shift_right_logical3A_312, %and3A_314], %broadcast_in_dim3A_5 {add = true} : memref<80x128xf32, #tpu.memory_space<vmem>>[vector<16xi32>, vector<16xi32>], vector<16xf32>,
          %mul3A_315 = arith.constant 128 : i32
          %mul3A_316 = arith.muli %add3A_305, %mul3A_315 : i32
          %add3A_317 = arith.constant 16 : i32
          %add3A_318 = arith.addi %mul3A_316, %add3A_317 : i32
          %get3A_319 = arith.index_cast %add3A_318 : i32 to index
          %get3A_320 = tpu.vector_load %arg11[%get3A_319] {strides = array<i32>} : memref<2048xi32, #tpu.memory_space<vmem>>, vector<16xi32>,
          %shift_right_logical3A_321 = arith.constant 7 : i32
          %shift_right_logical3A_322 = vector.broadcast %shift_right_logical3A_321 : i32 to vector<16xi32>
          %shift_right_logical3A_323 = arith.shrui %get3A_320, %shift_right_logical3A_322 : vector<16xi32>
          %and3A_324 = arith.constant 127 : i32
          %and3A_325 = vector.broadcast %and3A_324 : i32 to vector<16xi32>
          %and3A_326 = arith.andi %get3A_320, %and3A_325 : vector<16xi32>
          tpu.vector_store_idx %arg19[%shift_right_logical3A_323, %and3A_326], %broadcast_in_dim3A_5 {add = true} : memref<80x128xf32, #tpu.memory_space<vmem>>[vector<16xi32>, vector<16xi32>], vector<16xf32>,
          %mul3A_327 = arith.constant 128 : i32
          %mul3A_328 = arith.muli %add3A_305, %mul3A_327 : i32
          %add3A_329 = arith.constant 32 : i32
          %add3A_330 = arith.addi %mul3A_328, %add3A_329 : i32
          %get3A_331 = arith.index_cast %add3A_330 : i32 to index
          %get3A_332 = tpu.vector_load %arg11[%get3A_331] {strides = array<i32>} : memref<2048xi32, #tpu.memory_space<vmem>>, vector<16xi32>,
          %shift_right_logical3A_333 = arith.constant 7 : i32
          %shift_right_logical3A_334 = vector.broadcast %shift_right_logical3A_333 : i32 to vector<16xi32>
          %shift_right_logical3A_335 = arith.shrui %get3A_332, %shift_right_logical3A_334 : vector<16xi32>
          %and3A_336 = arith.constant 127 : i32
          %and3A_337 = vector.broadcast %and3A_336 : i32 to vector<16xi32>
          %and3A_338 = arith.andi %get3A_332, %and3A_337 : vector<16xi32>
          tpu.vector_store_idx %arg19[%shift_right_logical3A_335, %and3A_338], %broadcast_in_dim3A_5 {add = true} : memref<80x128xf32, #tpu.memory_space<vmem>>[vector<16xi32>, vector<16xi32>], vector<16xf32>,
          %mul3A_339 = arith.constant 128 : i32
          %mul3A_340 = arith.muli %add3A_305, %mul3A_339 : i32
          %add3A_341 = arith.constant 48 : i32
          %add3A_342 = arith.addi %mul3A_340, %add3A_341 : i32
          %get3A_343 = arith.index_cast %add3A_342 : i32 to index
          %get3A_344 = tpu.vector_load %arg11[%get3A_343] {strides = array<i32>} : memref<2048xi32, #tpu.memory_space<vmem>>, vector<16xi32>,
          %shift_right_logical3A_345 = arith.constant 7 : i32
          %shift_right_logical3A_346 = vector.broadcast %shift_right_logical3A_345 : i32 to vector<16xi32>
          %shift_right_logical3A_347 = arith.shrui %get3A_344, %shift_right_logical3A_346 : vector<16xi32>
          %and3A_348 = arith.constant 127 : i32
          %and3A_349 = vector.broadcast %and3A_348 : i32 to vector<16xi32>
          %and3A_350 = arith.andi %get3A_344, %and3A_349 : vector<16xi32>
          tpu.vector_store_idx %arg19[%shift_right_logical3A_347, %and3A_350], %broadcast_in_dim3A_5 {add = true} : memref<80x128xf32, #tpu.memory_space<vmem>>[vector<16xi32>, vector<16xi32>], vector<16xf32>,
          %mul3A_351 = arith.constant 128 : i32
          %mul3A_352 = arith.muli %add3A_305, %mul3A_351 : i32
          %add3A_353 = arith.constant 64 : i32
          %add3A_354 = arith.addi %mul3A_352, %add3A_353 : i32
          %get3A_355 = arith.index_cast %add3A_354 : i32 to index
          %get3A_356 = tpu.vector_load %arg11[%get3A_355] {strides = array<i32>} : memref<2048xi32, #tpu.memory_space<vmem>>, vector<16xi32>,
          %shift_right_logical3A_357 = arith.constant 7 : i32
          %shift_right_logical3A_358 = vector.broadcast %shift_right_logical3A_357 : i32 to vector<16xi32>
          %shift_right_logical3A_359 = arith.shrui %get3A_356, %shift_right_logical3A_358 : vector<16xi32>
          %and3A_360 = arith.constant 127 : i32
          %and3A_361 = vector.broadcast %and3A_360 : i32 to vector<16xi32>
          %and3A_362 = arith.andi %get3A_356, %and3A_361 : vector<16xi32>
          tpu.vector_store_idx %arg19[%shift_right_logical3A_359, %and3A_362], %broadcast_in_dim3A_5 {add = true} : memref<80x128xf32, #tpu.memory_space<vmem>>[vector<16xi32>, vector<16xi32>], vector<16xf32>,
          %mul3A_363 = arith.constant 128 : i32
          %mul3A_364 = arith.muli %add3A_305, %mul3A_363 : i32
          %add3A_365 = arith.constant 80 : i32
          %add3A_366 = arith.addi %mul3A_364, %add3A_365 : i32
          %get3A_367 = arith.index_cast %add3A_366 : i32 to index
          %get3A_368 = tpu.vector_load %arg11[%get3A_367] {strides = array<i32>} : memref<2048xi32, #tpu.memory_space<vmem>>, vector<16xi32>,
          %shift_right_logical3A_369 = arith.constant 7 : i32
          %shift_right_logical3A_370 = vector.broadcast %shift_right_logical3A_369 : i32 to vector<16xi32>
          %shift_right_logical3A_371 = arith.shrui %get3A_368, %shift_right_logical3A_370 : vector<16xi32>
          %and3A_372 = arith.constant 127 : i32
          %and3A_373 = vector.broadcast %and3A_372 : i32 to vector<16xi32>
          %and3A_374 = arith.andi %get3A_368, %and3A_373 : vector<16xi32>
          tpu.vector_store_idx %arg19[%shift_right_logical3A_371, %and3A_374], %broadcast_in_dim3A_5 {add = true} : memref<80x128xf32, #tpu.memory_space<vmem>>[vector<16xi32>, vector<16xi32>], vector<16xf32>,
          %mul3A_375 = arith.constant 128 : i32
          %mul3A_376 = arith.muli %add3A_305, %mul3A_375 : i32
          %add3A_377 = arith.constant 96 : i32
          %add3A_378 = arith.addi %mul3A_376, %add3A_377 : i32
          %get3A_379 = arith.index_cast %add3A_378 : i32 to index
          %get3A_380 = tpu.vector_load %arg11[%get3A_379] {strides = array<i32>} : memref<2048xi32, #tpu.memory_space<vmem>>, vector<16xi32>,
          %shift_right_logical3A_381 = arith.constant 7 : i32
          %shift_right_logical3A_382 = vector.broadcast %shift_right_logical3A_381 : i32 to vector<16xi32>
          %shift_right_logical3A_383 = arith.shrui %get3A_380, %shift_right_logical3A_382 : vector<16xi32>
          %and3A_384 = arith.constant 127 : i32
          %and3A_385 = vector.broadcast %and3A_384 : i32 to vector<16xi32>
          %and3A_386 = arith.andi %get3A_380, %and3A_385 : vector<16xi32>
          tpu.vector_store_idx %arg19[%shift_right_logical3A_383, %and3A_386], %broadcast_in_dim3A_5 {add = true} : memref<80x128xf32, #tpu.memory_space<vmem>>[vector<16xi32>, vector<16xi32>], vector<16xf32>,
          %mul3A_387 = arith.constant 128 : i32
          %mul3A_388 = arith.muli %add3A_305, %mul3A_387 : i32
          %add3A_389 = arith.constant 112 : i32
          %add3A_390 = arith.addi %mul3A_388, %add3A_389 : i32
          %get3A_391 = arith.index_cast %add3A_390 : i32 to index
          %get3A_392 = tpu.vector_load %arg11[%get3A_391] {strides = array<i32>} : memref<2048xi32, #tpu.memory_space<vmem>>, vector<16xi32>,
          %shift_right_logical3A_393 = arith.constant 7 : i32
          %shift_right_logical3A_394 = vector.broadcast %shift_right_logical3A_393 : i32 to vector<16xi32>
          %shift_right_logical3A_395 = arith.shrui %get3A_392, %shift_right_logical3A_394 : vector<16xi32>
          %and3A_396 = arith.constant 127 : i32
          %and3A_397 = vector.broadcast %and3A_396 : i32 to vector<16xi32>
          %and3A_398 = arith.andi %get3A_392, %and3A_397 : vector<16xi32>
          tpu.vector_store_idx %arg19[%shift_right_logical3A_395, %and3A_398], %broadcast_in_dim3A_5 {add = true} : memref<80x128xf32, #tpu.memory_space<vmem>>[vector<16xi32>, vector<16xi32>], vector<16xf32>,
        }
        %scan3A_300 = arith.constant 16 : i32
      } else {
      }
      %add3A_287 = arith.constant 5 : i32
      %add3A_288 = arith.addi %mul3A_94, %add3A_287 : i32
      %add3A_289 = arith.constant 6 : i32
      %add3A_290 = arith.addi %add3A_288, %add3A_289 : i32
      %lt3A_291 = arith.constant 78 : i32
      %lt3A_292 = arith.cmpi slt, %add3A_290, %lt3A_291 : i32
      %convert_element_type3A_293 = arith.extui %lt3A_292 : i1 to i32
      %cond3A_294 = arith.constant 0 : i32
      %cond3A_295 = arith.cmpi ne, %convert_element_type3A_293, %cond3A_294 : i32
      scf.if %cond3A_295 {
        %add3A_296 = arith.constant 5 : i32
        %add3A_297 = arith.addi %mul3A_94, %add3A_296 : i32
        %add3A_298 = arith.constant 6 : i32
        %add3A_299 = arith.addi %add3A_297, %add3A_298 : i32
        %mul3A_300 = arith.constant 16 : i32
        %mul3A_301 = arith.muli %add3A_299, %mul3A_300 : i32
        %add3A_302 = arith.addi %mul3A_2, %mul3A_301 : i32
        %mul3A_303 = arith.constant 128 : i32
        %mul3A_304 = arith.muli %add3A_302, %mul3A_303 : i32
        %dma_start3A_305 = tpu.memref_slice %arg2[%mul3A_304] : memref<320000xi32, #tpu.memory_space<hbm>> -> memref<2048xi32, #tpu.memory_space<hbm>>
        %dma_start3A_306 = tpu.memref_slice %arg2[%mul3A_304] : memref<320000xi32, #tpu.memory_space<hbm>> -> memref<2048xi32, #tpu.memory_space<hbm>>
        tpu.enqueue_dma source(%dma_start3A_306 : memref<2048xi32, #tpu.memory_space<hbm>>) target(%arg11 : memref<2048xi32, #tpu.memory_space<vmem>>) target_semaphore(%arg25 : memref<!tpu.dma_semaphore, #tpu.memory_space<semaphore_mem>>)
        %dma_start3A_307 = arith.constant 0 : i32
        %dma_start3A_308 = tpu.memref_slice %arg3[%arg1, %add3A_302, %dma_start3A_307] : memref<16x2500x128xf32, #tpu.memory_space<hbm>> -> memref<1x16x128xf32, #tpu.memory_space<hbm>>
        %dma_start3A_309 = tpu.memref_squeeze %dma_start3A_308 : memref<1x16x128xf32, #tpu.memory_space<hbm>> -> memref<16x128xf32, #tpu.memory_space<hbm>>
        %dma_start3A_310 = arith.constant 0 : i32
        %dma_start3A_311 = tpu.memref_slice %arg3[%arg1, %add3A_302, %dma_start3A_310] : memref<16x2500x128xf32, #tpu.memory_space<hbm>> -> memref<1x16x128xf32, #tpu.memory_space<hbm>>
        %dma_start3A_312 = tpu.memref_squeeze %dma_start3A_311 : memref<1x16x128xf32, #tpu.memory_space<hbm>> -> memref<16x128xf32, #tpu.memory_space<hbm>>
        tpu.enqueue_dma source(%dma_start3A_312 : memref<16x128xf32, #tpu.memory_space<hbm>>) target(%arg17 : memref<16x128xf32, #tpu.memory_space<vmem>>) target_semaphore(%arg31 : memref<!tpu.dma_semaphore, #tpu.memory_space<semaphore_mem>>)
      } else {
      }
    }
    %scan3A_85 = arith.constant 13 : i32
    %eq3A = arith.constant 1 : i32
    %eq3A_86 = arith.cmpi eq, %arg0, %eq3A : i32
    %convert_element_type3A = arith.extui %eq3A_86 : i1 to i32
    %cond3A = arith.constant 0 : i32
    %cond3A_87 = arith.cmpi ne, %convert_element_type3A, %cond3A : i32
    scf.if %cond3A_87 {
      "tpu.region"() ({
        %run_scoped3A = tpu.sem_alloc : memref<!tpu.dma_semaphore, #tpu.memory_space<semaphore_mem>>
        %dma_start3A_98 = arith.constant 0 : i32
        %dma_start3A_99 = tpu.memref_slice %arg6[%dma_start3A_98] : memref<2048xi32, #tpu.memory_space<vmem>> -> memref<512xi32, #tpu.memory_space<vmem>>
        %dma_start3A_100 = arith.constant 319488 : i32
        %dma_start3A_101 = tpu.memref_slice %arg2[%dma_start3A_100] : memref<320000xi32, #tpu.memory_space<hbm>> -> memref<512xi32, #tpu.memory_space<hbm>>
        %dma_start3A_102 = arith.constant 0 : i32
        %dma_start3A_103 = tpu.memref_slice %arg6[%dma_start3A_102] : memref<2048xi32, #tpu.memory_space<vmem>> -> memref<512xi32, #tpu.memory_space<vmem>>
        %dma_start3A_104 = arith.constant 319488 : i32
        %dma_start3A_105 = tpu.memref_slice %arg2[%dma_start3A_104] : memref<320000xi32, #tpu.memory_space<hbm>> -> memref<512xi32, #tpu.memory_space<hbm>>
        tpu.enqueue_dma source(%dma_start3A_105 : memref<512xi32, #tpu.memory_space<hbm>>) target(%dma_start3A_103 : memref<512xi32, #tpu.memory_space<vmem>>) target_semaphore(%run_scoped3A : memref<!tpu.dma_semaphore, #tpu.memory_space<semaphore_mem>>)
        %dma_wait3A = arith.constant 0 : i32
        %dma_wait3A_106 = tpu.memref_slice %arg6[%dma_wait3A] : memref<2048xi32, #tpu.memory_space<vmem>> -> memref<512xi32, #tpu.memory_space<vmem>>
        %dma_wait3A_107 = arith.constant 319488 : i32
        %dma_wait3A_108 = tpu.memref_slice %arg2[%dma_wait3A_107] : memref<320000xi32, #tpu.memory_space<hbm>> -> memref<512xi32, #tpu.memory_space<hbm>>
        %dma_wait3A_109 = arith.constant 0 : i32
        %dma_wait3A_110 = tpu.memref_slice %arg6[%dma_wait3A_109] : memref<2048xi32, #tpu.memory_space<vmem>> -> memref<512xi32, #tpu.memory_space<vmem>>
        %dma_wait3A_111 = arith.constant 319488 : i32
        %dma_wait3A_112 = tpu.memref_slice %arg2[%dma_wait3A_111] : memref<320000xi32, #tpu.memory_space<hbm>> -> memref<512xi32, #tpu.memory_space<hbm>>
        tpu.wait_dma2 semaphore(%run_scoped3A : memref<!tpu.dma_semaphore, #tpu.memory_space<semaphore_mem>>) src(%dma_wait3A_112 : memref<512xi32, #tpu.memory_space<hbm>>) dst(%dma_wait3A_110 : memref<512xi32, #tpu.memory_space<vmem>>)
        tpu.yield
      }) : () -> ()
      "tpu.region"() ({
        %run_scoped3A = tpu.sem_alloc : memref<!tpu.dma_semaphore, #tpu.memory_space<semaphore_mem>>
        %dma_start3A_98 = arith.constant 0 : i32
        %dma_start3A_99 = arith.constant 0 : i32
        %dma_start3A_100 = tpu.memref_slice %arg12[%dma_start3A_98, %dma_start3A_99] : memref<16x128xf32, #tpu.memory_space<vmem>> -> memref<4x128xf32, #tpu.memory_space<vmem>>
        %dma_start3A_101 = arith.constant 2496 : i32
        %dma_start3A_102 = arith.constant 0 : i32
        %dma_start3A_103 = tpu.memref_slice %arg3[%arg1, %dma_start3A_101, %dma_start3A_102] : memref<16x2500x128xf32, #tpu.memory_space<hbm>> -> memref<1x4x128xf32, #tpu.memory_space<hbm>>
        %dma_start3A_104 = tpu.memref_squeeze %dma_start3A_103 : memref<1x4x128xf32, #tpu.memory_space<hbm>> -> memref<4x128xf32, #tpu.memory_space<hbm>>
        %dma_start3A_105 = arith.constant 0 : i32
        %dma_start3A_106 = arith.constant 0 : i32
        %dma_start3A_107 = tpu.memref_slice %arg12[%dma_start3A_105, %dma_start3A_106] : memref<16x128xf32, #tpu.memory_space<vmem>> -> memref<4x128xf32, #tpu.memory_space<vmem>>
        %dma_start3A_108 = arith.constant 2496 : i32
        %dma_start3A_109 = arith.constant 0 : i32
        %dma_start3A_110 = tpu.memref_slice %arg3[%arg1, %dma_start3A_108, %dma_start3A_109] : memref<16x2500x128xf32, #tpu.memory_space<hbm>> -> memref<1x4x128xf32, #tpu.memory_space<hbm>>
        %dma_start3A_111 = tpu.memref_squeeze %dma_start3A_110 : memref<1x4x128xf32, #tpu.memory_space<hbm>> -> memref<4x128xf32, #tpu.memory_space<hbm>>
        tpu.enqueue_dma source(%dma_start3A_111 : memref<4x128xf32, #tpu.memory_space<hbm>>) target(%dma_start3A_107 : memref<4x128xf32, #tpu.memory_space<vmem>>) target_semaphore(%run_scoped3A : memref<!tpu.dma_semaphore, #tpu.memory_space<semaphore_mem>>)
        %dma_wait3A = arith.constant 0 : i32
        %dma_wait3A_112 = arith.constant 0 : i32
        %dma_wait3A_113 = tpu.memref_slice %arg12[%dma_wait3A, %dma_wait3A_112] : memref<16x128xf32, #tpu.memory_space<vmem>> -> memref<4x128xf32, #tpu.memory_space<vmem>>
        %dma_wait3A_114 = arith.constant 2496 : i32
        %dma_wait3A_115 = arith.constant 0 : i32
        %dma_wait3A_116 = tpu.memref_slice %arg3[%arg1, %dma_wait3A_114, %dma_wait3A_115] : memref<16x2500x128xf32, #tpu.memory_space<hbm>> -> memref<1x4x128xf32, #tpu.memory_space<hbm>>
        %dma_wait3A_117 = tpu.memref_squeeze %dma_wait3A_116 : memref<1x4x128xf32, #tpu.memory_space<hbm>> -> memref<4x128xf32, #tpu.memory_space<hbm>>
        %dma_wait3A_118 = arith.constant 0 : i32
        %dma_wait3A_119 = arith.constant 0 : i32
        %dma_wait3A_120 = tpu.memref_slice %arg12[%dma_wait3A_118, %dma_wait3A_119] : memref<16x128xf32, #tpu.memory_space<vmem>> -> memref<4x128xf32, #tpu.memory_space<vmem>>
        %dma_wait3A_121 = arith.constant 2496 : i32
        %dma_wait3A_122 = arith.constant 0 : i32
        %dma_wait3A_123 = tpu.memref_slice %arg3[%arg1, %dma_wait3A_121, %dma_wait3A_122] : memref<16x2500x128xf32, #tpu.memory_space<hbm>> -> memref<1x4x128xf32, #tpu.memory_space<hbm>>
        %dma_wait3A_124 = tpu.memref_squeeze %dma_wait3A_123 : memref<1x4x128xf32, #tpu.memory_space<hbm>> -> memref<4x128xf32, #tpu.memory_space<hbm>>
        tpu.wait_dma2 semaphore(%run_scoped3A : memref<!tpu.dma_semaphore, #tpu.memory_space<semaphore_mem>>) src(%dma_wait3A_124 : memref<4x128xf32, #tpu.memory_space<hbm>>) dst(%dma_wait3A_120 : memref<4x128xf32, #tpu.memory_space<vmem>>)
        tpu.yield
      }) : () -> ()
      %scan3A_88 = arith.constant 0 : i32
      %scan3A_89 = arith.constant 4 : i32
      %scan3A_90 = arith.addi %scan3A_88, %scan3A_89 : i32
      %scan3A_91 = arith.constant 1 : i32
      scf.for %scan3A_98 = %scan3A_88 to %scan3A_90 step %scan3A_91  : i32 {
        %mul3A_99 = arith.constant 1 : i32
        %mul3A_100 = arith.muli %scan3A_98, %mul3A_99 : i32
        %add3A_101 = arith.constant 0 : i32
        %add3A_102 = arith.addi %add3A_101, %mul3A_100 : i32
        %mul3A_103 = arith.constant 128 : i32
        %mul3A_104 = arith.muli %add3A_102, %mul3A_103 : i32
        %add3A_105 = arith.constant 0 : i32
        %add3A_106 = arith.addi %mul3A_104, %add3A_105 : i32
        %get3A = arith.index_cast %add3A_106 : i32 to index
        %get3A_107 = tpu.vector_load %arg6[%get3A] {strides = array<i32>} : memref<2048xi32, #tpu.memory_space<vmem>>, vector<16xi32>,
        %get3A_108 = arith.index_cast %add3A_102 : i32 to index
        %get3A_109 = arith.constant 0 : index
        %get3A_110 = tpu.vector_load %arg12[%get3A_108, %get3A_109] {strides = array<i32>} : memref<16x128xf32, #tpu.memory_space<vmem>>, vector<16xf32>,
        %shift_right_logical3A = arith.constant 7 : i32
        %shift_right_logical3A_111 = vector.broadcast %shift_right_logical3A : i32 to vector<16xi32>
        %shift_right_logical3A_112 = arith.shrui %get3A_107, %shift_right_logical3A_111 : vector<16xi32>
        %and3A = arith.constant 127 : i32
        %and3A_113 = vector.broadcast %and3A : i32 to vector<16xi32>
        %and3A_114 = arith.andi %get3A_107, %and3A_113 : vector<16xi32>
        tpu.vector_store_idx %arg18[%shift_right_logical3A_112, %and3A_114], %get3A_110 {add = true} : memref<80x128xf32, #tpu.memory_space<vmem>>[vector<16xi32>, vector<16xi32>], vector<16xf32>,
        %mul3A_115 = arith.constant 128 : i32
        %mul3A_116 = arith.muli %add3A_102, %mul3A_115 : i32
        %add3A_117 = arith.constant 16 : i32
        %add3A_118 = arith.addi %mul3A_116, %add3A_117 : i32
        %get3A_119 = arith.index_cast %add3A_118 : i32 to index
        %get3A_120 = tpu.vector_load %arg6[%get3A_119] {strides = array<i32>} : memref<2048xi32, #tpu.memory_space<vmem>>, vector<16xi32>,
        %get3A_121 = arith.index_cast %add3A_102 : i32 to index
        %get3A_122 = arith.constant 16 : index
        %get3A_123 = tpu.vector_load %arg12[%get3A_121, %get3A_122] {strides = array<i32>} : memref<16x128xf32, #tpu.memory_space<vmem>>, vector<16xf32>,
        %shift_right_logical3A_124 = arith.constant 7 : i32
        %shift_right_logical3A_125 = vector.broadcast %shift_right_logical3A_124 : i32 to vector<16xi32>
        %shift_right_logical3A_126 = arith.shrui %get3A_120, %shift_right_logical3A_125 : vector<16xi32>
        %and3A_127 = arith.constant 127 : i32
        %and3A_128 = vector.broadcast %and3A_127 : i32 to vector<16xi32>
        %and3A_129 = arith.andi %get3A_120, %and3A_128 : vector<16xi32>
        tpu.vector_store_idx %arg18[%shift_right_logical3A_126, %and3A_129], %get3A_123 {add = true} : memref<80x128xf32, #tpu.memory_space<vmem>>[vector<16xi32>, vector<16xi32>], vector<16xf32>,
        %mul3A_130 = arith.constant 128 : i32
        %mul3A_131 = arith.muli %add3A_102, %mul3A_130 : i32
        %add3A_132 = arith.constant 32 : i32
        %add3A_133 = arith.addi %mul3A_131, %add3A_132 : i32
        %get3A_134 = arith.index_cast %add3A_133 : i32 to index
        %get3A_135 = tpu.vector_load %arg6[%get3A_134] {strides = array<i32>} : memref<2048xi32, #tpu.memory_space<vmem>>, vector<16xi32>,
        %get3A_136 = arith.index_cast %add3A_102 : i32 to index
        %get3A_137 = arith.constant 32 : index
        %get3A_138 = tpu.vector_load %arg12[%get3A_136, %get3A_137] {strides = array<i32>} : memref<16x128xf32, #tpu.memory_space<vmem>>, vector<16xf32>,
        %shift_right_logical3A_139 = arith.constant 7 : i32
        %shift_right_logical3A_140 = vector.broadcast %shift_right_logical3A_139 : i32 to vector<16xi32>
        %shift_right_logical3A_141 = arith.shrui %get3A_135, %shift_right_logical3A_140 : vector<16xi32>
        %and3A_142 = arith.constant 127 : i32
        %and3A_143 = vector.broadcast %and3A_142 : i32 to vector<16xi32>
        %and3A_144 = arith.andi %get3A_135, %and3A_143 : vector<16xi32>
        tpu.vector_store_idx %arg18[%shift_right_logical3A_141, %and3A_144], %get3A_138 {add = true} : memref<80x128xf32, #tpu.memory_space<vmem>>[vector<16xi32>, vector<16xi32>], vector<16xf32>,
        %mul3A_145 = arith.constant 128 : i32
        %mul3A_146 = arith.muli %add3A_102, %mul3A_145 : i32
        %add3A_147 = arith.constant 48 : i32
        %add3A_148 = arith.addi %mul3A_146, %add3A_147 : i32
        %get3A_149 = arith.index_cast %add3A_148 : i32 to index
        %get3A_150 = tpu.vector_load %arg6[%get3A_149] {strides = array<i32>} : memref<2048xi32, #tpu.memory_space<vmem>>, vector<16xi32>,
        %get3A_151 = arith.index_cast %add3A_102 : i32 to index
        %get3A_152 = arith.constant 48 : index
        %get3A_153 = tpu.vector_load %arg12[%get3A_151, %get3A_152] {strides = array<i32>} : memref<16x128xf32, #tpu.memory_space<vmem>>, vector<16xf32>,
        %shift_right_logical3A_154 = arith.constant 7 : i32
        %shift_right_logical3A_155 = vector.broadcast %shift_right_logical3A_154 : i32 to vector<16xi32>
        %shift_right_logical3A_156 = arith.shrui %get3A_150, %shift_right_logical3A_155 : vector<16xi32>
        %and3A_157 = arith.constant 127 : i32
        %and3A_158 = vector.broadcast %and3A_157 : i32 to vector<16xi32>
        %and3A_159 = arith.andi %get3A_150, %and3A_158 : vector<16xi32>
        tpu.vector_store_idx %arg18[%shift_right_logical3A_156, %and3A_159], %get3A_153 {add = true} : memref<80x128xf32, #tpu.memory_space<vmem>>[vector<16xi32>, vector<16xi32>], vector<16xf32>,
        %mul3A_160 = arith.constant 128 : i32
        %mul3A_161 = arith.muli %add3A_102, %mul3A_160 : i32
        %add3A_162 = arith.constant 64 : i32
        %add3A_163 = arith.addi %mul3A_161, %add3A_162 : i32
        %get3A_164 = arith.index_cast %add3A_163 : i32 to index
        %get3A_165 = tpu.vector_load %arg6[%get3A_164] {strides = array<i32>} : memref<2048xi32, #tpu.memory_space<vmem>>, vector<16xi32>,
        %get3A_166 = arith.index_cast %add3A_102 : i32 to index
        %get3A_167 = arith.constant 64 : index
        %get3A_168 = tpu.vector_load %arg12[%get3A_166, %get3A_167] {strides = array<i32>} : memref<16x128xf32, #tpu.memory_space<vmem>>, vector<16xf32>,
        %shift_right_logical3A_169 = arith.constant 7 : i32
        %shift_right_logical3A_170 = vector.broadcast %shift_right_logical3A_169 : i32 to vector<16xi32>
        %shift_right_logical3A_171 = arith.shrui %get3A_165, %shift_right_logical3A_170 : vector<16xi32>
        %and3A_172 = arith.constant 127 : i32
        %and3A_173 = vector.broadcast %and3A_172 : i32 to vector<16xi32>
        %and3A_174 = arith.andi %get3A_165, %and3A_173 : vector<16xi32>
        tpu.vector_store_idx %arg18[%shift_right_logical3A_171, %and3A_174], %get3A_168 {add = true} : memref<80x128xf32, #tpu.memory_space<vmem>>[vector<16xi32>, vector<16xi32>], vector<16xf32>,
        %mul3A_175 = arith.constant 128 : i32
        %mul3A_176 = arith.muli %add3A_102, %mul3A_175 : i32
        %add3A_177 = arith.constant 80 : i32
        %add3A_178 = arith.addi %mul3A_176, %add3A_177 : i32
        %get3A_179 = arith.index_cast %add3A_178 : i32 to index
        %get3A_180 = tpu.vector_load %arg6[%get3A_179] {strides = array<i32>} : memref<2048xi32, #tpu.memory_space<vmem>>, vector<16xi32>,
        %get3A_181 = arith.index_cast %add3A_102 : i32 to index
        %get3A_182 = arith.constant 80 : index
        %get3A_183 = tpu.vector_load %arg12[%get3A_181, %get3A_182] {strides = array<i32>} : memref<16x128xf32, #tpu.memory_space<vmem>>, vector<16xf32>,
        %shift_right_logical3A_184 = arith.constant 7 : i32
        %shift_right_logical3A_185 = vector.broadcast %shift_right_logical3A_184 : i32 to vector<16xi32>
        %shift_right_logical3A_186 = arith.shrui %get3A_180, %shift_right_logical3A_185 : vector<16xi32>
        %and3A_187 = arith.constant 127 : i32
        %and3A_188 = vector.broadcast %and3A_187 : i32 to vector<16xi32>
        %and3A_189 = arith.andi %get3A_180, %and3A_188 : vector<16xi32>
        tpu.vector_store_idx %arg18[%shift_right_logical3A_186, %and3A_189], %get3A_183 {add = true} : memref<80x128xf32, #tpu.memory_space<vmem>>[vector<16xi32>, vector<16xi32>], vector<16xf32>,
        %mul3A_190 = arith.constant 128 : i32
        %mul3A_191 = arith.muli %add3A_102, %mul3A_190 : i32
        %add3A_192 = arith.constant 96 : i32
        %add3A_193 = arith.addi %mul3A_191, %add3A_192 : i32
        %get3A_194 = arith.index_cast %add3A_193 : i32 to index
        %get3A_195 = tpu.vector_load %arg6[%get3A_194] {strides = array<i32>} : memref<2048xi32, #tpu.memory_space<vmem>>, vector<16xi32>,
        %get3A_196 = arith.index_cast %add3A_102 : i32 to index
        %get3A_197 = arith.constant 96 : index
        %get3A_198 = tpu.vector_load %arg12[%get3A_196, %get3A_197] {strides = array<i32>} : memref<16x128xf32, #tpu.memory_space<vmem>>, vector<16xf32>,
        %shift_right_logical3A_199 = arith.constant 7 : i32
        %shift_right_logical3A_200 = vector.broadcast %shift_right_logical3A_199 : i32 to vector<16xi32>
        %shift_right_logical3A_201 = arith.shrui %get3A_195, %shift_right_logical3A_200 : vector<16xi32>
        %and3A_202 = arith.constant 127 : i32
        %and3A_203 = vector.broadcast %and3A_202 : i32 to vector<16xi32>
        %and3A_204 = arith.andi %get3A_195, %and3A_203 : vector<16xi32>
        tpu.vector_store_idx %arg18[%shift_right_logical3A_201, %and3A_204], %get3A_198 {add = true} : memref<80x128xf32, #tpu.memory_space<vmem>>[vector<16xi32>, vector<16xi32>], vector<16xf32>,
        %mul3A_205 = arith.constant 128 : i32
        %mul3A_206 = arith.muli %add3A_102, %mul3A_205 : i32
        %add3A_207 = arith.constant 112 : i32
        %add3A_208 = arith.addi %mul3A_206, %add3A_207 : i32
        %get3A_209 = arith.index_cast %add3A_208 : i32 to index
        %get3A_210 = tpu.vector_load %arg6[%get3A_209] {strides = array<i32>} : memref<2048xi32, #tpu.memory_space<vmem>>, vector<16xi32>,
        %get3A_211 = arith.index_cast %add3A_102 : i32 to index
        %get3A_212 = arith.constant 112 : index
        %get3A_213 = tpu.vector_load %arg12[%get3A_211, %get3A_212] {strides = array<i32>} : memref<16x128xf32, #tpu.memory_space<vmem>>, vector<16xf32>,
        %shift_right_logical3A_214 = arith.constant 7 : i32
        %shift_right_logical3A_215 = vector.broadcast %shift_right_logical3A_214 : i32 to vector<16xi32>
        %shift_right_logical3A_216 = arith.shrui %get3A_210, %shift_right_logical3A_215 : vector<16xi32>
        %and3A_217 = arith.constant 127 : i32
        %and3A_218 = vector.broadcast %and3A_217 : i32 to vector<16xi32>
        %and3A_219 = arith.andi %get3A_210, %and3A_218 : vector<16xi32>
        tpu.vector_store_idx %arg18[%shift_right_logical3A_216, %and3A_219], %get3A_213 {add = true} : memref<80x128xf32, #tpu.memory_space<vmem>>[vector<16xi32>, vector<16xi32>], vector<16xf32>,
      }
      %scan3A_92 = arith.constant 4 : i32
      %eq3A_93 = arith.constant 14 : i32
      %eq3A_94 = arith.cmpi eq, %arg1, %eq3A_93 : i32
      %convert_element_type3A_95 = arith.extui %eq3A_94 : i1 to i32
      %cond3A_96 = arith.constant 0 : i32
      %cond3A_97 = arith.cmpi ne, %convert_element_type3A_95, %cond3A_96 : i32
      scf.if %cond3A_97 {
        %scan3A_98 = arith.constant 0 : i32
        %scan3A_99 = arith.constant 4 : i32
        %scan3A_100 = arith.addi %scan3A_98, %scan3A_99 : i32
        %scan3A_101 = arith.constant 1 : i32
        scf.for %scan3A_103 = %scan3A_98 to %scan3A_100 step %scan3A_101  : i32 {
          %mul3A_104 = arith.constant 1 : i32
          %mul3A_105 = arith.muli %scan3A_103, %mul3A_104 : i32
          %add3A_106 = arith.constant 0 : i32
          %add3A_107 = arith.addi %add3A_106, %mul3A_105 : i32
          %mul3A_108 = arith.constant 128 : i32
          %mul3A_109 = arith.muli %add3A_107, %mul3A_108 : i32
          %add3A_110 = arith.constant 0 : i32
          %add3A_111 = arith.addi %mul3A_109, %add3A_110 : i32
          %get3A = arith.index_cast %add3A_111 : i32 to index
          %get3A_112 = tpu.vector_load %arg6[%get3A] {strides = array<i32>} : memref<2048xi32, #tpu.memory_space<vmem>>, vector<16xi32>,
          %shift_right_logical3A = arith.constant 7 : i32
          %shift_right_logical3A_113 = vector.broadcast %shift_right_logical3A : i32 to vector<16xi32>
          %shift_right_logical3A_114 = arith.shrui %get3A_112, %shift_right_logical3A_113 : vector<16xi32>
          %and3A = arith.constant 127 : i32
          %and3A_115 = vector.broadcast %and3A : i32 to vector<16xi32>
          %and3A_116 = arith.andi %get3A_112, %and3A_115 : vector<16xi32>
          tpu.vector_store_idx %arg19[%shift_right_logical3A_114, %and3A_116], %broadcast_in_dim3A_5 {add = true} : memref<80x128xf32, #tpu.memory_space<vmem>>[vector<16xi32>, vector<16xi32>], vector<16xf32>,
          %mul3A_117 = arith.constant 128 : i32
          %mul3A_118 = arith.muli %add3A_107, %mul3A_117 : i32
          %add3A_119 = arith.constant 16 : i32
          %add3A_120 = arith.addi %mul3A_118, %add3A_119 : i32
          %get3A_121 = arith.index_cast %add3A_120 : i32 to index
          %get3A_122 = tpu.vector_load %arg6[%get3A_121] {strides = array<i32>} : memref<2048xi32, #tpu.memory_space<vmem>>, vector<16xi32>,
          %shift_right_logical3A_123 = arith.constant 7 : i32
          %shift_right_logical3A_124 = vector.broadcast %shift_right_logical3A_123 : i32 to vector<16xi32>
          %shift_right_logical3A_125 = arith.shrui %get3A_122, %shift_right_logical3A_124 : vector<16xi32>
          %and3A_126 = arith.constant 127 : i32
          %and3A_127 = vector.broadcast %and3A_126 : i32 to vector<16xi32>
          %and3A_128 = arith.andi %get3A_122, %and3A_127 : vector<16xi32>
          tpu.vector_store_idx %arg19[%shift_right_logical3A_125, %and3A_128], %broadcast_in_dim3A_5 {add = true} : memref<80x128xf32, #tpu.memory_space<vmem>>[vector<16xi32>, vector<16xi32>], vector<16xf32>,
          %mul3A_129 = arith.constant 128 : i32
          %mul3A_130 = arith.muli %add3A_107, %mul3A_129 : i32
          %add3A_131 = arith.constant 32 : i32
          %add3A_132 = arith.addi %mul3A_130, %add3A_131 : i32
          %get3A_133 = arith.index_cast %add3A_132 : i32 to index
          %get3A_134 = tpu.vector_load %arg6[%get3A_133] {strides = array<i32>} : memref<2048xi32, #tpu.memory_space<vmem>>, vector<16xi32>,
          %shift_right_logical3A_135 = arith.constant 7 : i32
          %shift_right_logical3A_136 = vector.broadcast %shift_right_logical3A_135 : i32 to vector<16xi32>
          %shift_right_logical3A_137 = arith.shrui %get3A_134, %shift_right_logical3A_136 : vector<16xi32>
          %and3A_138 = arith.constant 127 : i32
          %and3A_139 = vector.broadcast %and3A_138 : i32 to vector<16xi32>
          %and3A_140 = arith.andi %get3A_134, %and3A_139 : vector<16xi32>
          tpu.vector_store_idx %arg19[%shift_right_logical3A_137, %and3A_140], %broadcast_in_dim3A_5 {add = true} : memref<80x128xf32, #tpu.memory_space<vmem>>[vector<16xi32>, vector<16xi32>], vector<16xf32>,
          %mul3A_141 = arith.constant 128 : i32
          %mul3A_142 = arith.muli %add3A_107, %mul3A_141 : i32
          %add3A_143 = arith.constant 48 : i32
          %add3A_144 = arith.addi %mul3A_142, %add3A_143 : i32
          %get3A_145 = arith.index_cast %add3A_144 : i32 to index
          %get3A_146 = tpu.vector_load %arg6[%get3A_145] {strides = array<i32>} : memref<2048xi32, #tpu.memory_space<vmem>>, vector<16xi32>,
          %shift_right_logical3A_147 = arith.constant 7 : i32
          %shift_right_logical3A_148 = vector.broadcast %shift_right_logical3A_147 : i32 to vector<16xi32>
          %shift_right_logical3A_149 = arith.shrui %get3A_146, %shift_right_logical3A_148 : vector<16xi32>
          %and3A_150 = arith.constant 127 : i32
          %and3A_151 = vector.broadcast %and3A_150 : i32 to vector<16xi32>
          %and3A_152 = arith.andi %get3A_146, %and3A_151 : vector<16xi32>
          tpu.vector_store_idx %arg19[%shift_right_logical3A_149, %and3A_152], %broadcast_in_dim3A_5 {add = true} : memref<80x128xf32, #tpu.memory_space<vmem>>[vector<16xi32>, vector<16xi32>], vector<16xf32>,
          %mul3A_153 = arith.constant 128 : i32
          %mul3A_154 = arith.muli %add3A_107, %mul3A_153 : i32
          %add3A_155 = arith.constant 64 : i32
          %add3A_156 = arith.addi %mul3A_154, %add3A_155 : i32
          %get3A_157 = arith.index_cast %add3A_156 : i32 to index
          %get3A_158 = tpu.vector_load %arg6[%get3A_157] {strides = array<i32>} : memref<2048xi32, #tpu.memory_space<vmem>>, vector<16xi32>,
          %shift_right_logical3A_159 = arith.constant 7 : i32
          %shift_right_logical3A_160 = vector.broadcast %shift_right_logical3A_159 : i32 to vector<16xi32>
          %shift_right_logical3A_161 = arith.shrui %get3A_158, %shift_right_logical3A_160 : vector<16xi32>
          %and3A_162 = arith.constant 127 : i32
          %and3A_163 = vector.broadcast %and3A_162 : i32 to vector<16xi32>
          %and3A_164 = arith.andi %get3A_158, %and3A_163 : vector<16xi32>
          tpu.vector_store_idx %arg19[%shift_right_logical3A_161, %and3A_164], %broadcast_in_dim3A_5 {add = true} : memref<80x128xf32, #tpu.memory_space<vmem>>[vector<16xi32>, vector<16xi32>], vector<16xf32>,
          %mul3A_165 = arith.constant 128 : i32
          %mul3A_166 = arith.muli %add3A_107, %mul3A_165 : i32
          %add3A_167 = arith.constant 80 : i32
          %add3A_168 = arith.addi %mul3A_166, %add3A_167 : i32
          %get3A_169 = arith.index_cast %add3A_168 : i32 to index
          %get3A_170 = tpu.vector_load %arg6[%get3A_169] {strides = array<i32>} : memref<2048xi32, #tpu.memory_space<vmem>>, vector<16xi32>,
          %shift_right_logical3A_171 = arith.constant 7 : i32
          %shift_right_logical3A_172 = vector.broadcast %shift_right_logical3A_171 : i32 to vector<16xi32>
          %shift_right_logical3A_173 = arith.shrui %get3A_170, %shift_right_logical3A_172 : vector<16xi32>
          %and3A_174 = arith.constant 127 : i32
          %and3A_175 = vector.broadcast %and3A_174 : i32 to vector<16xi32>
          %and3A_176 = arith.andi %get3A_170, %and3A_175 : vector<16xi32>
          tpu.vector_store_idx %arg19[%shift_right_logical3A_173, %and3A_176], %broadcast_in_dim3A_5 {add = true} : memref<80x128xf32, #tpu.memory_space<vmem>>[vector<16xi32>, vector<16xi32>], vector<16xf32>,
          %mul3A_177 = arith.constant 128 : i32
          %mul3A_178 = arith.muli %add3A_107, %mul3A_177 : i32
          %add3A_179 = arith.constant 96 : i32
          %add3A_180 = arith.addi %mul3A_178, %add3A_179 : i32
          %get3A_181 = arith.index_cast %add3A_180 : i32 to index
          %get3A_182 = tpu.vector_load %arg6[%get3A_181] {strides = array<i32>} : memref<2048xi32, #tpu.memory_space<vmem>>, vector<16xi32>,
          %shift_right_logical3A_183 = arith.constant 7 : i32
          %shift_right_logical3A_184 = vector.broadcast %shift_right_logical3A_183 : i32 to vector<16xi32>
          %shift_right_logical3A_185 = arith.shrui %get3A_182, %shift_right_logical3A_184 : vector<16xi32>
          %and3A_186 = arith.constant 127 : i32
          %and3A_187 = vector.broadcast %and3A_186 : i32 to vector<16xi32>
          %and3A_188 = arith.andi %get3A_182, %and3A_187 : vector<16xi32>
          tpu.vector_store_idx %arg19[%shift_right_logical3A_185, %and3A_188], %broadcast_in_dim3A_5 {add = true} : memref<80x128xf32, #tpu.memory_space<vmem>>[vector<16xi32>, vector<16xi32>], vector<16xf32>,
          %mul3A_189 = arith.constant 128 : i32
          %mul3A_190 = arith.muli %add3A_107, %mul3A_189 : i32
          %add3A_191 = arith.constant 112 : i32
          %add3A_192 = arith.addi %mul3A_190, %add3A_191 : i32
          %get3A_193 = arith.index_cast %add3A_192 : i32 to index
          %get3A_194 = tpu.vector_load %arg6[%get3A_193] {strides = array<i32>} : memref<2048xi32, #tpu.memory_space<vmem>>, vector<16xi32>,
          %shift_right_logical3A_195 = arith.constant 7 : i32
          %shift_right_logical3A_196 = vector.broadcast %shift_right_logical3A_195 : i32 to vector<16xi32>
          %shift_right_logical3A_197 = arith.shrui %get3A_194, %shift_right_logical3A_196 : vector<16xi32>
          %and3A_198 = arith.constant 127 : i32
          %and3A_199 = vector.broadcast %and3A_198 : i32 to vector<16xi32>
          %and3A_200 = arith.andi %get3A_194, %and3A_199 : vector<16xi32>
          tpu.vector_store_idx %arg19[%shift_right_logical3A_197, %and3A_200], %broadcast_in_dim3A_5 {add = true} : memref<80x128xf32, #tpu.memory_space<vmem>>[vector<16xi32>, vector<16xi32>], vector<16xf32>,
        }
        %scan3A_102 = arith.constant 4 : i32
      } else {
      }
    } else {
    }
    "tpu.region"() ({
      %run_scoped3A = tpu.sem_alloc : memref<!tpu.dma_semaphore, #tpu.memory_space<semaphore_mem>>
      %dma_start3A_88 = arith.constant 0 : i32
      %dma_start3A_89 = arith.constant 0 : i32
      %dma_start3A_90 = tpu.memref_slice %arg4[%add3A, %dma_start3A_88, %dma_start3A_89] : memref<32x80x128xf32, #tpu.memory_space<hbm>> -> memref<1x80x128xf32, #tpu.memory_space<hbm>>
      %dma_start3A_91 = tpu.memref_squeeze %dma_start3A_90 : memref<1x80x128xf32, #tpu.memory_space<hbm>> -> memref<80x128xf32, #tpu.memory_space<hbm>>
      %dma_start3A_92 = arith.constant 0 : i32
      %dma_start3A_93 = arith.constant 0 : i32
      %dma_start3A_94 = tpu.memref_slice %arg4[%add3A, %dma_start3A_92, %dma_start3A_93] : memref<32x80x128xf32, #tpu.memory_space<hbm>> -> memref<1x80x128xf32, #tpu.memory_space<hbm>>
      %dma_start3A_95 = tpu.memref_squeeze %dma_start3A_94 : memref<1x80x128xf32, #tpu.memory_space<hbm>> -> memref<80x128xf32, #tpu.memory_space<hbm>>
      tpu.enqueue_dma source(%arg18 : memref<80x128xf32, #tpu.memory_space<vmem>>) target(%dma_start3A_95 : memref<80x128xf32, #tpu.memory_space<hbm>>) target_semaphore(%run_scoped3A : memref<!tpu.dma_semaphore, #tpu.memory_space<semaphore_mem>>)
      %dma_wait3A = arith.constant 0 : i32
      %dma_wait3A_96 = arith.constant 0 : i32
      %dma_wait3A_97 = tpu.memref_slice %arg4[%add3A, %dma_wait3A, %dma_wait3A_96] : memref<32x80x128xf32, #tpu.memory_space<hbm>> -> memref<1x80x128xf32, #tpu.memory_space<hbm>>
      %dma_wait3A_98 = tpu.memref_squeeze %dma_wait3A_97 : memref<1x80x128xf32, #tpu.memory_space<hbm>> -> memref<80x128xf32, #tpu.memory_space<hbm>>
      %dma_wait3A_99 = arith.constant 0 : i32
      %dma_wait3A_100 = arith.constant 0 : i32
      %dma_wait3A_101 = tpu.memref_slice %arg4[%add3A, %dma_wait3A_99, %dma_wait3A_100] : memref<32x80x128xf32, #tpu.memory_space<hbm>> -> memref<1x80x128xf32, #tpu.memory_space<hbm>>
      %dma_wait3A_102 = tpu.memref_squeeze %dma_wait3A_101 : memref<1x80x128xf32, #tpu.memory_space<hbm>> -> memref<80x128xf32, #tpu.memory_space<hbm>>
      tpu.wait_dma2 semaphore(%run_scoped3A : memref<!tpu.dma_semaphore, #tpu.memory_space<semaphore_mem>>) src(%arg18 : memref<80x128xf32, #tpu.memory_space<vmem>>) dst(%dma_wait3A_102 : memref<80x128xf32, #tpu.memory_space<hbm>>)
      tpu.yield
    }) : () -> ()
    "tpu.region"() ({
      %run_scoped3A = tpu.sem_alloc : memref<!tpu.dma_semaphore, #tpu.memory_space<semaphore_mem>>
      %dma_start3A_88 = arith.constant 0 : i32
      %dma_start3A_89 = arith.constant 0 : i32
      %dma_start3A_90 = tpu.memref_slice %arg5[%add3A, %dma_start3A_88, %dma_start3A_89] : memref<32x80x128xf32, #tpu.memory_space<hbm>> -> memref<1x80x128xf32, #tpu.memory_space<hbm>>
      %dma_start3A_91 = tpu.memref_squeeze %dma_start3A_90 : memref<1x80x128xf32, #tpu.memory_space<hbm>> -> memref<80x128xf32, #tpu.memory_space<hbm>>
      %dma_start3A_92 = arith.constant 0 : i32
      %dma_start3A_93 = arith.constant 0 : i32
      %dma_start3A_94 = tpu.memref_slice %arg5[%add3A, %dma_start3A_92, %dma_start3A_93] : memref<32x80x128xf32, #tpu.memory_space<hbm>> -> memref<1x80x128xf32, #tpu.memory_space<hbm>>
      %dma_start3A_95 = tpu.memref_squeeze %dma_start3A_94 : memref<1x80x128xf32, #tpu.memory_space<hbm>> -> memref<80x128xf32, #tpu.memory_space<hbm>>
      tpu.enqueue_dma source(%arg19 : memref<80x128xf32, #tpu.memory_space<vmem>>) target(%dma_start3A_95 : memref<80x128xf32, #tpu.memory_space<hbm>>) target_semaphore(%run_scoped3A : memref<!tpu.dma_semaphore, #tpu.memory_space<semaphore_mem>>)
      %dma_wait3A = arith.constant 0 : i32
      %dma_wait3A_96 = arith.constant 0 : i32
      %dma_wait3A_97 = tpu.memref_slice %arg5[%add3A, %dma_wait3A, %dma_wait3A_96] : memref<32x80x128xf32, #tpu.memory_space<hbm>> -> memref<1x80x128xf32, #tpu.memory_space<hbm>>
      %dma_wait3A_98 = tpu.memref_squeeze %dma_wait3A_97 : memref<1x80x128xf32, #tpu.memory_space<hbm>> -> memref<80x128xf32, #tpu.memory_space<hbm>>
      %dma_wait3A_99 = arith.constant 0 : i32
      %dma_wait3A_100 = arith.constant 0 : i32
      %dma_wait3A_101 = tpu.memref_slice %arg5[%add3A, %dma_wait3A_99, %dma_wait3A_100] : memref<32x80x128xf32, #tpu.memory_space<hbm>> -> memref<1x80x128xf32, #tpu.memory_space<hbm>>
      %dma_wait3A_102 = tpu.memref_squeeze %dma_wait3A_101 : memref<1x80x128xf32, #tpu.memory_space<hbm>> -> memref<80x128xf32, #tpu.memory_space<hbm>>
      tpu.wait_dma2 semaphore(%run_scoped3A : memref<!tpu.dma_semaphore, #tpu.memory_space<semaphore_mem>>) src(%arg19 : memref<80x128xf32, #tpu.memory_space<vmem>>) dst(%dma_wait3A_102 : memref<80x128xf32, #tpu.memory_space<hbm>>)
      tpu.yield
    }) : () -> ()
    return
  }
}

module attributes {stable_mosaic.version = 14 : i64} {
  func.func @_tc_finish_body(%arg0: memref<32x10240xf32, #tpu.memory_space<vmem>>, %arg1: memref<32x10240xf32, #tpu.memory_space<vmem>>, %arg2: memref<16x128xf32, #tpu.memory_space<vmem>>, %arg3: memref<1x128xf32, #tpu.memory_space<vmem>>, %arg4: memref<128x128xf32, #tpu.memory_space<vmem>>, %arg5: memref<1x128xf32, #tpu.memory_space<vmem>>, %arg6: memref<10240x128xf32, #tpu.memory_space<vmem>>) attributes {dimension_semantics = [], scalar_prefetch = 0 : i64, scratch_operands = 0 : i64, tpu.core_type = #tpu.core_type<tc>} {
    %get3A = arith.constant 0 : index
    %get3A_0 = arith.constant 0 : index
    %get3A_1 = vector.load %arg2[%get3A, %get3A_0] : memref<16x128xf32, #tpu.memory_space<vmem>>, vector<16x128xf32>
    %get3A_2 = arith.constant 0 : index
    %get3A_3 = arith.constant 0 : index
    %get3A_4 = vector.load %arg4[%get3A_2, %get3A_3] : memref<128x128xf32, #tpu.memory_space<vmem>>, vector<128x128xf32>
    %dot_general3A = arith.constant dense<0.000000e+00> : vector<16x128xf32>
    %dot_general3A_5 = tpu.matmul %get3A_1, %get3A_4, %dot_general3A {dimension_numbers = #tpu.dot_dimension_numbers<[1], [0], [0], [1], [0, 0, 1, 1], [], []>, precision = #tpu.contract_precision<fp32>, transpose_lhs_hint = false} : vector<16x128xf32>, vector<128x128xf32>, vector<16x128xf32> -> vector<16x128xf32>
    %get3A_6 = arith.constant 0 : index
    %get3A_7 = arith.constant 0 : index
    %get3A_8 = vector.load %arg3[%get3A_6, %get3A_7] : memref<1x128xf32, #tpu.memory_space<vmem>>, vector<1x128xf32>
    %get3A_9 = arith.constant 0 : index
    %get3A_10 = arith.constant 0 : index
    %get3A_11 = vector.load %arg4[%get3A_9, %get3A_10] : memref<128x128xf32, #tpu.memory_space<vmem>>, vector<128x128xf32>
    %dot_general3A_12 = arith.constant dense<0.000000e+00> : vector<1x128xf32>
    %dot_general3A_13 = tpu.matmul %get3A_8, %get3A_11, %dot_general3A_12 {dimension_numbers = #tpu.dot_dimension_numbers<[1], [0], [0], [1], [0, 0, 1, 1], [], []>, precision = #tpu.contract_precision<fp32>, transpose_lhs_hint = false} : vector<1x128xf32>, vector<128x128xf32>, vector<1x128xf32> -> vector<1x128xf32>
    %get3A_14 = arith.constant 0 : index
    %get3A_15 = arith.constant 0 : index
    %get3A_16 = vector.load %arg5[%get3A_14, %get3A_15] : memref<1x128xf32, #tpu.memory_space<vmem>>, vector<1x128xf32>
    %add3A = arith.addf %dot_general3A_13, %get3A_16 : vector<1x128xf32>
    %get3A_17 = arith.constant 0 : index
    %get3A_18 = arith.constant 0 : index
    %get3A_19 = vector.load %arg0[%get3A_17, %get3A_18] : memref<32x10240xf32, #tpu.memory_space<vmem>>, vector<32x10240xf32>
    %slice3A = vector.extract_strided_slice %get3A_19 {offsets = [0, 0], sizes = [16, 10240], strides = [1, 1]} : vector<32x10240xf32> to vector<16x10240xf32>
    %slice3A_20 = vector.extract_strided_slice %get3A_19 {offsets = [16, 0], sizes = [16, 10240], strides = [1, 1]} : vector<32x10240xf32> to vector<16x10240xf32>
    %add3A_21 = arith.addf %slice3A, %slice3A_20 : vector<16x10240xf32>
    %get3A_22 = arith.constant 0 : index
    %get3A_23 = arith.constant 0 : index
    %get3A_24 = vector.load %arg1[%get3A_22, %get3A_23] : memref<32x10240xf32, #tpu.memory_space<vmem>>, vector<32x10240xf32>
    %reduce_sum3A = arith.constant dense<0.000000e+00> : vector<10240xf32>
    %reduce_sum3A_25 = vector.multi_reduction <add>, %get3A_24, %reduce_sum3A [0] : vector<32x10240xf32> to vector<10240xf32>
    %dot_general3A_26 = arith.constant dense<0.000000e+00> : vector<10240x128xf32>
    %dot_general3A_27 = tpu.matmul %add3A_21, %dot_general3A_5, %dot_general3A_26 {dimension_numbers = #tpu.dot_dimension_numbers<[0], [0], [1], [1], [0, 1, 1, 1], [], []>, precision = #tpu.contract_precision<fp32>, transpose_lhs_hint = false} : vector<16x10240xf32>, vector<16x128xf32>, vector<10240x128xf32> -> vector<10240x128xf32>
    %broadcast_in_dim3A = vector.shape_cast %reduce_sum3A_25 : vector<10240xf32> to vector<10240x1xf32>
    %mul3A = vector.broadcast %broadcast_in_dim3A : vector<10240x1xf32> to vector<10240x128xf32>
    %mul3A_28 = vector.broadcast %add3A : vector<1x128xf32> to vector<10240x128xf32>
    %mul3A_29 = arith.mulf %mul3A, %mul3A_28 : vector<10240x128xf32>
    %add3A_30 = arith.addf %dot_general3A_27, %mul3A_29 : vector<10240x128xf32>
    %swap3A = arith.constant 0 : index
    %swap3A_31 = arith.constant 0 : index
    %swap3A_32 = vector.load %arg6[%swap3A, %swap3A_31] : memref<10240x128xf32, #tpu.memory_space<vmem>>, vector<10240x128xf32>
    tpu.vector_store %arg6[%swap3A, %swap3A_31], %add3A_30 {strides = array<i32>} : memref<10240x128xf32, #tpu.memory_space<vmem>>, vector<10240x128xf32>,
    return
  }
}

</mosaic_0001>

<sc_bundles>
// kernel: kernel.4.cloned.1.call-start
scs
__scs_entry_jumppad:
0x0: {  	(pc) =	sbr.rel $0x88, $3  }
0x1: {  	(tag) =	ssettag $0x0;
	lr =	simm.s32 $0x1  }
0x2: {  	[smem:$0x3F9B] =	sst lr;
	_ =	strace $0xD0000000  }
0x3: {  	_ = 	snop  }
0x4: {  	_ = 	snop  }
0x5: {  	_ = 	snop  }
0x6: {  	_ = 	snop  }
0x7: {  	_ = 	snop  }
__scs_overlays_trampoline_lowered:
0x8: {  	[smem:$0x3FAA] =	sst s0  }
0x9: {  	[smem:$0x3FAB] =	sst s1  }
0xa: {  	[smem:$0x3FAC] =	sst s2  }
0xb: {  	[smem:$0x3FAD] =	sst s3  }
0xc: {  	[smem:$0x3FAE] =	sst s4  }
0xd: {  	[smem:$0x3FAF] =	sst s5  }
0xe: {  	[smem:$0x3FB0] =	sst s6  }
0xf: {  	[smem:$0x3FB1] =	sst s7  }
0x10: {  	[smem:$0x3FB2] =	sst s8  }
0x11: {  	[smem:$0x3FB3] =	sst s9;
	s0 =	simm.s32 @!p0 $0x0  }
0x12: {  	s1 =	sld [smem:$0x3F99];
	s0 =	simm.s32 @p0 $0x1  }
0x13: {  	[smem:$0x3FB4] =	sst s0;
	s0 =	simm.s32 @!p1 $0x0  }
0x14: {  	s2 =	sld [smem:$0x3F98];
	s0 =	simm.s32 @p1 $0x1  }
0x15: {  	[smem:$0x3FB5] =	sst s0;
	s0 =	simm.s32 @!p2 $0x0  }
0x16: {  	s3 =	sld [smem:$0x3FDB];
	s0 =	simm.s32 @p2 $0x1  }
0x17: {  	s4 =	simm.s32 $0x1BF5;
	[smem:$0x3FB7] =	sst s0  }
0x18: {  	s0 =	sld [smem:$0x3F9A];
	_ =	swait.ge [sflag:s4], $0x0  }
0x19: {  	s7 =	sld [smem:$0x3F9B]  }
0x1a: {  	s8 =	sadd.s32 $0xFFFFE003, lr  }
0x1b: {  	s9 =	sadd.s32 $0xFFFFFEF7, lr;
	s5 =	simm.s32 $0xFFFFFFFF;
	p2 =	slt.u32 s8, $0xFFFFF086  }
0x1c: {  	p1 =	slt.u32 s9, $0xF7A;
	s5 =	simm.s32 @!p2 $0x0  }
0x1d: {  	s5 =	simm.s32 @p1 $0x1;
	p0 =	seq.s32 s7, s2  }
0x1e: {  	s7 =	smul.u32 @!p0 $0xF7A, s2;
	p2 =	seq.s32 @!p0 s5, $0x0  }
0x1f: {  	s9 =	smul.u32 $0xF7A, s1;
	s8 =	simm.s32 @!p0 $0x1BF5;
	p2 =	por !p2, p0  }
0x20: {  	[sflag:s8] =	ssyncset.s32 @!p0 $0xFFFFF086;
	s6 =	sadd.s32 @!p0 s3, s7;
	s7 =	simm.s32 @!p0 $0x108  }
0x21: {  	s3 =	sadd.s32 s3, s9;
	s6 =	sadd.s32 @!p0 $0x88, s6;
	s7 =	simm.s32 @p2 $0x1082  }
0x22: {  	[simem:s7], [sflag:s8] =	dma.local @!p0 [hbm:s6], $0xF7A  }
0x23: {  	s9 =	sor.u32 $0xD0000000, s2;
	s6 =	simm.s32 $0x108;
	_ =	swait.ge @!p0 [sflag:s8], $0x0  }
0x24: {  	s3 =	sadd.s32 $0x88, s3;
	s6 =	simm.s32 @!p1 $0x1082;
	[sflag:s4] =	ssyncset.s32 $0xFFFFF086  }
0x25: {  	[simem:s6], [sflag:s4] =	dma.local [hbm:s3], $0xF7A  }
0x26: {  	[smem:$0x3F9B] =	sst s1;
	(tag) =	ssettag s2;
	_ =	strace s9  }
0x27: {  	s1 =	sld [smem:$0x3FAB]  }
0x28: {  	s2 =	sld [smem:$0x3FAC]  }
0x29: {  	s4 =	sld [smem:$0x3FAE]  }
0x2a: {  	p0 =	seq.s32 s5, $0x0;
	s5 =	sld [smem:$0x3FAF]  }
0x2b: {  	s6 =	sld [smem:$0x3FB0]  }
0x2c: {  	s7 =	sld [smem:$0x3FB1]  }
0x2d: {  	s3 =	simm.s32 $0x108;
	s8 =	sld [smem:$0x3FB2]  }
0x2e: {  	s3 =	simm.s32 @!p0 $0x1082;
	s9 =	sld [smem:$0x3FB3]  }
0x2f: {  	lr =	sadd.s32 s0, s3;
	s0 =	sld [smem:$0x3FAA]  }
0x30: {  	s3 =	sld [smem:$0x3FAD]  }
0x31: {  	[smem:$0x3FB6] =	sst s10  }
0x32: {  	s10 =	sld [smem:$0x3FB4];
	_ =	sdelay $0x3  }
0x33: {  	p0 =	seq.s32 s10, $0x1;
	s10 =	sld [smem:$0x3FB6];
	_ =	sdelay $0x3  }
0x34: {  	[smem:$0x3FB6] =	sst s10  }
0x35: {  	s10 =	sld [smem:$0x3FB5];
	_ =	sdelay $0x3  }
0x36: {  	p1 =	seq.s32 s10, $0x1;
	s10 =	sld [smem:$0x3FB6];
	_ =	sdelay $0x3  }
0x37: {  	[smem:$0x3FB6] =	sst s10  }
0x38: {  	s10 =	sld [smem:$0x3FB7]  }
0x39: {  	_ = 	snop;
	(pc) =	sbr.ind lr, $3  }
0x3a: {  	_ = 	snop  }
0x3b: {  	_ = 	snop  }
0x3c: {  	p2 =	seq.s32 s10, $0x1;
	s10 =	sld [smem:$0x3FB6]  }
0x3d: {  	_ =	shalt  }
0x3e: {  	_ =	shalt  }
0x3f: {  	_ =	shalt  }
0x40: {  	_ =	shalt  }
0x41: {  	_ =	shalt  }
0x42: {  	_ =	shalt  }
0x43: {  	_ =	shalt  }
0x44: {  	_ =	shalt  }
0x45: {  	_ =	shalt  }
0x46: {  	_ =	shalt  }
0x47: {  	_ =	shalt  }
0x48: {  	_ =	shalt  }
0x49: {  	_ =	shalt  }
0x4a: {  	_ =	shalt  }
0x4b: {  	_ =	shalt  }
0x4c: {  	_ =	shalt  }
0x4d: {  	_ =	shalt  }
0x4e: {  	_ =	shalt  }
0x4f: {  	_ =	shalt  }
0x50: {  	_ =	shalt  }
0x51: {  	_ =	shalt  }
0x52: {  	_ =	shalt  }
0x53: {  	_ =	shalt  }
0x54: {  	_ =	shalt  }
0x55: {  	_ =	shalt  }
0x56: {  	_ =	shalt  }
0x57: {  	_ =	shalt  }
0x58: {  	_ =	shalt  }
0x59: {  	_ =	shalt  }
0x5a: {  	_ =	shalt  }
0x5b: {  	_ =	shalt  }
0x5c: {  	_ =	shalt  }
0x5d: {  	_ =	shalt  }
0x5e: {  	_ =	shalt  }
0x5f: {  	_ =	shalt  }
0x60: {  	_ =	shalt  }
0x61: {  	_ =	shalt  }
0x62: {  	_ =	shalt  }
0x63: {  	_ =	shalt  }
0x64: {  	_ =	shalt  }
0x65: {  	_ =	shalt  }
0x66: {  	_ =	shalt  }
0x67: {  	_ =	shalt  }
0x68: {  	_ =	shalt  }
0x69: {  	_ =	shalt  }
0x6a: {  	_ =	shalt  }
0x6b: {  	_ =	shalt  }
0x6c: {  	_ =	shalt  }
0x6d: {  	_ =	shalt  }
0x6e: {  	_ =	shalt  }
0x6f: {  	_ =	shalt  }
0x70: {  	_ =	shalt  }
0x71: {  	_ =	shalt  }
0x72: {  	_ =	shalt  }
0x73: {  	_ =	shalt  }
0x74: {  	_ =	shalt  }
0x75: {  	_ =	shalt  }
0x76: {  	_ =	shalt  }
0x77: {  	_ =	shalt  }
0x78: {  	_ =	shalt  }
0x79: {  	_ =	shalt  }
0x7a: {  	_ =	shalt  }
0x7b: {  	_ =	shalt  }
0x7c: {  	_ =	shalt  }
0x7d: {  	_ =	shalt  }
0x7e: {  	_ =	shalt  }
0x7f: {  	_ =	shalt  }
0x80: {  	_ =	shalt  }
0x81: {  	_ =	shalt  }
0x82: {  	_ =	shalt  }
0x83: {  	_ =	shalt  }
0x84: {  	_ =	shalt  }
0x85: {  	_ =	shalt  }
0x86: {  	_ =	shalt  }
0x87: {  	_ =	shalt  }
.Lfunc_end0:
.L_simem_size_0:
called_computation_lowered:
.L_overlay_start_0:
0x88: {  	s2 =	sld [smem:$0x3FD9]  }
0x89: {  	s3 =	sld [smem:$0x3FFE];
	_ =	sdelay $0x1  }
0x8a: {  	s1 =	srdreg.scid  }
0x8b: {  	s0 =	sand.u32 $0x1, s1  }
0x8c: {  	s17 =	sshll.u32 s0, $0xA;
	s2 =	sadd.s32 s3, s2  }
0x8d: {  	s2 =	sadd.s32 s2, s17  }
0x8e: {  	[smem:$0x3FC2] =	sst s2  }
0x8f: {  	_ = 	snop  }
0x90: {  	s2 =	sld [smem:$0x3FD0];
	(tm) =	ssettm $0x1  }
0x91: {  	s18 =	sld [smem:$0x3FFB];
	_ =	sdelay $0x3  }
0x92: {  	_ =	strace s18  }
0x93: {  	s3 =	sld [smem:$0x3FFC];
	_ =	sdelay $0x3  }
0x94: {  	_ =	strace s3  }
0x95: {  	s3 =	sld [smem:$0x3FFD];
	_ =	sdelay $0x3  }
0x96: {  	_ =	strace s3  }
0x97: {  	_ =	strace $0x8FFFFFFF  }
0x98: {  	s19 =	sld [smem:$0x3FDB];
	_ =	sdelay $0x1  }
0x99: {  	s4 =	simm.s32 $_scs_section_size  }
0x9a: {  	s5 =	simm.s32 $_size__tile_overlayer_lowered;
	s6 =	simm.s32 $_tile_overlayer_lowered  }
0x9b: {  	s22 =	simm.s32 $0x1BFF;
	s21 =	sshll.u32 s6, $0x1;
	s3 =	sadd.s32 s4, s19  }
0x9c: {  	s7 =	simm.s32 $0x0;
	s20 =	sshll.u32 s5, $0x1;
	s5 =	sadd.s32 s21, s3  }
0x9d: {  	[timem:s7], [sflag:s22] =	dma.local [hbm:s5], s20  }
0x9e: {  	_ =	swait.ge [sflag:s22], s20  }
0x9f: {  	s4 =	ssub.s32 $0x0, s20;
	[sflag:s22] =	ssyncset.done $0x0  }
0xa0: {  	[sflag:s22] =	ssyncadd.s32 s4;
	_ =	sdelay $0x1  }
0xa1: {  	s23 =	simm.s32 $0x1B8B  }
0xa2: {  	_ =	swait.ge [sflag:s23], $0x1  }
0xa3: {  	[sflag:s23] =	ssyncset.done $0x0  }
0xa4: {  	s25 =	simm.s32 $0x1B8E;
	s24 =	sld [smem:$0x3FFE];
	[sflag:s23] =	ssyncadd.s32 $0xFFFFFFFF  }
0xa5: {  	s26 =	simm.s32 $execute0_lowered;
	[smem:$0x3FD2] =	sst s25  }
0xa6: {  	s5 =	sshll.u32 s26, $0x1;
	_ =	strace $0x80000046;
	[dreg:$0x1] =	wrdreg $0xFFFFFFFF  }
0xa7: {  	s28 =	simm.s32 $_size_execute0_lowered;
	s3 =	sadd.s32 s3, s5;
	[dreg:$0x0] =	wrdreg $0x0  }
0xa8: {  	s5 =	sshll.u32 s28, $0x1;
	[dreg:$0x2] =	wrdreg s3  }
0xa9: {  	[dreg:$0x3] =	wrdreg s5  }
0xaa: {  	[dreg:$0x4] =	wrdreg $0xC0  }
0xab: {  	_ =	task [dreg:s7], $0x5FFFF  }
0xac: {  	[dreg:$0x1] =	wrdreg $0xFFFFFFFF  }
0xad: {  	[dreg:$0x0] =	wrdreg $0x60  }
0xae: {  	[dreg:$0x2] =	wrdreg s24  }
0xaf: {  	[dreg:$0x3] =	wrdreg s2  }
0xb0: {  	[dreg:$0x4] =	wrdreg $0x9  }
0xb1: {  	_ =	task.clear_ibuf [dreg:s7], $0x5FFFF;
	_ =	strace $0x90000046  }
0xb2: {  	s29 =	simm.s32 $0x9;
	_ =	strace $0x80000048  }
0xb3: {  	_ =	swait.ge [sflag:s29], $0x1  }
0xb4: {  	[sflag:s29] =	ssyncadd.s32 $0xFFFFFFFF  }
0xb5: {  	_ =	strace $0x90000048  }
0xb6: {  	_ =	sfence  }
0xb7: {  	s30 =	sld [smem:$0x0];
	_ =	sdelay $0x2  }
0xb8: {  	s31 =	sshll.u32 s1, $0xD;
	s1 =	sshrl.u32 s1, $0x2  }
0xb9: {  	s3 =	sand.u32 $0x4000, s31;
	s1 =	sadd.s32 s1, s30  }
0xba: {  	s0 =	sor.u32 s3, s0;
	s1 =	sshll.u32 s1, $0x11  }
0xbb: {  	s0 =	sor.u32 s1, s0  }
0xbc: {  	s0 =	sadd.s32 $0x8F2B, s0  }
0xbd: {  	[sflag:s0] =	ssyncadd.remote.s32 $0x1  }
0xbe: {  	_ =	sfence.sel $0xFFFF  }
0xbf: {  	[dreg:$0x0] =	wrdreg $0xFFFFFFFF;
	(pc) =	sbr.abs _section_cstart, $3  }
0xc0: {  	[dreg:$0x1] =	wrdreg $0xFFFFFFFF  }
0xc1: {  	_ =	task.clear_ibuf [dreg:s7], $0x2FFFF;
	_ =	strace $0x9FFFFFFF  }
0xc2: {  	(tm) =	ssettm $0x7FFFFFFF  }
0xc3: {  	_ =	shalt  }
tec
execute0_lowered:
.L_overlay_start_1:
0x0: {  	(tag) =	ssettag $0x1  }
0x1: {  	s1 =	rddreg [dreg:$0x0]  }
0x2: {  	s0 =	srdreg.scid;
	s7 =	rddreg [dreg:$0x1];
	s15 =	simm.s32 $0x0  }
0x3: {  	s28 =	simm.s32 $0x0;
	s6 =	sand.u32 $0x1, s0;
	s0 =	stileid.u32  }
0x4: {  	[smem:$0x7FF] =	sst s15;
	s4 =	sadd.s32 $0xE00, s1;
	s9 =	smul.u32 $0x4E0, s6  }
0x5: {  	s5 =	sadd.s32 $0xAC00, s1;
	s2 =	sshll.u32 s6, $0x4;
	s11 =	smul.u32 $0x27000, s6  }
0x6: {  	_ =	strace $0x80000047;
	s14 =	smul.u32 $0x4E00, s6;
	s3 =	sor.u32 s0, s2  }
0x7: {  	s10 =	ssub.s32 $0x2, s6;
	p0 =	seq.s32 s6, $0x0;
	s8 =	smul.u32 $0x500, s3  }
0x8: {  	s13 =	sshrl.u32 s10, $0x1;
	p1 =	sne.s32 @!p0 s0, $0xE;
	s3 =	smul.u32 $0x4E400, s0  }
0x9: {  	s15 =	sor.u32 $0x10, s9;
	s10 =	ssub.s32 s10, s13;
	s17 =	sadd.s32 s4, s14  }
0xa: {  	s21 =	sadd.s32 $0x20, s9;
	s26 =	sadd.s32 $0x30, s9;
	s14 =	sadd.s32 $0x40, s9  }
0xb: {  	p1 =	por p0, p1;
	s16 =	sshll.u32 s15, $0x7;
	[dreg:$0x3] =	wrdreg s17  }
0xc: {  	s20 =	sshll.u32 s15, $0x4;
	s24 =	sshll.u32 s21, $0x7;
	s25 =	sshll.u32 s21, $0x4  }
0xd: {  	s30 =	sshll.u32 s26, $0x7;
	s2 =	sshll.u32 s26, $0x4;
	s17 =	sadd.s32 $0x50, s9  }
0xe: {  	s12 =	sadd.s32 s8, s1;
	s11 =	sadd.s32 s11, s3;
	s19 =	sadd.s32 s3, s16  }
0xf: {  	s22 =	sadd.s32 s4, s20;
	s29 =	sadd.s32 s4, s25;
	s13 =	sadd.s32 s3, s30  }
0x10: {  	s16 =	sshll.u32 s14, $0x7;
	s25 =	sadd.s32 s7, s8;
	s26 =	sshrl.u32 s3, $0x3  }
0x11: {  	s1 =	sadd.s32 $0xAA00, s1;
	s7 =	simm.s32 $0x6000;
	[dreg:$0x5] =	wrdreg s22  }
0x12: {  	s8 =	simm.s32 $0x8800;
	s11 =	sshrl.u32 s11, $0x3;
	[dreg:$0x7] =	wrdreg s29  }
0x13: {  	s13 =	sshrl.u32 s13, $0x3;
	s22 =	sshll.u32 s17, $0x4;
	[dreg:$0xf] =	wrdreg s25  }
0x14: {  	s6 =	sadd.s32 s5, s26;
	[dreg:$0x10] =	wrdreg s1;
	s30 =	sadd.s32 $0xA7400, s12  }
0x15: {  	s1 =	simm.s32 $0x1;
	s12 =	simm.s32 $0x9;
	s18 =	sadd.s32 s5, s11  }
0x16: {  	s11 =	sshrl.u32 s19, $0x3;
	s15 =	sadd.s32 s5, s13;
	s13 =	sshll.u32 s14, $0x4  }
0x17: {  	s29 =	sadd.s32 $0x9C00, s6;
	[dreg:$0x12] =	wrdreg s30;
	s6 =	simm.s32 $0x7  }
0x18: {  	s14 =	simm.s32 $0xA;
	[dreg:$0x4] =	wrdreg s18;
	s23 =	sadd.s32 s5, s11  }
0x19: {  	s11 =	sadd.s32 s3, s24;
	[dreg:$0xa] =	wrdreg s15;
	s18 =	sshll.u32 s17, $0x7  }
0x1a: {  	s19 =	sadd.s32 s4, s13;
	[dreg:$0x11] =	wrdreg s29;
	s15 =	simm.s32 $0x5  }
0x1b: {  	s17 =	simm.s32 $0x6;
	[dreg:$0x6] =	wrdreg s23;
	s11 =	sshrl.u32 s11, $0x3  }
0x1c: {  	[dreg:$0xb] =	wrdreg s19;
	s20 =	sadd.s32 s3, s18;
	s23 =	sadd.s32 s4, s22  }
0x1d: {  	s18 =	sadd.s32 $0x60, s9;
	s22 =	sadd.s32 $0x90, s9;
	s19 =	simm.s32 $0xC  }
0x1e: {  	s31 =	sadd.s32 s5, s11;
	s11 =	sadd.s32 s4, s2;
	[dreg:$0xd] =	wrdreg s23  }
0x1f: {  	s13 =	sshrl.u32 s20, $0x3;
	s20 =	sadd.s32 $0x70, s9;
	[dreg:$0x8] =	wrdreg s31  }
0x20: {  	s23 =	sadd.s32 $0xA0, s9;
	[dreg:$0x9] =	wrdreg s11;
	s11 =	sadd.s32 s3, s16  }
.Ltmp0:
0x21: {  	s24 =	sadd.s32 s5, s13;
	s31 =	smax.u32 s10, $0x1;
	(pc) =	sbr.rel .LBB2_1-.Ltmp0, $4  }
0x22: {  	s10 =	simm.s32 $0x8;
	s13 =	simm.s32 $0x4;
	s16 =	simm.s32 $0xB  }
0x23: {  	s11 =	sshrl.u32 s11, $0x3;
	[dreg:$0xe] =	wrdreg s24;
	s24 =	sadd.s32 $0xB0, s9  }
0x24: {  	[dreg:$0x13] =	wrdreg s31;
	s21 =	sadd.s32 s5, s11;
	s11 =	simm.s32 $0x3  }
0x25: {  	v0 =	vimm.f32 $0.0e+00;
	v1 =	vimm.f32 $1.000000000e+00;
	[dreg:$0xc] =	wrdreg s21;
	s21 =	sadd.s32 $0x80, s9;
	s9 =	simm.s32 $0x2  }
.LBB2_32:
0x26: {  	s2 =	simm.s32 $0x0;
	s25 =	rddreg [dreg:$0xf];
	s26 =	simm.s32 $0xD  }
0x27: {  	[hbm4b:s25+s2] =	stream.linear.scatter [tilespmem:s7], [sflag:$0xD], $0x2800, $0x38;
	[tilespmem:$0xB000] =	vst v63  }
0x28: {  	_ =	swait.ge [sflag:s26], $0x2800  }
0x29: {  	[sflag:s26] =	ssyncset.done $0x0  }
0x2a: {  	s30 =	rddreg [dreg:$0x12];
	[sflag:s26] =	ssyncadd.s32 $0xFFFFD800  }
0x2b: {  	[hbm4b:s30+s2] =	stream.linear.scatter [tilespmem:s8], [sflag:$0xD], $0x2800, $0x38;
	[tilespmem:$0xB000] =	vst v63  }
0x2c: {  	_ =	swait.ge [sflag:s26], $0x2800  }
0x2d: {  	s28 =	sadd.s32 $0x1, s28;
	s31 =	rddreg [dreg:$0x13]  }
0x2e: {  	p2 =	sne.s32 s28, s31  }
.Ltmp1:
0x2f: {  	_ = 	snop;
	(pc) =	sbr.rel @!p2 .LBB2_33-.Ltmp1, $3  }
0x30: {  	_ =	sdelay $0x1  }
0x31: {  	[sflag:s26] =	ssyncset.done $0x0  }
0x32: {  	[sflag:s26] =	ssyncadd.s32 $0xFFFFD800  }
.LBB2_1:
0x33: {  	[dreg:$0x14] =	wrdreg s28;
	s25 =	simm.s32 $0x0;
	s26 =	simm.s32 $0x200  }
.LBB2_2:
0x34: {  	p2 =	sne.s32 s26, $0x9E00;
	[tilespmem:s25+$0x8870] =	vst v0  }
0x35: {  	[tilespmem:s25+$0x6000] =	vst v0  }
0x36: {  	[tilespmem:s25+$0x8800] =	vst v0  }
0x37: {  	[tilespmem:s25+$0x6010] =	vst v0  }
0x38: {  	[tilespmem:s25+$0x8810] =	vst v0  }
0x39: {  	[tilespmem:s25+$0x6020] =	vst v0  }
0x3a: {  	[tilespmem:s25+$0x8820] =	vst v0  }
0x3b: {  	[tilespmem:s25+$0x6030] =	vst v0  }
0x3c: {  	[tilespmem:s25+$0x8830] =	vst v0  }
0x3d: {  	[tilespmem:s25+$0x6040] =	vst v0  }
0x3e: {  	[tilespmem:s25+$0x8840] =	vst v0  }
.Ltmp2:
0x3f: {  	[tilespmem:s25+$0x6050] =	vst v0;
	(pc) =	sbr.rel @p2 .LBB2_2-.Ltmp2, $4  }
0x40: {  	[tilespmem:s25+$0x8850] =	vst v0  }
0x41: {  	[tilespmem:s25+$0x6060] =	vst v0  }
0x42: {  	[tilespmem:s25+$0x8860] =	vst v0  }
0x43: {  	[tilespmem:s25+$0x6070] =	vst v0;
	s25 =	sshra.s32 s26, $0x2;
	s26 =	sadd.s32 $0x200, s26  }
0x44: {  	[tilespmem:s25+$0x8870] =	vst v0  }
0x45: {  	[tilespmem:s25+$0x6000] =	vst v0  }
0x46: {  	[tilespmem:s25+$0x8800] =	vst v0  }
0x47: {  	[tilespmem:s25+$0x6010] =	vst v0  }
0x48: {  	[tilespmem:s25+$0x8810] =	vst v0  }
0x49: {  	[tilespmem:s25+$0x6020] =	vst v0  }
0x4a: {  	[tilespmem:s25+$0x8820] =	vst v0  }
0x4b: {  	[tilespmem:s25+$0x6030] =	vst v0  }
0x4c: {  	[tilespmem:s25+$0x8830] =	vst v0  }
0x4d: {  	[tilespmem:s25+$0x6040] =	vst v0  }
0x4e: {  	[tilespmem:s25+$0x8840] =	vst v0  }
0x4f: {  	[tilespmem:s25+$0x6050] =	vst v0  }
0x50: {  	[tilespmem:s25+$0x8850] =	vst v0  }
0x51: {  	[tilespmem:s25+$0x6060] =	vst v0  }
0x52: {  	[tilespmem:s25+$0x8860] =	vst v0  }
0x53: {  	[tilespmem:s25+$0x6070] =	vst v0;
	s28 =	simm.s32 $0x0;
	s2 =	rddreg [dreg:$0x3]  }
0x54: {  	[tilespmem:s28], [sflag:$0x1] =	stream.linear.gather [hbm4b:s2+s28], $0x800, $0x38;
	[tilespmem:$0xB000] =	vst v63  }
0x55: {  	s30 =	rddreg [dreg:$0x4];
	s31 =	simm.s32 $0x3000  }
0x56: {  	[tilespmem:s31], [sflag:$0x7] =	stream.linear.gather [hbm4b:s30+s28], $0x800, $0x38;
	[tilespmem:$0xB000] =	vst v63  }
0x57: {  	s26 =	rddreg [dreg:$0x5];
	s29 =	simm.s32 $0x800  }
0x58: {  	[tilespmem:s29], [sflag:$0x2] =	stream.linear.gather [hbm4b:s26+s28], $0x800, $0x38;
	[tilespmem:$0xB000] =	vst v63  }
0x59: {  	s30 =	rddreg [dreg:$0x6];
	s31 =	simm.s32 $0x3800  }
0x5a: {  	[tilespmem:s31], [sflag:$0x8] =	stream.linear.gather [hbm4b:s30+s28], $0x800, $0x38;
	[tilespmem:$0xB000] =	vst v63  }
0x5b: {  	s26 =	rddreg [dreg:$0x7];
	s29 =	simm.s32 $0x1000  }
0x5c: {  	[tilespmem:s29], [sflag:$0x3] =	stream.linear.gather [hbm4b:s26+s28], $0x800, $0x38;
	[tilespmem:$0xB000] =	vst v63  }
0x5d: {  	s30 =	rddreg [dreg:$0x8];
	s31 =	simm.s32 $0x4000  }
0x5e: {  	[tilespmem:s31], [sflag:$0x9] =	stream.linear.gather [hbm4b:s30+s28], $0x800, $0x38;
	[tilespmem:$0xB000] =	vst v63  }
0x5f: {  	s26 =	rddreg [dreg:$0x9];
	s29 =	simm.s32 $0x1800  }
0x60: {  	[tilespmem:s29], [sflag:$0x4] =	stream.linear.gather [hbm4b:s26+s28], $0x800, $0x38;
	[tilespmem:$0xB000] =	vst v63  }
0x61: {  	s30 =	rddreg [dreg:$0xa];
	s31 =	simm.s32 $0x4800  }
0x62: {  	[tilespmem:s31], [sflag:$0xA] =	stream.linear.gather [hbm4b:s30+s28], $0x800, $0x38;
	[tilespmem:$0xB000] =	vst v63  }
0x63: {  	s26 =	rddreg [dreg:$0xb];
	s29 =	simm.s32 $0x2000  }
0x64: {  	[tilespmem:s29], [sflag:$0x5] =	stream.linear.gather [hbm4b:s26+s28], $0x800, $0x38;
	[tilespmem:$0xB000] =	vst v63  }
0x65: {  	s30 =	rddreg [dreg:$0xc];
	s31 =	simm.s32 $0x5000  }
0x66: {  	[tilespmem:s31], [sflag:$0xB] =	stream.linear.gather [hbm4b:s30+s28], $0x800, $0x38;
	[tilespmem:$0xB000] =	vst v63  }
0x67: {  	s26 =	rddreg [dreg:$0xd];
	s29 =	simm.s32 $0x2800  }
0x68: {  	[tilespmem:s29], [sflag:$0x6] =	stream.linear.gather [hbm4b:s26+s28], $0x800, $0x38;
	[tilespmem:$0xB000] =	vst v63  }
0x69: {  	s30 =	rddreg [dreg:$0xe];
	s31 =	simm.s32 $0x5800  }
0x6a: {  	[tilespmem:s31], [sflag:$0xC] =	stream.linear.gather [hbm4b:s30+s28], $0x800, $0x38;
	[tilespmem:$0xB000] =	vst v63  }
.LBB2_4:
0x6b: {  	_ =	swait.ge [sflag:s1], $0x800  }
0x6c: {  	[sflag:s1] =	ssyncset.done $0x0  }
0x6d: {  	[sflag:s1] =	ssyncadd.s32 $0xFFFFF800  }
0x6e: {  	_ =	swait.ge [sflag:s6], $0x800  }
0x6f: {  	[sflag:s6] =	ssyncset.done $0x0  }
0x70: {  	s25 =	simm.s32 $0x0;
	[sflag:s6] =	ssyncadd.s32 $0xFFFFF800  }
.LBB2_5:
0x71: {  	s26 =	sshra.s32 s25, $0x2  }
0x72: {  	v2 =	vld [tilespmem:s26+$0x0];
	_ =	sdelay $0x2  }
0x73: {  	v3 =	vld [tilespmem:s26+$0x3000];
	_ =	sdelay $0x4  }
0x74: {  	[tilespmem:v2+s7+$0x0] =	vst.idx.add.f32.msk $0xffff, v3  }
0x75: {  	v2 =	vld [tilespmem:s26+$0x10];
	_ =	sdelay $0x2  }
0x76: {  	v3 =	vld [tilespmem:s26+$0x3010];
	_ =	sdelay $0x4  }
0x77: {  	[tilespmem:v2+s7+$0x0] =	vst.idx.add.f32.msk $0xffff, v3  }
0x78: {  	v2 =	vld [tilespmem:s26+$0x20];
	_ =	sdelay $0x2  }
0x79: {  	v3 =	vld [tilespmem:s26+$0x3020];
	_ =	sdelay $0x4  }
0x7a: {  	[tilespmem:v2+s7+$0x0] =	vst.idx.add.f32.msk $0xffff, v3  }
0x7b: {  	v2 =	vld [tilespmem:s26+$0x30];
	_ =	sdelay $0x2  }
0x7c: {  	v3 =	vld [tilespmem:s26+$0x3030];
	_ =	sdelay $0x4  }
0x7d: {  	[tilespmem:v2+s7+$0x0] =	vst.idx.add.f32.msk $0xffff, v3  }
0x7e: {  	v2 =	vld [tilespmem:s26+$0x40];
	_ =	sdelay $0x2  }
0x7f: {  	v3 =	vld [tilespmem:s26+$0x3040];
	_ =	sdelay $0x4  }
0x80: {  	[tilespmem:v2+s7+$0x0] =	vst.idx.add.f32.msk $0xffff, v3  }
0x81: {  	v2 =	vld [tilespmem:s26+$0x50];
	_ =	sdelay $0x2  }
0x82: {  	v3 =	vld [tilespmem:s26+$0x3050];
	_ =	sdelay $0x4  }
0x83: {  	[tilespmem:v2+s7+$0x0] =	vst.idx.add.f32.msk $0xffff, v3  }
0x84: {  	v2 =	vld [tilespmem:s26+$0x60];
	_ =	sdelay $0x2  }
0x85: {  	v3 =	vld [tilespmem:s26+$0x3060];
	_ =	sdelay $0x4  }
0x86: {  	[tilespmem:v2+s7+$0x0] =	vst.idx.add.f32.msk $0xffff, v3  }
0x87: {  	v2 =	vld [tilespmem:s26+$0x70];
	_ =	sdelay $0x2  }
0x88: {  	p2 =	sne.s32 s25, $0x1E00;
	v3 =	vld [tilespmem:s26+$0x3070]  }
.Ltmp3:
0x89: {  	_ = 	snop;
	(pc) =	sbr.rel @p2 .LBB2_5-.Ltmp3, $2  }
0x8a: {  	_ =	sdelay $0x2  }
0x8b: {  	s25 =	sadd.s32 $0x200, s25;
	[tilespmem:v2+s7+$0x0] =	vst.idx.add.f32.msk $0xffff, v3  }
0x8c: {  	s29 =	smul.u32 $0x6, s28;
	_ =	sdelay $0x1  }
0x8d: {  	s26 =	sand.u32 $0xE, s29  }
0x8e: {  	p2 =	sne.s32 s26, s0  }
.Ltmp4:
0x8f: {  	_ = 	snop;
	(pc) =	sbr.rel @p2 .LBB2_8-.Ltmp4, $2  }
0x90: {  	_ =	sdelay $0x2  }
0x91: {  	s25 =	simm.s32 $0x0  }
.LBB2_7:
0x92: {  	s30 =	sshra.s32 s25, $0x2  }
0x93: {  	v2 =	vld [tilespmem:s30+$0x0];
	_ =	sdelay $0x7  }
0x94: {  	[tilespmem:v2+s8+$0x0] =	vst.idx.add.f32.msk $0xffff, v1  }
0x95: {  	v2 =	vld [tilespmem:s30+$0x10];
	_ =	sdelay $0x7  }
0x96: {  	[tilespmem:v2+s8+$0x0] =	vst.idx.add.f32.msk $0xffff, v1  }
0x97: {  	v2 =	vld [tilespmem:s30+$0x20];
	_ =	sdelay $0x7  }
0x98: {  	[tilespmem:v2+s8+$0x0] =	vst.idx.add.f32.msk $0xffff, v1  }
0x99: {  	v2 =	vld [tilespmem:s30+$0x30];
	_ =	sdelay $0x7  }
0x9a: {  	[tilespmem:v2+s8+$0x0] =	vst.idx.add.f32.msk $0xffff, v1  }
0x9b: {  	v2 =	vld [tilespmem:s30+$0x40];
	_ =	sdelay $0x7  }
0x9c: {  	[tilespmem:v2+s8+$0x0] =	vst.idx.add.f32.msk $0xffff, v1  }
0x9d: {  	v2 =	vld [tilespmem:s30+$0x50];
	_ =	sdelay $0x7  }
0x9e: {  	[tilespmem:v2+s8+$0x0] =	vst.idx.add.f32.msk $0xffff, v1  }
0x9f: {  	v2 =	vld [tilespmem:s30+$0x60];
	_ =	sdelay $0x7  }
0xa0: {  	[tilespmem:v2+s8+$0x0] =	vst.idx.add.f32.msk $0xffff, v1  }
0xa1: {  	v2 =	vld [tilespmem:s30+$0x70];
	_ =	sdelay $0x2  }
0xa2: {  	p2 =	sne.s32 s25, $0x1E00  }
.Ltmp5:
0xa3: {  	_ = 	snop;
	(pc) =	sbr.rel @p2 .LBB2_7-.Ltmp5, $2  }
0xa4: {  	_ =	sdelay $0x2  }
0xa5: {  	s25 =	sadd.s32 $0x200, s25;
	[tilespmem:v2+s8+$0x0] =	vst.idx.add.f32.msk $0xffff, v1  }
.LBB2_8:
0xa6: {  	p2 =	seq.s32 s28, $0xC  }
0xa7: {  	s25 =	smul.u32 @!p2 $0x60, s28;
	_ =	sdelay $0x1  }
0xa8: {  	s30 =	sadd.s32 @!p2 s25, s18  }
0xa9: {  	s31 =	sshll.u32 @!p2 s30, $0x4;
	s30 =	sshll.u32 @!p2 s30, $0x7  }
0xaa: {  	s2 =	simm.s32 @!p2 $0x0;
	s31 =	sadd.s32 @!p2 s4, s31;
	s30 =	sadd.s32 @!p2 s3, s30  }
0xab: {  	[tilespmem:s2], [sflag:$0x1] =	stream.linear.gather @!p2 [hbm4b:s31+s2], $0x800, $0x38;
	[tilespmem:$0xB000] =	vst v63  }
0xac: {  	s30 =	sshrl.u32 @!p2 s30, $0x3  }
0xad: {  	s31 =	simm.s32 @!p2 $0x3000;
	s30 =	sadd.s32 @!p2 s5, s30  }
0xae: {  	[tilespmem:s31], [sflag:$0x7] =	stream.linear.gather @!p2 [hbm4b:s30+s2], $0x800, $0x38;
	[tilespmem:$0xB000] =	vst v63  }
0xaf: {  	_ =	swait.ge [sflag:s9], $0x800  }
0xb0: {  	[sflag:s9] =	ssyncset.done $0x0  }
0xb1: {  	[sflag:s9] =	ssyncadd.s32 $0xFFFFF800  }
0xb2: {  	_ =	swait.ge [sflag:s10], $0x800  }
0xb3: {  	[sflag:s10] =	ssyncset.done $0x0  }
0xb4: {  	s30 =	simm.s32 $0x0;
	[sflag:s10] =	ssyncadd.s32 $0xFFFFF800  }
.LBB2_9:
0xb5: {  	s2 =	sshra.s32 s30, $0x2  }
0xb6: {  	v2 =	vld [tilespmem:s2+$0x800];
	_ =	sdelay $0x2  }
0xb7: {  	v3 =	vld [tilespmem:s2+$0x3800];
	_ =	sdelay $0x4  }
0xb8: {  	[tilespmem:v2+s7+$0x0] =	vst.idx.add.f32.msk $0xffff, v3  }
0xb9: {  	v2 =	vld [tilespmem:s2+$0x810];
	_ =	sdelay $0x2  }
0xba: {  	v3 =	vld [tilespmem:s2+$0x3810];
	_ =	sdelay $0x4  }
0xbb: {  	[tilespmem:v2+s7+$0x0] =	vst.idx.add.f32.msk $0xffff, v3  }
0xbc: {  	v2 =	vld [tilespmem:s2+$0x820];
	_ =	sdelay $0x2  }
0xbd: {  	v3 =	vld [tilespmem:s2+$0x3820];
	_ =	sdelay $0x4  }
0xbe: {  	[tilespmem:v2+s7+$0x0] =	vst.idx.add.f32.msk $0xffff, v3  }
0xbf: {  	v2 =	vld [tilespmem:s2+$0x830];
	_ =	sdelay $0x2  }
0xc0: {  	v3 =	vld [tilespmem:s2+$0x3830];
	_ =	sdelay $0x4  }
0xc1: {  	[tilespmem:v2+s7+$0x0] =	vst.idx.add.f32.msk $0xffff, v3  }
0xc2: {  	v2 =	vld [tilespmem:s2+$0x840];
	_ =	sdelay $0x2  }
0xc3: {  	v3 =	vld [tilespmem:s2+$0x3840];
	_ =	sdelay $0x4  }
0xc4: {  	[tilespmem:v2+s7+$0x0] =	vst.idx.add.f32.msk $0xffff, v3  }
0xc5: {  	v2 =	vld [tilespmem:s2+$0x850];
	_ =	sdelay $0x2  }
0xc6: {  	v3 =	vld [tilespmem:s2+$0x3850];
	_ =	sdelay $0x4  }
0xc7: {  	[tilespmem:v2+s7+$0x0] =	vst.idx.add.f32.msk $0xffff, v3  }
0xc8: {  	v2 =	vld [tilespmem:s2+$0x860];
	_ =	sdelay $0x2  }
0xc9: {  	v3 =	vld [tilespmem:s2+$0x3860];
	_ =	sdelay $0x4  }
0xca: {  	[tilespmem:v2+s7+$0x0] =	vst.idx.add.f32.msk $0xffff, v3  }
0xcb: {  	v2 =	vld [tilespmem:s2+$0x870];
	_ =	sdelay $0x2  }
0xcc: {  	p3 =	sne.s32 s30, $0x1E00;
	v3 =	vld [tilespmem:s2+$0x3870]  }
.Ltmp6:
0xcd: {  	_ = 	snop;
	(pc) =	sbr.rel @p3 .LBB2_9-.Ltmp6, $2  }
0xce: {  	_ =	sdelay $0x2  }
0xcf: {  	s30 =	sadd.s32 $0x200, s30;
	[tilespmem:v2+s7+$0x0] =	vst.idx.add.f32.msk $0xffff, v3  }
0xd0: {  	s2 =	sor.u32 $0x1, s26  }
0xd1: {  	p3 =	sne.s32 s2, s0  }
.Ltmp7:
0xd2: {  	_ = 	snop;
	(pc) =	sbr.rel @p3 .LBB2_12-.Ltmp7, $2  }
0xd3: {  	_ =	sdelay $0x2  }
0xd4: {  	s26 =	simm.s32 $0x0  }
.LBB2_11:
0xd5: {  	s2 =	sshra.s32 s26, $0x2  }
0xd6: {  	v2 =	vld [tilespmem:s2+$0x800];
	_ =	sdelay $0x7  }
0xd7: {  	[tilespmem:v2+s8+$0x0] =	vst.idx.add.f32.msk $0xffff, v1  }
0xd8: {  	v2 =	vld [tilespmem:s2+$0x810];
	_ =	sdelay $0x7  }
0xd9: {  	[tilespmem:v2+s8+$0x0] =	vst.idx.add.f32.msk $0xffff, v1  }
0xda: {  	v2 =	vld [tilespmem:s2+$0x820];
	_ =	sdelay $0x7  }
0xdb: {  	[tilespmem:v2+s8+$0x0] =	vst.idx.add.f32.msk $0xffff, v1  }
0xdc: {  	v2 =	vld [tilespmem:s2+$0x830];
	_ =	sdelay $0x7  }
0xdd: {  	[tilespmem:v2+s8+$0x0] =	vst.idx.add.f32.msk $0xffff, v1  }
0xde: {  	v2 =	vld [tilespmem:s2+$0x840];
	_ =	sdelay $0x7  }
0xdf: {  	[tilespmem:v2+s8+$0x0] =	vst.idx.add.f32.msk $0xffff, v1  }
0xe0: {  	v2 =	vld [tilespmem:s2+$0x850];
	_ =	sdelay $0x7  }
0xe1: {  	[tilespmem:v2+s8+$0x0] =	vst.idx.add.f32.msk $0xffff, v1  }
0xe2: {  	v2 =	vld [tilespmem:s2+$0x860];
	_ =	sdelay $0x7  }
0xe3: {  	[tilespmem:v2+s8+$0x0] =	vst.idx.add.f32.msk $0xffff, v1  }
0xe4: {  	v2 =	vld [tilespmem:s2+$0x870];
	_ =	sdelay $0x2  }
0xe5: {  	p3 =	sne.s32 s26, $0x1E00  }
.Ltmp8:
0xe6: {  	_ = 	snop;
	(pc) =	sbr.rel @p3 .LBB2_11-.Ltmp8, $2  }
0xe7: {  	_ =	sdelay $0x2  }
0xe8: {  	s26 =	sadd.s32 $0x200, s26;
	[tilespmem:v2+s8+$0x0] =	vst.idx.add.f32.msk $0xffff, v1  }
.LBB2_12:
0xe9: {  	s2 =	sadd.s32 @!p2 s25, s20  }
0xea: {  	s30 =	simm.s32 @!p2 $0x0;
	s26 =	sshll.u32 @!p2 s2, $0x4;
	s2 =	sshll.u32 @!p2 s2, $0x7  }
0xeb: {  	s31 =	simm.s32 @!p2 $0x800;
	s26 =	sadd.s32 @!p2 s4, s26;
	s2 =	sadd.s32 @!p2 s3, s2  }
0xec: {  	[tilespmem:s31], [sflag:$0x2] =	stream.linear.gather @!p2 [hbm4b:s26+s30], $0x800, $0x38;
	[tilespmem:$0xB000] =	vst v63  }
0xed: {  	s2 =	sshrl.u32 @!p2 s2, $0x3  }
0xee: {  	s26 =	simm.s32 @!p2 $0x3800;
	s2 =	sadd.s32 @!p2 s5, s2  }
0xef: {  	[tilespmem:s26], [sflag:$0x8] =	stream.linear.gather @!p2 [hbm4b:s2+s30], $0x800, $0x38;
	[tilespmem:$0xB000] =	vst v63  }
0xf0: {  	_ =	swait.ge [sflag:s11], $0x800  }
0xf1: {  	[sflag:s11] =	ssyncset.done $0x0  }
0xf2: {  	[sflag:s11] =	ssyncadd.s32 $0xFFFFF800  }
0xf3: {  	_ =	swait.ge [sflag:s12], $0x800  }
0xf4: {  	[sflag:s12] =	ssyncset.done $0x0  }
0xf5: {  	s26 =	simm.s32 $0x0;
	[sflag:s12] =	ssyncadd.s32 $0xFFFFF800  }
.LBB2_13:
0xf6: {  	s2 =	sshra.s32 s26, $0x2  }
0xf7: {  	v2 =	vld [tilespmem:s2+$0x1000];
	_ =	sdelay $0x2  }
0xf8: {  	v3 =	vld [tilespmem:s2+$0x4000];
	_ =	sdelay $0x4  }
0xf9: {  	[tilespmem:v2+s7+$0x0] =	vst.idx.add.f32.msk $0xffff, v3  }
0xfa: {  	v2 =	vld [tilespmem:s2+$0x1010];
	_ =	sdelay $0x2  }
0xfb: {  	v3 =	vld [tilespmem:s2+$0x4010];
	_ =	sdelay $0x4  }
0xfc: {  	[tilespmem:v2+s7+$0x0] =	vst.idx.add.f32.msk $0xffff, v3  }
0xfd: {  	v2 =	vld [tilespmem:s2+$0x1020];
	_ =	sdelay $0x2  }
0xfe: {  	v3 =	vld [tilespmem:s2+$0x4020];
	_ =	sdelay $0x4  }
0xff: {  	[tilespmem:v2+s7+$0x0] =	vst.idx.add.f32.msk $0xffff, v3  }
0x100: {  	v2 =	vld [tilespmem:s2+$0x1030];
	_ =	sdelay $0x2  }
0x101: {  	v3 =	vld [tilespmem:s2+$0x4030];
	_ =	sdelay $0x4  }
0x102: {  	[tilespmem:v2+s7+$0x0] =	vst.idx.add.f32.msk $0xffff, v3  }
0x103: {  	v2 =	vld [tilespmem:s2+$0x1040];
	_ =	sdelay $0x2  }
0x104: {  	v3 =	vld [tilespmem:s2+$0x4040];
	_ =	sdelay $0x4  }
0x105: {  	[tilespmem:v2+s7+$0x0] =	vst.idx.add.f32.msk $0xffff, v3  }
0x106: {  	v2 =	vld [tilespmem:s2+$0x1050];
	_ =	sdelay $0x2  }
0x107: {  	v3 =	vld [tilespmem:s2+$0x4050];
	_ =	sdelay $0x4  }
0x108: {  	[tilespmem:v2+s7+$0x0] =	vst.idx.add.f32.msk $0xffff, v3  }
0x109: {  	v2 =	vld [tilespmem:s2+$0x1060];
	_ =	sdelay $0x2  }
0x10a: {  	v3 =	vld [tilespmem:s2+$0x4060];
	_ =	sdelay $0x4  }
0x10b: {  	[tilespmem:v2+s7+$0x0] =	vst.idx.add.f32.msk $0xffff, v3  }
0x10c: {  	v2 =	vld [tilespmem:s2+$0x1070];
	_ =	sdelay $0x2  }
0x10d: {  	p3 =	sne.s32 s26, $0x1E00;
	v3 =	vld [tilespmem:s2+$0x4070]  }
.Ltmp9:
0x10e: {  	_ = 	snop;
	(pc) =	sbr.rel @p3 .LBB2_13-.Ltmp9, $2  }
0x10f: {  	_ =	sdelay $0x2  }
0x110: {  	s26 =	sadd.s32 $0x200, s26;
	[tilespmem:v2+s7+$0x0] =	vst.idx.add.f32.msk $0xffff, v3  }
0x111: {  	s2 =	sadd.s32 $0x2, s29  }
0x112: {  	s2 =	sand.u32 $0xE, s2  }
0x113: {  	p3 =	sne.s32 s2, s0  }
.Ltmp10:
0x114: {  	_ = 	snop;
	(pc) =	sbr.rel @p3 .LBB2_16-.Ltmp10, $2  }
0x115: {  	_ =	sdelay $0x2  }
0x116: {  	s26 =	simm.s32 $0x0  }
.LBB2_15:
0x117: {  	s2 =	sshra.s32 s26, $0x2  }
0x118: {  	v2 =	vld [tilespmem:s2+$0x1000];
	_ =	sdelay $0x7  }
0x119: {  	[tilespmem:v2+s8+$0x0] =	vst.idx.add.f32.msk $0xffff, v1  }
0x11a: {  	v2 =	vld [tilespmem:s2+$0x1010];
	_ =	sdelay $0x7  }
0x11b: {  	[tilespmem:v2+s8+$0x0] =	vst.idx.add.f32.msk $0xffff, v1  }
0x11c: {  	v2 =	vld [tilespmem:s2+$0x1020];
	_ =	sdelay $0x7  }
0x11d: {  	[tilespmem:v2+s8+$0x0] =	vst.idx.add.f32.msk $0xffff, v1  }
0x11e: {  	v2 =	vld [tilespmem:s2+$0x1030];
	_ =	sdelay $0x7  }
0x11f: {  	[tilespmem:v2+s8+$0x0] =	vst.idx.add.f32.msk $0xffff, v1  }
0x120: {  	v2 =	vld [tilespmem:s2+$0x1040];
	_ =	sdelay $0x7  }
0x121: {  	[tilespmem:v2+s8+$0x0] =	vst.idx.add.f32.msk $0xffff, v1  }
0x122: {  	v2 =	vld [tilespmem:s2+$0x1050];
	_ =	sdelay $0x7  }
0x123: {  	[tilespmem:v2+s8+$0x0] =	vst.idx.add.f32.msk $0xffff, v1  }
0x124: {  	v2 =	vld [tilespmem:s2+$0x1060];
	_ =	sdelay $0x7  }
0x125: {  	[tilespmem:v2+s8+$0x0] =	vst.idx.add.f32.msk $0xffff, v1  }
0x126: {  	v2 =	vld [tilespmem:s2+$0x1070];
	_ =	sdelay $0x2  }
0x127: {  	p3 =	sne.s32 s26, $0x1E00  }
.Ltmp11:
0x128: {  	_ = 	snop;
	(pc) =	sbr.rel @p3 .LBB2_15-.Ltmp11, $2  }
0x129: {  	_ =	sdelay $0x2  }
0x12a: {  	s26 =	sadd.s32 $0x200, s26;
	[tilespmem:v2+s8+$0x0] =	vst.idx.add.f32.msk $0xffff, v1  }
.LBB2_16:
0x12b: {  	s2 =	sadd.s32 @!p2 s25, s21  }
0x12c: {  	s30 =	simm.s32 @!p2 $0x0;
	s26 =	sshll.u32 @!p2 s2, $0x4;
	s2 =	sshll.u32 @!p2 s2, $0x7  }
0x12d: {  	s31 =	simm.s32 @!p2 $0x1000;
	s26 =	sadd.s32 @!p2 s4, s26;
	s2 =	sadd.s32 @!p2 s3, s2  }
0x12e: {  	[tilespmem:s31], [sflag:$0x3] =	stream.linear.gather @!p2 [hbm4b:s26+s30], $0x800, $0x38;
	[tilespmem:$0xB000] =	vst v63  }
0x12f: {  	s2 =	sshrl.u32 @!p2 s2, $0x3  }
0x130: {  	s26 =	simm.s32 @!p2 $0x4000;
	s2 =	sadd.s32 @!p2 s5, s2  }
0x131: {  	[tilespmem:s26], [sflag:$0x9] =	stream.linear.gather @!p2 [hbm4b:s2+s30], $0x800, $0x38;
	[tilespmem:$0xB000] =	vst v63  }
0x132: {  	_ =	swait.ge [sflag:s13], $0x800  }
0x133: {  	[sflag:s13] =	ssyncset.done $0x0  }
0x134: {  	[sflag:s13] =	ssyncadd.s32 $0xFFFFF800  }
0x135: {  	_ =	swait.ge [sflag:s14], $0x800  }
0x136: {  	[sflag:s14] =	ssyncset.done $0x0  }
0x137: {  	s26 =	simm.s32 $0x0;
	[sflag:s14] =	ssyncadd.s32 $0xFFFFF800  }
.LBB2_17:
0x138: {  	s2 =	sshra.s32 s26, $0x2  }
0x139: {  	v2 =	vld [tilespmem:s2+$0x1800];
	_ =	sdelay $0x2  }
0x13a: {  	v3 =	vld [tilespmem:s2+$0x4800];
	_ =	sdelay $0x4  }
0x13b: {  	[tilespmem:v2+s7+$0x0] =	vst.idx.add.f32.msk $0xffff, v3  }
0x13c: {  	v2 =	vld [tilespmem:s2+$0x1810];
	_ =	sdelay $0x2  }
0x13d: {  	v3 =	vld [tilespmem:s2+$0x4810];
	_ =	sdelay $0x4  }
0x13e: {  	[tilespmem:v2+s7+$0x0] =	vst.idx.add.f32.msk $0xffff, v3  }
0x13f: {  	v2 =	vld [tilespmem:s2+$0x1820];
	_ =	sdelay $0x2  }
0x140: {  	v3 =	vld [tilespmem:s2+$0x4820];
	_ =	sdelay $0x4  }
0x141: {  	[tilespmem:v2+s7+$0x0] =	vst.idx.add.f32.msk $0xffff, v3  }
0x142: {  	v2 =	vld [tilespmem:s2+$0x1830];
	_ =	sdelay $0x2  }
0x143: {  	v3 =	vld [tilespmem:s2+$0x4830];
	_ =	sdelay $0x4  }
0x144: {  	[tilespmem:v2+s7+$0x0] =	vst.idx.add.f32.msk $0xffff, v3  }
0x145: {  	v2 =	vld [tilespmem:s2+$0x1840];
	_ =	sdelay $0x2  }
0x146: {  	v3 =	vld [tilespmem:s2+$0x4840];
	_ =	sdelay $0x4  }
0x147: {  	[tilespmem:v2+s7+$0x0] =	vst.idx.add.f32.msk $0xffff, v3  }
0x148: {  	v2 =	vld [tilespmem:s2+$0x1850];
	_ =	sdelay $0x2  }
0x149: {  	v3 =	vld [tilespmem:s2+$0x4850];
	_ =	sdelay $0x4  }
0x14a: {  	[tilespmem:v2+s7+$0x0] =	vst.idx.add.f32.msk $0xffff, v3  }
0x14b: {  	v2 =	vld [tilespmem:s2+$0x1860];
	_ =	sdelay $0x2  }
0x14c: {  	v3 =	vld [tilespmem:s2+$0x4860];
	_ =	sdelay $0x4  }
0x14d: {  	[tilespmem:v2+s7+$0x0] =	vst.idx.add.f32.msk $0xffff, v3  }
0x14e: {  	v2 =	vld [tilespmem:s2+$0x1870];
	_ =	sdelay $0x2  }
0x14f: {  	p3 =	sne.s32 s26, $0x1E00;
	v3 =	vld [tilespmem:s2+$0x4870]  }
.Ltmp12:
0x150: {  	_ = 	snop;
	(pc) =	sbr.rel @p3 .LBB2_17-.Ltmp12, $2  }
0x151: {  	_ =	sdelay $0x2  }
0x152: {  	s26 =	sadd.s32 $0x200, s26;
	[tilespmem:v2+s7+$0x0] =	vst.idx.add.f32.msk $0xffff, v3  }
0x153: {  	s2 =	sadd.s32 $0x3, s29  }
0x154: {  	s2 =	sand.u32 $0xF, s2  }
0x155: {  	p3 =	sne.s32 s2, s0  }
.Ltmp13:
0x156: {  	_ = 	snop;
	(pc) =	sbr.rel @p3 .LBB2_20-.Ltmp13, $2  }
0x157: {  	_ =	sdelay $0x2  }
0x158: {  	s26 =	simm.s32 $0x0  }
.LBB2_19:
0x159: {  	s2 =	sshra.s32 s26, $0x2  }
0x15a: {  	v2 =	vld [tilespmem:s2+$0x1800];
	_ =	sdelay $0x7  }
0x15b: {  	[tilespmem:v2+s8+$0x0] =	vst.idx.add.f32.msk $0xffff, v1  }
0x15c: {  	v2 =	vld [tilespmem:s2+$0x1810];
	_ =	sdelay $0x7  }
0x15d: {  	[tilespmem:v2+s8+$0x0] =	vst.idx.add.f32.msk $0xffff, v1  }
0x15e: {  	v2 =	vld [tilespmem:s2+$0x1820];
	_ =	sdelay $0x7  }
0x15f: {  	[tilespmem:v2+s8+$0x0] =	vst.idx.add.f32.msk $0xffff, v1  }
0x160: {  	v2 =	vld [tilespmem:s2+$0x1830];
	_ =	sdelay $0x7  }
0x161: {  	[tilespmem:v2+s8+$0x0] =	vst.idx.add.f32.msk $0xffff, v1  }
0x162: {  	v2 =	vld [tilespmem:s2+$0x1840];
	_ =	sdelay $0x7  }
0x163: {  	[tilespmem:v2+s8+$0x0] =	vst.idx.add.f32.msk $0xffff, v1  }
0x164: {  	v2 =	vld [tilespmem:s2+$0x1850];
	_ =	sdelay $0x7  }
0x165: {  	[tilespmem:v2+s8+$0x0] =	vst.idx.add.f32.msk $0xffff, v1  }
0x166: {  	v2 =	vld [tilespmem:s2+$0x1860];
	_ =	sdelay $0x7  }
0x167: {  	[tilespmem:v2+s8+$0x0] =	vst.idx.add.f32.msk $0xffff, v1  }
0x168: {  	v2 =	vld [tilespmem:s2+$0x1870];
	_ =	sdelay $0x2  }
0x169: {  	p3 =	sne.s32 s26, $0x1E00  }
.Ltmp14:
0x16a: {  	_ = 	snop;
	(pc) =	sbr.rel @p3 .LBB2_19-.Ltmp14, $2  }
0x16b: {  	_ =	sdelay $0x2  }
0x16c: {  	s26 =	sadd.s32 $0x200, s26;
	[tilespmem:v2+s8+$0x0] =	vst.idx.add.f32.msk $0xffff, v1  }
.LBB2_20:
0x16d: {  	s2 =	sadd.s32 @!p2 s25, s22  }
0x16e: {  	s30 =	simm.s32 @!p2 $0x0;
	s26 =	sshll.u32 @!p2 s2, $0x4;
	s2 =	sshll.u32 @!p2 s2, $0x7  }
0x16f: {  	s31 =	simm.s32 @!p2 $0x1800;
	s26 =	sadd.s32 @!p2 s4, s26;
	s2 =	sadd.s32 @!p2 s3, s2  }
0x170: {  	[tilespmem:s31], [sflag:$0x4] =	stream.linear.gather @!p2 [hbm4b:s26+s30], $0x800, $0x38;
	[tilespmem:$0xB000] =	vst v63  }
0x171: {  	s2 =	sshrl.u32 @!p2 s2, $0x3  }
0x172: {  	s26 =	simm.s32 @!p2 $0x4800;
	s2 =	sadd.s32 @!p2 s5, s2  }
0x173: {  	[tilespmem:s26], [sflag:$0xA] =	stream.linear.gather @!p2 [hbm4b:s2+s30], $0x800, $0x38;
	[tilespmem:$0xB000] =	vst v63  }
0x174: {  	_ =	swait.ge [sflag:s15], $0x800  }
0x175: {  	[sflag:s15] =	ssyncset.done $0x0  }
0x176: {  	[sflag:s15] =	ssyncadd.s32 $0xFFFFF800  }
0x177: {  	_ =	swait.ge [sflag:s16], $0x800  }
0x178: {  	[sflag:s16] =	ssyncset.done $0x0  }
0x179: {  	s26 =	simm.s32 $0x0;
	[sflag:s16] =	ssyncadd.s32 $0xFFFFF800  }
.LBB2_21:
0x17a: {  	s2 =	sshra.s32 s26, $0x2  }
0x17b: {  	v2 =	vld [tilespmem:s2+$0x2000];
	_ =	sdelay $0x2  }
0x17c: {  	v3 =	vld [tilespmem:s2+$0x5000];
	_ =	sdelay $0x4  }
0x17d: {  	[tilespmem:v2+s7+$0x0] =	vst.idx.add.f32.msk $0xffff, v3  }
0x17e: {  	v2 =	vld [tilespmem:s2+$0x2010];
	_ =	sdelay $0x2  }
0x17f: {  	v3 =	vld [tilespmem:s2+$0x5010];
	_ =	sdelay $0x4  }
0x180: {  	[tilespmem:v2+s7+$0x0] =	vst.idx.add.f32.msk $0xffff, v3  }
0x181: {  	v2 =	vld [tilespmem:s2+$0x2020];
	_ =	sdelay $0x2  }
0x182: {  	v3 =	vld [tilespmem:s2+$0x5020];
	_ =	sdelay $0x4  }
0x183: {  	[tilespmem:v2+s7+$0x0] =	vst.idx.add.f32.msk $0xffff, v3  }
0x184: {  	v2 =	vld [tilespmem:s2+$0x2030];
	_ =	sdelay $0x2  }
0x185: {  	v3 =	vld [tilespmem:s2+$0x5030];
	_ =	sdelay $0x4  }
0x186: {  	[tilespmem:v2+s7+$0x0] =	vst.idx.add.f32.msk $0xffff, v3  }
0x187: {  	v2 =	vld [tilespmem:s2+$0x2040];
	_ =	sdelay $0x2  }
0x188: {  	v3 =	vld [tilespmem:s2+$0x5040];
	_ =	sdelay $0x4  }
0x189: {  	[tilespmem:v2+s7+$0x0] =	vst.idx.add.f32.msk $0xffff, v3  }
0x18a: {  	v2 =	vld [tilespmem:s2+$0x2050];
	_ =	sdelay $0x2  }
0x18b: {  	v3 =	vld [tilespmem:s2+$0x5050];
	_ =	sdelay $0x4  }
0x18c: {  	[tilespmem:v2+s7+$0x0] =	vst.idx.add.f32.msk $0xffff, v3  }
0x18d: {  	v2 =	vld [tilespmem:s2+$0x2060];
	_ =	sdelay $0x2  }
0x18e: {  	v3 =	vld [tilespmem:s2+$0x5060];
	_ =	sdelay $0x4  }
0x18f: {  	[tilespmem:v2+s7+$0x0] =	vst.idx.add.f32.msk $0xffff, v3  }
0x190: {  	v2 =	vld [tilespmem:s2+$0x2070];
	_ =	sdelay $0x2  }
0x191: {  	p3 =	sne.s32 s26, $0x1E00;
	v3 =	vld [tilespmem:s2+$0x5070]  }
.Ltmp15:
0x192: {  	_ = 	snop;
	(pc) =	sbr.rel @p3 .LBB2_21-.Ltmp15, $2  }
0x193: {  	_ =	sdelay $0x2  }
0x194: {  	s26 =	sadd.s32 $0x200, s26;
	[tilespmem:v2+s7+$0x0] =	vst.idx.add.f32.msk $0xffff, v3  }
0x195: {  	s2 =	sadd.s32 $0x4, s29  }
0x196: {  	s2 =	sand.u32 $0xE, s2  }
0x197: {  	p3 =	sne.s32 s2, s0  }
.Ltmp16:
0x198: {  	_ = 	snop;
	(pc) =	sbr.rel @p3 .LBB2_24-.Ltmp16, $2  }
0x199: {  	_ =	sdelay $0x2  }
0x19a: {  	s26 =	simm.s32 $0x0  }
.LBB2_23:
0x19b: {  	s2 =	sshra.s32 s26, $0x2  }
0x19c: {  	v2 =	vld [tilespmem:s2+$0x2000];
	_ =	sdelay $0x7  }
0x19d: {  	[tilespmem:v2+s8+$0x0] =	vst.idx.add.f32.msk $0xffff, v1  }
0x19e: {  	v2 =	vld [tilespmem:s2+$0x2010];
	_ =	sdelay $0x7  }
0x19f: {  	[tilespmem:v2+s8+$0x0] =	vst.idx.add.f32.msk $0xffff, v1  }
0x1a0: {  	v2 =	vld [tilespmem:s2+$0x2020];
	_ =	sdelay $0x7  }
0x1a1: {  	[tilespmem:v2+s8+$0x0] =	vst.idx.add.f32.msk $0xffff, v1  }
0x1a2: {  	v2 =	vld [tilespmem:s2+$0x2030];
	_ =	sdelay $0x7  }
0x1a3: {  	[tilespmem:v2+s8+$0x0] =	vst.idx.add.f32.msk $0xffff, v1  }
0x1a4: {  	v2 =	vld [tilespmem:s2+$0x2040];
	_ =	sdelay $0x7  }
0x1a5: {  	[tilespmem:v2+s8+$0x0] =	vst.idx.add.f32.msk $0xffff, v1  }
0x1a6: {  	v2 =	vld [tilespmem:s2+$0x2050];
	_ =	sdelay $0x7  }
0x1a7: {  	[tilespmem:v2+s8+$0x0] =	vst.idx.add.f32.msk $0xffff, v1  }
0x1a8: {  	v2 =	vld [tilespmem:s2+$0x2060];
	_ =	sdelay $0x7  }
0x1a9: {  	[tilespmem:v2+s8+$0x0] =	vst.idx.add.f32.msk $0xffff, v1  }
0x1aa: {  	v2 =	vld [tilespmem:s2+$0x2070];
	_ =	sdelay $0x2  }
0x1ab: {  	p3 =	sne.s32 s26, $0x1E00  }
.Ltmp17:
0x1ac: {  	_ = 	snop;
	(pc) =	sbr.rel @p3 .LBB2_23-.Ltmp17, $2  }
0x1ad: {  	_ =	sdelay $0x2  }
0x1ae: {  	s26 =	sadd.s32 $0x200, s26;
	[tilespmem:v2+s8+$0x0] =	vst.idx.add.f32.msk $0xffff, v1  }
.LBB2_24:
0x1af: {  	s2 =	sadd.s32 @!p2 s25, s23  }
0x1b0: {  	s26 =	simm.s32 @!p2 $0x0;
	s25 =	sshll.u32 @!p2 s2, $0x4;
	s2 =	sshll.u32 @!p2 s2, $0x7  }
0x1b1: {  	s30 =	simm.s32 @!p2 $0x2000;
	s25 =	sadd.s32 @!p2 s4, s25;
	s2 =	sadd.s32 @!p2 s3, s2  }
0x1b2: {  	[tilespmem:s30], [sflag:$0x5] =	stream.linear.gather @!p2 [hbm4b:s25+s26], $0x800, $0x38;
	[tilespmem:$0xB000] =	vst v63  }
0x1b3: {  	s2 =	sshrl.u32 @!p2 s2, $0x3  }
0x1b4: {  	s25 =	simm.s32 @!p2 $0x5000;
	s2 =	sadd.s32 @!p2 s5, s2  }
0x1b5: {  	[tilespmem:s25], [sflag:$0xB] =	stream.linear.gather @!p2 [hbm4b:s2+s26], $0x800, $0x38;
	[tilespmem:$0xB000] =	vst v63  }
0x1b6: {  	_ =	swait.ge [sflag:s17], $0x800  }
0x1b7: {  	[sflag:s17] =	ssyncset.done $0x0  }
0x1b8: {  	[sflag:s17] =	ssyncadd.s32 $0xFFFFF800  }
0x1b9: {  	_ =	swait.ge [sflag:s19], $0x800  }
0x1ba: {  	[sflag:s19] =	ssyncset.done $0x0  }
0x1bb: {  	s25 =	simm.s32 $0x0;
	[sflag:s19] =	ssyncadd.s32 $0xFFFFF800  }
.LBB2_25:
0x1bc: {  	s2 =	sshra.s32 s25, $0x2  }
0x1bd: {  	v2 =	vld [tilespmem:s2+$0x2800];
	_ =	sdelay $0x2  }
0x1be: {  	v3 =	vld [tilespmem:s2+$0x5800];
	_ =	sdelay $0x4  }
0x1bf: {  	[tilespmem:v2+s7+$0x0] =	vst.idx.add.f32.msk $0xffff, v3  }
0x1c0: {  	v2 =	vld [tilespmem:s2+$0x2810];
	_ =	sdelay $0x2  }
0x1c1: {  	v3 =	vld [tilespmem:s2+$0x5810];
	_ =	sdelay $0x4  }
0x1c2: {  	[tilespmem:v2+s7+$0x0] =	vst.idx.add.f32.msk $0xffff, v3  }
0x1c3: {  	v2 =	vld [tilespmem:s2+$0x2820];
	_ =	sdelay $0x2  }
0x1c4: {  	v3 =	vld [tilespmem:s2+$0x5820];
	_ =	sdelay $0x4  }
0x1c5: {  	[tilespmem:v2+s7+$0x0] =	vst.idx.add.f32.msk $0xffff, v3  }
0x1c6: {  	v2 =	vld [tilespmem:s2+$0x2830];
	_ =	sdelay $0x2  }
0x1c7: {  	v3 =	vld [tilespmem:s2+$0x5830];
	_ =	sdelay $0x4  }
0x1c8: {  	[tilespmem:v2+s7+$0x0] =	vst.idx.add.f32.msk $0xffff, v3  }
0x1c9: {  	v2 =	vld [tilespmem:s2+$0x2840];
	_ =	sdelay $0x2  }
0x1ca: {  	v3 =	vld [tilespmem:s2+$0x5840];
	_ =	sdelay $0x4  }
0x1cb: {  	[tilespmem:v2+s7+$0x0] =	vst.idx.add.f32.msk $0xffff, v3  }
0x1cc: {  	v2 =	vld [tilespmem:s2+$0x2850];
	_ =	sdelay $0x2  }
0x1cd: {  	v3 =	vld [tilespmem:s2+$0x5850];
	_ =	sdelay $0x4  }
0x1ce: {  	[tilespmem:v2+s7+$0x0] =	vst.idx.add.f32.msk $0xffff, v3  }
0x1cf: {  	v2 =	vld [tilespmem:s2+$0x2860];
	_ =	sdelay $0x2  }
0x1d0: {  	v3 =	vld [tilespmem:s2+$0x5860];
	_ =	sdelay $0x4  }
0x1d1: {  	[tilespmem:v2+s7+$0x0] =	vst.idx.add.f32.msk $0xffff, v3  }
0x1d2: {  	v2 =	vld [tilespmem:s2+$0x2870];
	_ =	sdelay $0x2  }
0x1d3: {  	p3 =	sne.s32 s25, $0x1E00;
	v3 =	vld [tilespmem:s2+$0x5870]  }
.Ltmp18:
0x1d4: {  	_ = 	snop;
	(pc) =	sbr.rel @p3 .LBB2_25-.Ltmp18, $2  }
0x1d5: {  	_ =	sdelay $0x2  }
0x1d6: {  	s25 =	sadd.s32 $0x200, s25;
	[tilespmem:v2+s7+$0x0] =	vst.idx.add.f32.msk $0xffff, v3  }
0x1d7: {  	s2 =	sadd.s32 $0x5, s29  }
0x1d8: {  	s2 =	sand.u32 $0xF, s2  }
0x1d9: {  	p3 =	sne.s32 s2, s0  }
.Ltmp19:
0x1da: {  	_ = 	snop;
	(pc) =	sbr.rel @p3 .LBB2_28-.Ltmp19, $2  }
0x1db: {  	_ =	sdelay $0x2  }
0x1dc: {  	s25 =	simm.s32 $0x0  }
.LBB2_27:
0x1dd: {  	s2 =	sshra.s32 s25, $0x2  }
0x1de: {  	v2 =	vld [tilespmem:s2+$0x2800];
	_ =	sdelay $0x7  }
0x1df: {  	[tilespmem:v2+s8+$0x0] =	vst.idx.add.f32.msk $0xffff, v1  }
0x1e0: {  	v2 =	vld [tilespmem:s2+$0x2810];
	_ =	sdelay $0x7  }
0x1e1: {  	[tilespmem:v2+s8+$0x0] =	vst.idx.add.f32.msk $0xffff, v1  }
0x1e2: {  	v2 =	vld [tilespmem:s2+$0x2820];
	_ =	sdelay $0x7  }
0x1e3: {  	[tilespmem:v2+s8+$0x0] =	vst.idx.add.f32.msk $0xffff, v1  }
0x1e4: {  	v2 =	vld [tilespmem:s2+$0x2830];
	_ =	sdelay $0x7  }
0x1e5: {  	[tilespmem:v2+s8+$0x0] =	vst.idx.add.f32.msk $0xffff, v1  }
0x1e6: {  	v2 =	vld [tilespmem:s2+$0x2840];
	_ =	sdelay $0x7  }
0x1e7: {  	[tilespmem:v2+s8+$0x0] =	vst.idx.add.f32.msk $0xffff, v1  }
0x1e8: {  	v2 =	vld [tilespmem:s2+$0x2850];
	_ =	sdelay $0x7  }
0x1e9: {  	[tilespmem:v2+s8+$0x0] =	vst.idx.add.f32.msk $0xffff, v1  }
0x1ea: {  	v2 =	vld [tilespmem:s2+$0x2860];
	_ =	sdelay $0x7  }
0x1eb: {  	[tilespmem:v2+s8+$0x0] =	vst.idx.add.f32.msk $0xffff, v1  }
0x1ec: {  	v2 =	vld [tilespmem:s2+$0x2870];
	_ =	sdelay $0x2  }
0x1ed: {  	p3 =	sne.s32 s25, $0x1E00  }
.Ltmp20:
0x1ee: {  	_ = 	snop;
	(pc) =	sbr.rel @p3 .LBB2_27-.Ltmp20, $2  }
0x1ef: {  	_ =	sdelay $0x2  }
0x1f0: {  	s25 =	sadd.s32 $0x200, s25;
	[tilespmem:v2+s8+$0x0] =	vst.idx.add.f32.msk $0xffff, v1  }
.LBB2_28:
.Ltmp21:
0x1f1: {  	(pc) =	sbr.rel @p2 .LBB2_30-.Ltmp21, $1  }
0x1f2: {  	_ =	sdelay $0x3  }
0x1f3: {  	s2 =	smul.u32 $0x60, s28;
	_ =	sdelay $0x1  }
0x1f4: {  	s26 =	simm.s32 $0x0;
	s2 =	sadd.s32 s2, s24  }
0x1f5: {  	s29 =	simm.s32 $0x2800;
	s25 =	sshll.u32 s2, $0x4;
	s2 =	sshll.u32 s2, $0x7  }
.Ltmp22:
0x1f6: {  	s25 =	sadd.s32 s4, s25;
	s2 =	sadd.s32 s3, s2;
	(pc) =	sbr.rel .LBB2_4-.Ltmp22, $4  }
0x1f7: {  	[tilespmem:s29], [sflag:$0x6] =	stream.linear.gather [hbm4b:s25+s26], $0x800, $0x38;
	[tilespmem:$0xB000] =	vst v63  }
0x1f8: {  	s2 =	sshrl.u32 s2, $0x3  }
0x1f9: {  	s31 =	simm.s32 $0x5800;
	s28 =	sadd.s32 $0x1, s28;
	s2 =	sadd.s32 s5, s2  }
0x1fa: {  	[tilespmem:s31], [sflag:$0xC] =	stream.linear.gather [hbm4b:s2+s26], $0x800, $0x38;
	[tilespmem:$0xB000] =	vst v63  }
.LBB2_30:
0x1fb: {  	s2 =	simm.s32 @!p0 $0x0;
	s25 =	rddreg [dreg:$0x10]  }
0x1fc: {  	[tilespmem:s2], [sflag:$0xD] =	stream.linear.gather @!p0 [hbm4b:s25+s2], $0x200, $0x38;
	[tilespmem:$0xB000] =	vst v63  }
0x1fd: {  	s25 =	simm.s32 @!p0 $0xD  }
0x1fe: {  	_ =	swait.ge @!p0 [sflag:s25], $0x200  }
0x1ff: {  	[sflag:s25] =	ssyncset.done @!p0 $0x0  }
0x200: {  	s26 =	simm.s32 @!p0 $0x3000;
	s28 =	rddreg [dreg:$0x11];
	[sflag:s25] =	ssyncadd.s32 @!p0 $0xFFFFFE00  }
0x201: {  	[tilespmem:s26], [sflag:$0xD] =	stream.linear.gather @!p0 [hbm4b:s28+s2], $0x200, $0x38;
	[tilespmem:$0xB000] =	vst v63  }
0x202: {  	_ =	swait.ge @!p0 [sflag:s25], $0x200  }
0x203: {  	[sflag:s25] =	ssyncset.done @!p0 $0x0  }
0x204: {  	[sflag:s25] =	ssyncadd.s32 @!p0 $0xFFFFFE00  }
0x205: {  	v2 =	vld @!p0 [tilespmem:$0x0];
	_ =	sdelay $0x2  }
0x206: {  	v3 =	vld @!p0 [tilespmem:$0x3000];
	_ =	sdelay $0x3  }
0x207: {  	s25 =	simm.s32 @!p0 $0x6000  }
0x208: {  	[tilespmem:v2+s25+$0x0] =	vst.idx.add.f32.msk @!p0 $0xffff, v3  }
0x209: {  	v2 =	vld @!p0 [tilespmem:$0x10];
	_ =	sdelay $0x2  }
0x20a: {  	v3 =	vld @!p0 [tilespmem:$0x3010];
	_ =	sdelay $0x4  }
0x20b: {  	[tilespmem:v2+s25+$0x0] =	vst.idx.add.f32.msk @!p0 $0xffff, v3  }
0x20c: {  	v2 =	vld @!p0 [tilespmem:$0x20];
	_ =	sdelay $0x2  }
0x20d: {  	v3 =	vld @!p0 [tilespmem:$0x3020];
	_ =	sdelay $0x4  }
0x20e: {  	[tilespmem:v2+s25+$0x0] =	vst.idx.add.f32.msk @!p0 $0xffff, v3  }
0x20f: {  	v2 =	vld @!p0 [tilespmem:$0x30];
	_ =	sdelay $0x2  }
0x210: {  	v3 =	vld @!p0 [tilespmem:$0x3030];
	_ =	sdelay $0x4  }
0x211: {  	[tilespmem:v2+s25+$0x0] =	vst.idx.add.f32.msk @!p0 $0xffff, v3  }
0x212: {  	v2 =	vld @!p0 [tilespmem:$0x40];
	_ =	sdelay $0x2  }
0x213: {  	v3 =	vld @!p0 [tilespmem:$0x3040];
	_ =	sdelay $0x4  }
0x214: {  	[tilespmem:v2+s25+$0x0] =	vst.idx.add.f32.msk @!p0 $0xffff, v3  }
0x215: {  	v2 =	vld @!p0 [tilespmem:$0x50];
	_ =	sdelay $0x2  }
0x216: {  	v3 =	vld @!p0 [tilespmem:$0x3050];
	_ =	sdelay $0x4  }
0x217: {  	[tilespmem:v2+s25+$0x0] =	vst.idx.add.f32.msk @!p0 $0xffff, v3  }
0x218: {  	v2 =	vld @!p0 [tilespmem:$0x60];
	_ =	sdelay $0x2  }
0x219: {  	v3 =	vld @!p0 [tilespmem:$0x3060];
	_ =	sdelay $0x4  }
0x21a: {  	[tilespmem:v2+s25+$0x0] =	vst.idx.add.f32.msk @!p0 $0xffff, v3  }
0x21b: {  	v2 =	vld @!p0 [tilespmem:$0x70];
	_ =	sdelay $0x2  }
0x21c: {  	v3 =	vld @!p0 [tilespmem:$0x3070];
	_ =	sdelay $0x4  }
0x21d: {  	[tilespmem:v2+s25+$0x0] =	vst.idx.add.f32.msk @!p0 $0xffff, v3  }
0x21e: {  	v2 =	vld @!p0 [tilespmem:$0x80];
	_ =	sdelay $0x2  }
0x21f: {  	v3 =	vld @!p0 [tilespmem:$0x3080];
	_ =	sdelay $0x4  }
0x220: {  	[tilespmem:v2+s25+$0x0] =	vst.idx.add.f32.msk @!p0 $0xffff, v3  }
0x221: {  	v2 =	vld @!p0 [tilespmem:$0x90];
	_ =	sdelay $0x2  }
0x222: {  	v3 =	vld @!p0 [tilespmem:$0x3090];
	_ =	sdelay $0x4  }
0x223: {  	[tilespmem:v2+s25+$0x0] =	vst.idx.add.f32.msk @!p0 $0xffff, v3  }
0x224: {  	v2 =	vld @!p0 [tilespmem:$0xA0];
	_ =	sdelay $0x2  }
0x225: {  	v3 =	vld @!p0 [tilespmem:$0x30A0];
	_ =	sdelay $0x4  }
0x226: {  	[tilespmem:v2+s25+$0x0] =	vst.idx.add.f32.msk @!p0 $0xffff, v3  }
0x227: {  	v2 =	vld @!p0 [tilespmem:$0xB0];
	_ =	sdelay $0x2  }
0x228: {  	v3 =	vld @!p0 [tilespmem:$0x30B0];
	_ =	sdelay $0x4  }
0x229: {  	[tilespmem:v2+s25+$0x0] =	vst.idx.add.f32.msk @!p0 $0xffff, v3  }
0x22a: {  	v2 =	vld @!p0 [tilespmem:$0xC0];
	_ =	sdelay $0x2  }
0x22b: {  	v3 =	vld @!p0 [tilespmem:$0x30C0];
	_ =	sdelay $0x4  }
0x22c: {  	[tilespmem:v2+s25+$0x0] =	vst.idx.add.f32.msk @!p0 $0xffff, v3  }
0x22d: {  	v2 =	vld @!p0 [tilespmem:$0xD0];
	_ =	sdelay $0x2  }
0x22e: {  	v3 =	vld @!p0 [tilespmem:$0x30D0];
	_ =	sdelay $0x4  }
0x22f: {  	[tilespmem:v2+s25+$0x0] =	vst.idx.add.f32.msk @!p0 $0xffff, v3  }
0x230: {  	v2 =	vld @!p0 [tilespmem:$0xE0];
	_ =	sdelay $0x2  }
0x231: {  	v3 =	vld @!p0 [tilespmem:$0x30E0];
	_ =	sdelay $0x4  }
0x232: {  	[tilespmem:v2+s25+$0x0] =	vst.idx.add.f32.msk @!p0 $0xffff, v3  }
0x233: {  	v2 =	vld @!p0 [tilespmem:$0xF0];
	_ =	sdelay $0x2  }
0x234: {  	v3 =	vld @!p0 [tilespmem:$0x30F0];
	_ =	sdelay $0x4  }
0x235: {  	[tilespmem:v2+s25+$0x0] =	vst.idx.add.f32.msk @!p0 $0xffff, v3  }
0x236: {  	v2 =	vld @!p0 [tilespmem:$0x100];
	_ =	sdelay $0x2  }
0x237: {  	v3 =	vld @!p0 [tilespmem:$0x3100];
	_ =	sdelay $0x4  }
0x238: {  	[tilespmem:v2+s25+$0x0] =	vst.idx.add.f32.msk @!p0 $0xffff, v3  }
0x239: {  	v2 =	vld @!p0 [tilespmem:$0x110];
	_ =	sdelay $0x2  }
0x23a: {  	v3 =	vld @!p0 [tilespmem:$0x3110];
	_ =	sdelay $0x4  }
0x23b: {  	[tilespmem:v2+s25+$0x0] =	vst.idx.add.f32.msk @!p0 $0xffff, v3  }
0x23c: {  	v2 =	vld @!p0 [tilespmem:$0x120];
	_ =	sdelay $0x2  }
0x23d: {  	v3 =	vld @!p0 [tilespmem:$0x3120];
	_ =	sdelay $0x4  }
0x23e: {  	[tilespmem:v2+s25+$0x0] =	vst.idx.add.f32.msk @!p0 $0xffff, v3  }
0x23f: {  	v2 =	vld @!p0 [tilespmem:$0x130];
	_ =	sdelay $0x2  }
0x240: {  	v3 =	vld @!p0 [tilespmem:$0x3130];
	_ =	sdelay $0x4  }
0x241: {  	[tilespmem:v2+s25+$0x0] =	vst.idx.add.f32.msk @!p0 $0xffff, v3  }
0x242: {  	v2 =	vld @!p0 [tilespmem:$0x140];
	_ =	sdelay $0x2  }
0x243: {  	v3 =	vld @!p0 [tilespmem:$0x3140];
	_ =	sdelay $0x4  }
0x244: {  	[tilespmem:v2+s25+$0x0] =	vst.idx.add.f32.msk @!p0 $0xffff, v3  }
0x245: {  	v2 =	vld @!p0 [tilespmem:$0x150];
	_ =	sdelay $0x2  }
0x246: {  	v3 =	vld @!p0 [tilespmem:$0x3150];
	_ =	sdelay $0x4  }
0x247: {  	[tilespmem:v2+s25+$0x0] =	vst.idx.add.f32.msk @!p0 $0xffff, v3  }
0x248: {  	v2 =	vld @!p0 [tilespmem:$0x160];
	_ =	sdelay $0x2  }
0x249: {  	v3 =	vld @!p0 [tilespmem:$0x3160];
	_ =	sdelay $0x4  }
0x24a: {  	[tilespmem:v2+s25+$0x0] =	vst.idx.add.f32.msk @!p0 $0xffff, v3  }
0x24b: {  	v2 =	vld @!p0 [tilespmem:$0x170];
	_ =	sdelay $0x2  }
0x24c: {  	v3 =	vld @!p0 [tilespmem:$0x3170];
	_ =	sdelay $0x4  }
0x24d: {  	[tilespmem:v2+s25+$0x0] =	vst.idx.add.f32.msk @!p0 $0xffff, v3  }
0x24e: {  	v2 =	vld @!p0 [tilespmem:$0x180];
	_ =	sdelay $0x2  }
0x24f: {  	v3 =	vld @!p0 [tilespmem:$0x3180];
	_ =	sdelay $0x4  }
0x250: {  	[tilespmem:v2+s25+$0x0] =	vst.idx.add.f32.msk @!p0 $0xffff, v3  }
0x251: {  	v2 =	vld @!p0 [tilespmem:$0x190];
	_ =	sdelay $0x2  }
0x252: {  	v3 =	vld @!p0 [tilespmem:$0x3190];
	_ =	sdelay $0x4  }
0x253: {  	[tilespmem:v2+s25+$0x0] =	vst.idx.add.f32.msk @!p0 $0xffff, v3  }
0x254: {  	v2 =	vld @!p0 [tilespmem:$0x1A0];
	_ =	sdelay $0x2  }
0x255: {  	v3 =	vld @!p0 [tilespmem:$0x31A0];
	_ =	sdelay $0x4  }
0x256: {  	[tilespmem:v2+s25+$0x0] =	vst.idx.add.f32.msk @!p0 $0xffff, v3  }
0x257: {  	v2 =	vld @!p0 [tilespmem:$0x1B0];
	_ =	sdelay $0x2  }
0x258: {  	v3 =	vld @!p0 [tilespmem:$0x31B0];
	_ =	sdelay $0x4  }
0x259: {  	[tilespmem:v2+s25+$0x0] =	vst.idx.add.f32.msk @!p0 $0xffff, v3  }
0x25a: {  	v2 =	vld @!p0 [tilespmem:$0x1C0];
	_ =	sdelay $0x2  }
0x25b: {  	v3 =	vld @!p0 [tilespmem:$0x31C0];
	_ =	sdelay $0x4  }
0x25c: {  	[tilespmem:v2+s25+$0x0] =	vst.idx.add.f32.msk @!p0 $0xffff, v3  }
0x25d: {  	v2 =	vld @!p0 [tilespmem:$0x1D0];
	_ =	sdelay $0x2  }
0x25e: {  	v3 =	vld @!p0 [tilespmem:$0x31D0];
	_ =	sdelay $0x4  }
0x25f: {  	[tilespmem:v2+s25+$0x0] =	vst.idx.add.f32.msk @!p0 $0xffff, v3  }
0x260: {  	v2 =	vld @!p0 [tilespmem:$0x1E0];
	_ =	sdelay $0x2  }
0x261: {  	v3 =	vld @!p0 [tilespmem:$0x31E0];
	_ =	sdelay $0x4  }
0x262: {  	[tilespmem:v2+s25+$0x0] =	vst.idx.add.f32.msk @!p0 $0xffff, v3  }
0x263: {  	v2 =	vld @!p0 [tilespmem:$0x1F0];
	_ =	sdelay $0x2  }
0x264: {  	v3 =	vld @!p0 [tilespmem:$0x31F0]  }
.Ltmp23:
0x265: {  	_ = 	snop;
	(pc) =	sbr.rel @p1 .LBB2_32-.Ltmp23, $2  }
0x266: {  	_ =	sdelay $0x2  }
0x267: {  	s28 =	rddreg [dreg:$0x14];
	[tilespmem:v2+s25+$0x0] =	vst.idx.add.f32.msk @!p0 $0xffff, v3  }
0x268: {  	v2 =	vld [tilespmem:$0x0];
	_ =	sdelay $0x7  }
0x269: {  	[tilespmem:v2+s8+$0x0] =	vst.idx.add.f32.msk $0xffff, v1  }
0x26a: {  	v2 =	vld [tilespmem:$0x10];
	_ =	sdelay $0x7  }
0x26b: {  	[tilespmem:v2+s8+$0x0] =	vst.idx.add.f32.msk $0xffff, v1  }
0x26c: {  	v2 =	vld [tilespmem:$0x20];
	_ =	sdelay $0x7  }
0x26d: {  	[tilespmem:v2+s8+$0x0] =	vst.idx.add.f32.msk $0xffff, v1  }
0x26e: {  	v2 =	vld [tilespmem:$0x30];
	_ =	sdelay $0x7  }
0x26f: {  	[tilespmem:v2+s8+$0x0] =	vst.idx.add.f32.msk $0xffff, v1  }
0x270: {  	v2 =	vld [tilespmem:$0x40];
	_ =	sdelay $0x7  }
0x271: {  	[tilespmem:v2+s8+$0x0] =	vst.idx.add.f32.msk $0xffff, v1  }
0x272: {  	v2 =	vld [tilespmem:$0x50];
	_ =	sdelay $0x7  }
0x273: {  	[tilespmem:v2+s8+$0x0] =	vst.idx.add.f32.msk $0xffff, v1  }
0x274: {  	v2 =	vld [tilespmem:$0x60];
	_ =	sdelay $0x7  }
0x275: {  	[tilespmem:v2+s8+$0x0] =	vst.idx.add.f32.msk $0xffff, v1  }
0x276: {  	v2 =	vld [tilespmem:$0x70];
	_ =	sdelay $0x7  }
0x277: {  	[tilespmem:v2+s8+$0x0] =	vst.idx.add.f32.msk $0xffff, v1  }
0x278: {  	v2 =	vld [tilespmem:$0x80];
	_ =	sdelay $0x7  }
0x279: {  	[tilespmem:v2+s8+$0x0] =	vst.idx.add.f32.msk $0xffff, v1  }
0x27a: {  	v2 =	vld [tilespmem:$0x90];
	_ =	sdelay $0x7  }
0x27b: {  	[tilespmem:v2+s8+$0x0] =	vst.idx.add.f32.msk $0xffff, v1  }
0x27c: {  	v2 =	vld [tilespmem:$0xA0];
	_ =	sdelay $0x7  }
0x27d: {  	[tilespmem:v2+s8+$0x0] =	vst.idx.add.f32.msk $0xffff, v1  }
0x27e: {  	v2 =	vld [tilespmem:$0xB0];
	_ =	sdelay $0x7  }
0x27f: {  	[tilespmem:v2+s8+$0x0] =	vst.idx.add.f32.msk $0xffff, v1  }
0x280: {  	v2 =	vld [tilespmem:$0xC0];
	_ =	sdelay $0x7  }
0x281: {  	[tilespmem:v2+s8+$0x0] =	vst.idx.add.f32.msk $0xffff, v1  }
0x282: {  	v2 =	vld [tilespmem:$0xD0];
	_ =	sdelay $0x7  }
0x283: {  	[tilespmem:v2+s8+$0x0] =	vst.idx.add.f32.msk $0xffff, v1  }
0x284: {  	v2 =	vld [tilespmem:$0xE0];
	_ =	sdelay $0x7  }
0x285: {  	[tilespmem:v2+s8+$0x0] =	vst.idx.add.f32.msk $0xffff, v1  }
0x286: {  	v2 =	vld [tilespmem:$0xF0];
	_ =	sdelay $0x7  }
0x287: {  	[tilespmem:v2+s8+$0x0] =	vst.idx.add.f32.msk $0xffff, v1  }
0x288: {  	v2 =	vld [tilespmem:$0x100];
	_ =	sdelay $0x7  }
0x289: {  	[tilespmem:v2+s8+$0x0] =	vst.idx.add.f32.msk $0xffff, v1  }
0x28a: {  	v2 =	vld [tilespmem:$0x110];
	_ =	sdelay $0x7  }
0x28b: {  	[tilespmem:v2+s8+$0x0] =	vst.idx.add.f32.msk $0xffff, v1  }
0x28c: {  	v2 =	vld [tilespmem:$0x120];
	_ =	sdelay $0x7  }
0x28d: {  	[tilespmem:v2+s8+$0x0] =	vst.idx.add.f32.msk $0xffff, v1  }
0x28e: {  	v2 =	vld [tilespmem:$0x130];
	_ =	sdelay $0x7  }
0x28f: {  	[tilespmem:v2+s8+$0x0] =	vst.idx.add.f32.msk $0xffff, v1  }
0x290: {  	v2 =	vld [tilespmem:$0x140];
	_ =	sdelay $0x7  }
0x291: {  	[tilespmem:v2+s8+$0x0] =	vst.idx.add.f32.msk $0xffff, v1  }
0x292: {  	v2 =	vld [tilespmem:$0x150];
	_ =	sdelay $0x7  }
0x293: {  	[tilespmem:v2+s8+$0x0] =	vst.idx.add.f32.msk $0xffff, v1  }
0x294: {  	v2 =	vld [tilespmem:$0x160];
	_ =	sdelay $0x7  }
0x295: {  	[tilespmem:v2+s8+$0x0] =	vst.idx.add.f32.msk $0xffff, v1  }
0x296: {  	v2 =	vld [tilespmem:$0x170];
	_ =	sdelay $0x7  }
0x297: {  	[tilespmem:v2+s8+$0x0] =	vst.idx.add.f32.msk $0xffff, v1  }
0x298: {  	v2 =	vld [tilespmem:$0x180];
	_ =	sdelay $0x7  }
0x299: {  	[tilespmem:v2+s8+$0x0] =	vst.idx.add.f32.msk $0xffff, v1  }
0x29a: {  	v2 =	vld [tilespmem:$0x190];
	_ =	sdelay $0x7  }
0x29b: {  	[tilespmem:v2+s8+$0x0] =	vst.idx.add.f32.msk $0xffff, v1  }
0x29c: {  	v2 =	vld [tilespmem:$0x1A0];
	_ =	sdelay $0x7  }
0x29d: {  	[tilespmem:v2+s8+$0x0] =	vst.idx.add.f32.msk $0xffff, v1  }
0x29e: {  	v2 =	vld [tilespmem:$0x1B0];
	_ =	sdelay $0x7  }
0x29f: {  	[tilespmem:v2+s8+$0x0] =	vst.idx.add.f32.msk $0xffff, v1  }
0x2a0: {  	v2 =	vld [tilespmem:$0x1C0];
	_ =	sdelay $0x7  }
0x2a1: {  	[tilespmem:v2+s8+$0x0] =	vst.idx.add.f32.msk $0xffff, v1  }
0x2a2: {  	v2 =	vld [tilespmem:$0x1D0];
	_ =	sdelay $0x7  }
0x2a3: {  	[tilespmem:v2+s8+$0x0] =	vst.idx.add.f32.msk $0xffff, v1  }
0x2a4: {  	v2 =	vld [tilespmem:$0x1E0];
	_ =	sdelay $0x7  }
0x2a5: {  	[tilespmem:v2+s8+$0x0] =	vst.idx.add.f32.msk $0xffff, v1  }
0x2a6: {  	v2 =	vld [tilespmem:$0x1F0];
	_ =	sdelay $0x3  }
.Ltmp24:
0x2a7: {  	_ = 	snop;
	(pc) =	sbr.rel .LBB2_32-.Ltmp24, $2  }
0x2a8: {  	_ =	sdelay $0x2  }
0x2a9: {  	[tilespmem:v2+s8+$0x0] =	vst.idx.add.f32.msk $0xffff, v1  }
.LBB2_33:
0x2aa: {  	_ =	sfence.sel $0x180000  }
0x2ab: {  	[bflag:$0x0] =	sbarrier.arrive $0xFFFF  }
0x2ac: {  	_ =	strace $0x90000047  }
0x2ad: {  	[bflag:$0x2] =	sbarrier.arrive $0xFFFF  }
0x2ae: {  	p0 =	sne.s32 s0, $0x0;
	s0 =	rddreg [dreg:$0x2]  }
0x2af: {  	s0 =	sadd.s32 @!p0 $0x100000, s0  }
0x2b0: {  	[sflag:s0] =	ssyncadd.tile.s32 @!p0 $0x1;
	_ =	shalt  }
.Lfunc_end2:
_tile_overlayer_lowered:
.L_overlay_start_2:
0x2b1: {  	(tag) =	ssettag $0x2  }
0x2b2: {  	s0 =	rddreg [dreg:$0x0];
	s2 =	stileid.u32  }
0x2b3: {  	s1 =	rddreg [dreg:$0x1];
	p0 =	sne.s32 s2, $0x0  }
0x2b4: {  	s3 =	rddreg [dreg:$0x2];
	[bflag:$0x3] =	sbarrier.arrive $0xFFFF;
	s2 =	simm.s32 @!p0 $0x1C0D  }
0x2b5: {  	[timem:s3], [sflag:s2] =	dma.local @!p0 [hbm:s0], s1  }
0x2b6: {  	s0 =	simm.s32 @!p0 $0xD  }
0x2b7: {  	_ =	swait.ge @!p0 [sflag:s0], s1  }
0x2b8: {  	s1 =	ssub.s32 @!p0 $0x0, s1;
	[sflag:s0] =	ssyncset.done @!p0 $0x0  }
0x2b9: {  	[sflag:s0] =	ssyncadd.s32 @!p0 s1  }
0x2ba: {  	[bflag:$0x3] =	sbarrier.arrive $0xFFFF  }
0x2bb: {  	_ =	shalt  }

</sc_bundles>
